<compile_context>
chip_gen: v7x
topology: tpu7x:2x2x1
jax: 0.10.2.dev20260603
libtpu: 0.0.44.dev20260713+nightly
codegen_flags: <defaults>
</compile_context>

<pallas_src>
import functools
import jax
import jax.numpy as jnp
from jax import lax
from jax.experimental import pallas as pl
from jax.experimental.pallas import tpu as pltpu
from jax.experimental.pallas import tpu_sc as plsc

N = 10000
M = 160000
K = 32
RADIUS_MAX = 4.0

NC = 2
NS = 16
NW = NC * NS


_MBLK = 640
_NBLK = M // _MBLK
_CHW = 16


_NPAD = 10240
_NSTRIPE = _NPAD // NS


def _member_body(gidx_hbm, lm_hbm, px_hbm, py_hbm, zeros_hbm, out_hbm,
                 gv, lv, xv, yv, ix, vals, shared):
    cid = lax.axis_index("c")
    sid = lax.axis_index("s")
    wid = sid * NC + cid

    pltpu.sync_copy(zeros_hbm.at[pl.ds(sid * _NSTRIPE, _NSTRIPE)],
                    shared.at[pl.ds(sid * _NSTRIPE, _NSTRIPE)])
    plsc.subcore_barrier()

    pltpu.sync_copy(zeros_hbm.at[pl.ds(0, 16)], vals)

    lanes = lax.iota(jnp.int32, 16)
    zf = jnp.zeros((16,), jnp.float32)

    def blk_body(bi, carry):
        b = wid + bi * NW

        @pl.when(b < _NBLK)
        def _():
            base = b * _MBLK
            pltpu.sync_copy(gidx_hbm.at[pl.ds(base, _MBLK)], gv)
            pltpu.sync_copy(lm_hbm.at[pl.ds(base, _MBLK)], lv)
            pltpu.sync_copy(px_hbm.at[pl.ds(base, _MBLK)], xv)
            pltpu.sync_copy(py_hbm.at[pl.ds(base, _MBLK)], yv)

            def chunk_body(j, c2):
                sl = pl.ds(j * 16, 16)
                g = gv[sl]
                w = jnp.exp(lv[sl])
                wx = w * xv[sl]
                wy = w * yv[sl]
                ix[...] = g
                for r in range(16):
                    hit = lanes == r
                    vals[r, pl.ds(0, 16)] = jnp.where(hit, w, zf)
                    vals[r, pl.ds(16, 16)] = jnp.where(hit, wx, zf)
                    vals[r, pl.ds(32, 16)] = jnp.where(hit, wy, zf)
                pltpu.sync_copy(vals, shared.at[ix], add=True)
                return c2
            lax.fori_loop(0, _MBLK // 16, chunk_body, 0)
        return carry

    lax.fori_loop(0, (_NBLK + NW - 1) // NW, blk_body, 0)
    plsc.subcore_barrier()
    pltpu.sync_copy(shared.at[pl.ds(sid * _NSTRIPE, _NSTRIPE)],
                    out_hbm.at[pl.ds(cid * _NPAD + sid * _NSTRIPE, _NSTRIPE)])


def _member_segsum(gidx, lm, px, py):
    mesh = plsc.VectorSubcoreMesh(core_axis_name="c", subcore_axis_name="s")
    zeros = jnp.zeros((_NPAD, 128), jnp.float32)
    kern = functools.partial(
        pl.kernel, mesh=mesh,
        out_type=jax.ShapeDtypeStruct((NC * _NPAD, 128), jnp.float32),
        scratch_types=[
            pltpu.VMEM((_MBLK,), jnp.int32),
            pltpu.VMEM((_MBLK,), jnp.float32),
            pltpu.VMEM((_MBLK,), jnp.float32),
            pltpu.VMEM((_MBLK,), jnp.float32),
            pltpu.VMEM((16,), jnp.int32),
            pltpu.VMEM((16, 128), jnp.float32),
            pltpu.VMEM_SHARED((_NPAD, 128), jnp.float32),
        ],
    )(_member_body)
    return kern(gidx, lm, px, py, zeros)



_GBLK = 80


def _gather_body(table_hbm, idx_hbm, out_hbm, idx_v, rows_v, sem):
    wid = lax.axis_index("s") * NC + lax.axis_index("c")
    per_w = (N * K) // NW

    def body(i, carry):
        base = wid * per_w + i * _GBLK
        pltpu.sync_copy(idx_hbm.at[pl.ds(base, _GBLK)], idx_v)
        pltpu.async_copy(table_hbm.at[idx_v], rows_v, sem).wait()
        pltpu.sync_copy(rows_v, out_hbm.at[pl.ds(base, _GBLK)])
        return carry
    lax.fori_loop(0, per_w // _GBLK, body, 0)


def _gather_rows(table, idx):
    d = table.shape[1]
    mesh = plsc.VectorSubcoreMesh(core_axis_name="c", subcore_axis_name="s")
    kern = functools.partial(
        pl.kernel, mesh=mesh,
        out_type=jax.ShapeDtypeStruct((N * K, d), jnp.float32),
        scratch_types=[
            pltpu.VMEM((_GBLK,), jnp.int32),
            pltpu.VMEM((_GBLK, d), jnp.float32),
            pltpu.SemaphoreType.DMA,
        ],
    )(_gather_body)
    return kern(table, idx)



_GR = 80


_WB = 1024
_W = 4096
_WPAD = 13312


def _graph_kernel(s_ref, pos_ref, bat_ref, pt0, pt1, pt2, pt3,
                  bf0, bf1, bf2, bf3, nb_ref, val_ref):
    p = pos_ref[...]
    pt = jnp.concatenate([pt0[...], pt1[...], pt2[...], pt3[...]], axis=1)
    bf = jnp.concatenate([bf0[...], bf1[...], bf2[...], bf3[...]], axis=1)
    sq_r = jnp.sum(p * p, axis=1)
    sq_c = jnp.sum(pt * pt, axis=0)
    cross = jax.lax.dot_general(p, pt, (((1,), (0,)), ((), ())),
                                preferred_element_type=jnp.float32)
    d2 = sq_r[:, None] + sq_c[None, :] - 2.0 * cross
    same = bat_ref[...] == bf
    score = jnp.where(same & (d2 <= 1.0), d2, jnp.inf)
    cols = lax.broadcasted_iota(jnp.int32, (_GR, _W), 1)
    base = s_ref[pl.program_id(0)] * _WB
    big = jnp.int32(2 ** 30)

    def sel(k, carry):
        sc, nb, vl = carry
        m = jnp.min(sc, axis=1)
        hit = sc == m[:, None]
        idx = jnp.min(jnp.where(hit, cols, big), axis=1)
        kcol = lax.broadcasted_iota(jnp.int32, (_GR, K), 1) == k
        ok = jnp.isfinite(m)
        idx_safe = jnp.where(ok, idx + base, 0)
        nb = jnp.where(kcol, idx_safe[:, None], nb)
        vl = jnp.where(kcol, ok[:, None].astype(jnp.float32), vl)
        sc = jnp.where(cols == idx[:, None], jnp.inf, sc)
        return sc, nb, vl

    nb0 = jnp.zeros((_GR, K), jnp.int32)
    vl0 = jnp.zeros((_GR, K), jnp.float32)
    _, nb, vl = lax.fori_loop(0, K, sel, (score, nb0, vl0))
    nb_ref[...] = nb
    val_ref[...] = vl


def _graph(pos, batch):
    grid = (N // _GR,)
    b2 = batch.reshape(N // _GR, _GR)
    first = jnp.searchsorted(batch, b2[:, 0], side='left').astype(jnp.int32)
    s = jnp.clip(first // _WB, 0, (_WPAD - _W) // _WB)
    post = jnp.concatenate(
        [pos.T, jnp.full((2, _WPAD - N), 1e6, jnp.float32)], axis=1)
    batf = jnp.concatenate(
        [batch.reshape(1, N), jnp.full((1, _WPAD - N), -1, jnp.int32)], axis=1)
    pspec = [pl.BlockSpec((2, _WB), (lambda o: (lambda i, s: (0, s[i] + o)))(o))
             for o in range(4)]
    bspec = [pl.BlockSpec((1, _WB), (lambda o: (lambda i, s: (0, s[i] + o)))(o))
             for o in range(4)]
    return pl.pallas_call(
        _graph_kernel,
        grid_spec=pltpu.PrefetchScalarGridSpec(
            num_scalar_prefetch=1,
            grid=grid,
            in_specs=[
                pl.BlockSpec((_GR, 2), lambda i, s: (i, 0)),
                pl.BlockSpec((_GR, 1), lambda i, s: (i, 0)),
            ] + pspec + bspec,
            out_specs=[
                pl.BlockSpec((_GR, K), lambda i, s: (i, 0)),
                pl.BlockSpec((_GR, K), lambda i, s: (i, 0)),
            ],
        ),
        out_shape=[
            jax.ShapeDtypeStruct((N, K), jnp.int32),
            jax.ShapeDtypeStruct((N, K), jnp.float32),
        ],
    )(s, pos, batch.reshape(N, 1), post, post, post, post,
      batf, batf, batf, batf)



_TN = 200


def _pre_kernel(x_ref, pos_ref, part_ref, wx_ref, wp_ref, b_ref,
                u_ref, q_ref, c_ref):
    part = part_ref[...]
    den = jnp.sum(part[:, 0:16] + part[:, 128:144], axis=1) + 1e-30
    nx = jnp.sum(part[:, 16:32] + part[:, 144:160], axis=1)
    ny = jnp.sum(part[:, 32:48] + part[:, 160:176], axis=1)
    c_ref[...] = jnp.stack([nx / den, ny / den], axis=1)
    pos = pos_ref[...]
    q = jax.lax.dot_general(pos, wp_ref[...], (((1,), (0,)), ((), ())),
                            preferred_element_type=jnp.float32)
    u = jax.lax.dot_general(x_ref[...], wx_ref[...], (((1,), (0,)), ((), ())),
                            preferred_element_type=jnp.float32)
    q_ref[...] = q
    u_ref[...] = u + q + b_ref[...]


def _pre(x, pos, partials, wx, wp, b):
    fh = wx.shape[1]
    grid = (N // _TN,)
    return pl.pallas_call(
        _pre_kernel,
        grid=grid,
        in_specs=[
            pl.BlockSpec((_TN, 256), lambda i: (i, 0)),
            pl.BlockSpec((_TN, 2), lambda i: (i, 0)),
            pl.BlockSpec((_TN, 2 * 128), lambda i: (i, 0)),
            pl.BlockSpec((256, fh), lambda i: (0, 0)),
            pl.BlockSpec((2, fh), lambda i: (0, 0)),
            pl.BlockSpec((1, fh), lambda i: (0, 0)),
        ],
        out_specs=[
            pl.BlockSpec((_TN, fh), lambda i: (i, 0)),
            pl.BlockSpec((_TN, fh), lambda i: (i, 0)),
            pl.BlockSpec((_TN, 2), lambda i: (i, 0)),
        ],
        out_shape=[
            jax.ShapeDtypeStruct((N, fh), jnp.float32),
            jax.ShapeDtypeStruct((N, fh), jnp.float32),
            jax.ShapeDtypeStruct((N, 2), jnp.float32),
        ],
    )(x, pos, partials, wx, wp, b)



def _dot(a, b):
    return jax.lax.dot_general(a, b, (((1,), (0,)), ((), ())),
                               preferred_element_type=jnp.float32)


def _edge_and_node(us_ref, q_ref, x_ref, val_ref,
                   wf2_ref, bf2_ref, wg1_ref, bg1_ref, wg2_ref, bg2_ref):
    fh = q_ref.shape[1]
    fo = wf2_ref.shape[1]
    us = us_ref[...]
    q = q_ref[...]
    h = jax.nn.relu(us - q[:, None, :]).reshape(_TN * K, fh)
    h2 = jax.nn.relu(_dot(h, wf2_ref[...]) + bf2_ref[...])
    h3 = h2.reshape(_TN, K, fo) * val_ref[...][:, :, None]
    agg = jnp.sum(h3, axis=1)
    x = x_ref[...]
    xd = x.shape[1]
    g1 = jax.nn.relu(_dot(x, wg1_ref[:xd, :]) + _dot(agg, wg1_ref[xd:, :])
                     + bg1_ref[...])
    return _dot(g1, wg2_ref[...]) + bg2_ref[...]


def _mid_layer_kernel(us_ref, q_ref, x_ref, pos_ref, val_ref,
                      wf2_ref, bf2_ref, wg1_ref, bg1_ref, wg2_ref, bg2_ref,
                      wxn_ref, wpn_ref, bn_ref,
                      xo_ref, un_ref, qn_ref):
    xo = _edge_and_node(us_ref, q_ref, x_ref, val_ref,
                        wf2_ref, bf2_ref, wg1_ref, bg1_ref, wg2_ref, bg2_ref)
    xo_ref[...] = xo
    qn = _dot(pos_ref[...], wpn_ref[...])
    qn_ref[...] = qn
    un_ref[...] = _dot(xo, wxn_ref[...]) + qn + bn_ref[...]


def _last_layer_kernel(us_ref, q_ref, x_ref, val_ref, luv_ref, tinv_ref,
                       wf2_ref, bf2_ref, wg1_ref, bg1_ref, wg2_ref, bg2_ref,
                       lzp_ref, logit_ref):
    xo = _edge_and_node(us_ref, q_ref, x_ref, val_ref,
                        wf2_ref, bf2_ref, wg1_ref, bg1_ref, wg2_ref, bg2_ref)
    logit = 8.8 * jnp.tanh(xo)
    logit_ref[...] = logit
    z = (logit + luv_ref[...]) * tinv_ref[...]
    lzp_ref[...] = jax.nn.log_sigmoid(z)


def _full(r, c):
    return pl.BlockSpec((r, c), lambda i: (0, 0))


def _rows(c):
    return pl.BlockSpec((_TN, c), lambda i: (i, 0))


def _mid_layer(us, q, x, pos, valid, wf2, bf2, wg1, bg1, wg2, bg2,
               wxn, wpn, bn):
    fh = q.shape[1]
    fo = wf2.shape[1]
    gh = wg1.shape[1]
    go = wg2.shape[1]
    fhn = wxn.shape[1]
    xd = x.shape[1]
    grid = (N // _TN,)
    return pl.pallas_call(
        _mid_layer_kernel,
        grid=grid,
        in_specs=[
            pl.BlockSpec((_TN, K, fh), lambda i: (i, 0, 0)),
            _rows(fh), _rows(xd), _rows(2), _rows(K),
            _full(fh, fo), _full(1, fo),
            _full(xd + fo, gh), _full(1, gh),
            _full(gh, go), _full(1, go),
            _full(go, fhn), _full(2, fhn), _full(1, fhn),
        ],
        out_specs=[_rows(go), _rows(fhn), _rows(fhn)],
        out_shape=[
            jax.ShapeDtypeStruct((N, go), jnp.float32),
            jax.ShapeDtypeStruct((N, fhn), jnp.float32),
            jax.ShapeDtypeStruct((N, fhn), jnp.float32),
        ],
    )(us, q, x, pos, valid, wf2, bf2, wg1, bg1, wg2, bg2, wxn, wpn, bn)


def _last_layer(us, q, x, valid, luv, tinv, wf2, bf2, wg1, bg1, wg2, bg2):
    fh = q.shape[1]
    fo = wf2.shape[1]
    gh = wg1.shape[1]
    xd = x.shape[1]
    grid = (N // _TN,)
    return pl.pallas_call(
        _last_layer_kernel,
        grid=grid,
        in_specs=[
            pl.BlockSpec((_TN, K, fh), lambda i: (i, 0, 0)),
            _rows(fh), _rows(xd), _rows(K), _rows(1), _full(1, 1),
            _full(fh, fo), _full(1, fo),
            _full(xd + fo, gh), _full(1, gh),
            _full(gh, 1), _full(1, 1),
        ],
        out_specs=[_rows(1), _rows(1)],
        out_shape=[
            jax.ShapeDtypeStruct((N, 1), jnp.float32),
            jax.ShapeDtypeStruct((N, 1), jnp.float32),
        ],
    )(us, q, x, valid, luv, tinv, wf2, bf2, wg1, bg1, wg2, bg2)



def kernel(glimpse__feature, glimpse__center, glimpse__batch,
           glimpse_member__local_pos, glimpse_member__log_mask,
           glimpse_member__glimpse_index, temperature,
           w1f1, b1f1, w1f2, b1f2, w1g1, b1g1, w1g2, b1g2,
           w2f1, b2f1, w2f2, b2f2, w2g1, b2g1, w2g2, b2g2,
           w3f1, b3f1, w3f2, b3f2, w3g1, b3g1, w3g2, b3g2,
           zp_w, zp_b):
    x = glimpse__feature
    pos = glimpse__center / RADIUS_MAX
    batch = glimpse__batch.astype(jnp.int32)

    gidx = glimpse_member__glimpse_index.astype(jnp.int32)
    lm = glimpse_member__log_mask.reshape(M)
    px = glimpse_member__local_pos[:, 0]
    py = glimpse_member__local_pos[:, 1]
    partials = _member_segsum(gidx, lm, px, py)
    partials = partials.reshape(NC, _NPAD, 128)[:, :N, :]
    partials = partials.transpose(1, 0, 2).reshape(N, 256)

    nb, valid = _graph(pos, batch)
    nbflat = nb.reshape(N * K)

    u1, q1, center = _pre(x, pos, partials,
                          w1f1[:256, :], w1f1[256:, :], b1f1.reshape(1, -1))

    us1 = _gather_rows(u1, nbflat).reshape(N, K, -1)
    x1, u2, q2 = _mid_layer(us1, q1, x, pos, valid,
                            w1f2, b1f2.reshape(1, -1),
                            w1g1, b1g1.reshape(1, -1),
                            w1g2, b1g2.reshape(1, -1),
                            w2f1[:64, :], w2f1[64:, :], b2f1.reshape(1, -1))

    u2p = jnp.pad(u2, ((0, 0), (0, 128 - u2.shape[1])))
    us2 = _gather_rows(u2p, nbflat)[:, :u2.shape[1]].reshape(N, K, -1)
    x2, u3, q3 = _mid_layer(us2, q2, x1, pos, valid,
                            w2f2, b2f2.reshape(1, -1),
                            w2g1, b2g1.reshape(1, -1),
                            w2g2, b2g2.reshape(1, -1),
                            w3f1[:32, :], w3f1[32:, :], b3f1.reshape(1, -1))

    u3p = jnp.pad(u3, ((0, 0), (0, 128 - u3.shape[1])))
    us3 = _gather_rows(u3p, nbflat)[:, :u3.shape[1]].reshape(N, K, -1)
    wg2z = w3g2 @ zp_w
    bg2z = (b3g2 @ zp_w + zp_b).reshape(1, 1)
    u = jax.random.uniform(jax.random.key(123), (N,), jnp.float32,
                           1e-6, 1.0 - 1e-6)
    luv = (jnp.log(u) - jnp.log1p(-u)).reshape(N, 1)
    tinv = (1.0 / temperature).reshape(1, 1).astype(jnp.float32)
    lzp, logit = _last_layer(us3, q3, x2, valid, luv, tinv,
                             w3f2, b3f2.reshape(1, -1),
                             w3g1, b3g1.reshape(1, -1),
                             wg2z, bg2z)
    return (lzp.reshape(N), logit.reshape(N), center)

# --- scband reference (transcript-rebuilt; emitter-appended) ---
"""Pipeline reference for scband-spairglimpse-zpres-generator-15470472200209 (READ-ONLY COPY).

The authoritative reference and input builder live on the scoring server;
editing this copy changes nothing except your own understanding.
"""

import jax, jax.numpy as jnp
import numpy as np

N = 10000
M = 160000
NB = 16
K = 32
RADIUS_MAX = 4.0

def _lin(k, i, o):
    return jax.random.normal(k, (i, o), jnp.float32) / np.sqrt(i)

def _radius_graph(pos, batch, r, k):
    n = pos.shape[0]
    sq = jnp.sum(pos * pos, axis=1)
    nbrs = []
    vals = []
    chunk = 2500
    for s in range(0, n, chunk):
        e = min(s + chunk, n)
        d2 = sq[s:e, None] + sq[None, :] - 2.0 * (pos[s:e] @ pos.T)
        same = batch[s:e, None] == batch[None, :]
        score = jnp.where((d2 <= r * r) & same, -d2, -jnp.inf)
        v, nb = jax.lax.top_k(score, k)
        nbrs.append(nb)
        vals.append(v)
    src = jnp.concatenate(nbrs, axis=0).reshape(-1)
    valid = (jnp.concatenate(vals, axis=0).reshape(-1) > -jnp.inf).astype(jnp.float32)
    dst = jnp.repeat(jnp.arange(n), k)
    return src, dst, valid

def _ar(x, pos, src, dst, valid, Wf1, bf1, Wf2, bf2, Wg1, bg1, Wg2, bg2):
    rel = pos[src] - pos[dst]
    m = jnp.concatenate([x[src], rel], axis=1)
    h = jax.nn.relu(m @ Wf1 + bf1)
    h = jax.nn.relu(h @ Wf2 + bf2)
    h = h * valid[:, None]
    agg = jax.ops.segment_sum(h, dst, num_segments=x.shape[0])
    g = jnp.concatenate([x, agg], axis=1)
    h2 = jax.nn.relu(g @ Wg1 + bg1)
    return h2 @ Wg2 + bg2

def setup_inputs(seed: int = 0):
    key = jax.random.key(seed)
    ks = jax.random.split(key, 40)
    inp = {}
    inp['glimpse__feature'] = jax.random.normal(ks[0], (N, 256), jnp.float32)
    inp['glimpse__center'] = jax.random.normal(ks[1], (N, 2), jnp.float32) * (RADIUS_MAX * 0.5)
    inp['glimpse__batch'] = jnp.sort(jax.random.randint(ks[2], (N,), 0, NB))
    inp['glimpse_member__local_pos'] = jax.random.normal(ks[3], (M, 2), jnp.float32)
    inp['glimpse_member__log_mask'] = jax.random.normal(ks[4], (M, 1), jnp.float32)
    inp['glimpse_member__glimpse_index'] = jnp.sort(jax.random.randint(ks[5], (M,), 0, N))
    inp['temperature'] = jnp.float32(1.0)
    dims = [(256, 128, 64, 64, 64), (64, 32, 32, 32, 32), (32, 16, 16, 16, 8)]
    i = 6
    for li in range(3):
        xd, fh, fo, gh, go = dims[li]
        inp['w%df1' % (li + 1)] = _lin(ks[i], xd + 2, fh); i += 1
        inp['b%df1' % (li + 1)] = jnp.zeros((fh,), jnp.float32)
        inp['w%df2' % (li + 1)] = _lin(ks[i], fh, fo); i += 1
        inp['b%df2' % (li + 1)] = jnp.zeros((fo,), jnp.float32)
        inp['w%dg1' % (li + 1)] = _lin(ks[i], xd + fo, gh); i += 1
        inp['b%dg1' % (li + 1)] = jnp.zeros((gh,), jnp.float32)
        inp['w%dg2' % (li + 1)] = _lin(ks[i], gh, go); i += 1
        inp['b%dg2' % (li + 1)] = jnp.zeros((go,), jnp.float32)
    inp['zp_w'] = _lin(ks[i], 8, 1)
    inp['zp_b'] = jnp.zeros((1,), jnp.float32)
    return inp

def reference(glimpse__feature, glimpse__center, glimpse__batch, glimpse_member__local_pos, glimpse_member__log_mask, glimpse_member__glimpse_index, temperature, w1f1, b1f1, w1f2, b1f2, w1g1, b1g1, w1g2, b1g2, w2f1, b2f1, w2f2, b2f2, w2g1, b2g1, w2g2, b2g2, w3f1, b3f1, w3f2, b3f2, w3g1, b3g1, w3g2, b3g2, zp_w, zp_b):
    n = glimpse__feature.shape[0]
    gidx = glimpse_member__glimpse_index
    lm = glimpse_member__log_mask[:, 0]
    seg_max = jax.ops.segment_max(lm, gidx, num_segments=n)
    seg_max = jnp.where(jnp.isfinite(seg_max), seg_max, 0.0)
    ex = jnp.exp(lm - seg_max[gidx])
    lse = seg_max + jnp.log(jax.ops.segment_sum(ex, gidx, num_segments=n) + 1e-30)
    norm_mask = jnp.exp(lm - lse[gidx])[:, None]
    member_center = jax.ops.segment_sum(glimpse_member__local_pos * norm_mask, gidx, num_segments=n)
    pos = glimpse__center / RADIUS_MAX
    src, dst, valid = _radius_graph(pos, glimpse__batch, 1.0, K)
    h = _ar(glimpse__feature, pos, src, dst, valid, w1f1, b1f1, w1f2, b1f2, w1g1, b1g1, w1g2, b1g2)
    h = _ar(h, pos, src, dst, valid, w2f1, b2f1, w2f2, b2f2, w2g1, b2g1, w2g2, b2g2)
    h = _ar(h, pos, src, dst, valid, w3f1, b3f1, w3f2, b3f2, w3g1, b3g1, w3g2, b3g2)
    logit = 8.8 * jnp.tanh((h @ zp_w + zp_b)[:, 0])
    u = jax.random.uniform(jax.random.key(123), (n,), jnp.float32, 1e-6, 1.0 - 1e-6)
    log_z_pres = jax.nn.log_sigmoid((logit + jnp.log(u) - jnp.log1p(-u)) / temperature)
    return (log_z_pres, logit, member_center)

if __name__ == "__main__":
    import jax
    _d = setup_inputs()
    print(jax.jit(kernel)(*tuple(_d.values())))

</pallas_src>

<mosaic_0001>
#map = affine_map<(d0, d1) -> (0)>
#map1 = affine_map<(d0, d1) -> (0, 0)>
module attributes {stable_mosaic.version = 14 : i64} {
  func.func @_member_body(%arg0: i32, %arg1: i32, %arg2: memref<160000xi32, #tpu.memory_space<hbm>>, %arg3: memref<160000xf32, #tpu.memory_space<hbm>>, %arg4: memref<160000xf32, #tpu.memory_space<hbm>>, %arg5: memref<160000xf32, #tpu.memory_space<hbm>>, %arg6: memref<10240x128xf32, #tpu.memory_space<hbm>>, %arg7: memref<20480x128xf32, #tpu.memory_space<hbm>>, %arg8: memref<640xi32, #tpu.memory_space<vmem>>, %arg9: memref<640xf32, #tpu.memory_space<vmem>>, %arg10: memref<640xf32, #tpu.memory_space<vmem>>, %arg11: memref<640xf32, #tpu.memory_space<vmem>>, %arg12: memref<16xi32, #tpu.memory_space<vmem>>, %arg13: memref<16x128xf32, #tpu.memory_space<vmem>>, %arg14: memref<10240x128xf32, #tpu.memory_space<vmem_shared>>) attributes {dimension_semantics = [#tpu.dimension_semantics<core_parallel>, #tpu.dimension_semantics<subcore_parallel>], iteration_bounds = array<i64: 2, 16>, scalar_prefetch = 0 : i64, scratch_operands = 7 : i64, tpu.core_type = #tpu.core_type<sc_vector_subcore>, window_params = [{transform_indices = #map}, {transform_indices = #map}, {transform_indices = #map}, {transform_indices = #map}, {transform_indices = #map1}, {transform_indices = #map1}]} {
    %mul3A = arith.constant 2 : i32
    %mul3A_0 = arith.muli %arg1, %mul3A : i32
    %add3A = arith.addi %mul3A_0, %arg0 : i32
    %mul3A_1 = arith.constant 640 : i32
    %mul3A_2 = arith.muli %arg1, %mul3A_1 : i32
    %mul3A_3 = arith.constant 640 : i32
    %mul3A_4 = arith.muli %arg1, %mul3A_3 : i32
    "tpu.region"() ({
      %run_scoped3A = tpu.sem_alloc : memref<!tpu.dma_semaphore, #tpu.memory_space<semaphore_mem>>
      %dma_start3A = arith.constant 0 : i32
      %dma_start3A_19 = tpu.memref_slice %arg14[%mul3A_4, %dma_start3A] : memref<10240x128xf32, #tpu.memory_space<vmem_shared>> -> memref<640x128xf32, #tpu.memory_space<vmem_shared>>
      %dma_start3A_20 = arith.constant 0 : i32
      %dma_start3A_21 = tpu.memref_slice %arg6[%mul3A_2, %dma_start3A_20] : memref<10240x128xf32, #tpu.memory_space<hbm>> -> memref<640x128xf32, #tpu.memory_space<hbm>>
      tpu.enqueue_dma source(%dma_start3A_21 : memref<640x128xf32, #tpu.memory_space<hbm>>) target(%dma_start3A_19 : memref<640x128xf32, #tpu.memory_space<vmem_shared>>) target_semaphore(%run_scoped3A : memref<!tpu.dma_semaphore, #tpu.memory_space<semaphore_mem>>)
      %dma_wait3A = arith.constant 0 : i32
      %dma_wait3A_22 = tpu.memref_slice %arg14[%mul3A_4, %dma_wait3A] : memref<10240x128xf32, #tpu.memory_space<vmem_shared>> -> memref<640x128xf32, #tpu.memory_space<vmem_shared>>
      %dma_wait3A_23 = arith.constant 0 : i32
      %dma_wait3A_24 = tpu.memref_slice %arg6[%mul3A_2, %dma_wait3A_23] : memref<10240x128xf32, #tpu.memory_space<hbm>> -> memref<640x128xf32, #tpu.memory_space<hbm>>
      tpu.wait_dma2 semaphore(%run_scoped3A : memref<!tpu.dma_semaphore, #tpu.memory_space<semaphore_mem>>) src(%dma_wait3A_24 : memref<640x128xf32, #tpu.memory_space<hbm>>) dst(%dma_wait3A_22 : memref<640x128xf32, #tpu.memory_space<vmem_shared>>)
      tpu.yield
    }) : () -> ()
    %barrier3A = arith.constant 0 : index
    tpu.barrier barrier_id(%barrier3A)
    "tpu.region"() ({
      %run_scoped3A = tpu.sem_alloc : memref<!tpu.dma_semaphore, #tpu.memory_space<semaphore_mem>>
      %dma_start3A = arith.constant 0 : i32
      %dma_start3A_19 = arith.constant 0 : i32
      %dma_start3A_20 = tpu.memref_slice %arg6[%dma_start3A, %dma_start3A_19] : memref<10240x128xf32, #tpu.memory_space<hbm>> -> memref<16x128xf32, #tpu.memory_space<hbm>>
      %dma_start3A_21 = arith.constant 0 : i32
      %dma_start3A_22 = arith.constant 0 : i32
      %dma_start3A_23 = tpu.memref_slice %arg6[%dma_start3A_21, %dma_start3A_22] : memref<10240x128xf32, #tpu.memory_space<hbm>> -> memref<16x128xf32, #tpu.memory_space<hbm>>
      tpu.enqueue_dma source(%dma_start3A_23 : memref<16x128xf32, #tpu.memory_space<hbm>>) target(%arg13 : memref<16x128xf32, #tpu.memory_space<vmem>>) target_semaphore(%run_scoped3A : memref<!tpu.dma_semaphore, #tpu.memory_space<semaphore_mem>>)
      %dma_wait3A = arith.constant 0 : i32
      %dma_wait3A_24 = arith.constant 0 : i32
      %dma_wait3A_25 = tpu.memref_slice %arg6[%dma_wait3A, %dma_wait3A_24] : memref<10240x128xf32, #tpu.memory_space<hbm>> -> memref<16x128xf32, #tpu.memory_space<hbm>>
      %dma_wait3A_26 = arith.constant 0 : i32
      %dma_wait3A_27 = arith.constant 0 : i32
      %dma_wait3A_28 = tpu.memref_slice %arg6[%dma_wait3A_26, %dma_wait3A_27] : memref<10240x128xf32, #tpu.memory_space<hbm>> -> memref<16x128xf32, #tpu.memory_space<hbm>>
      tpu.wait_dma2 semaphore(%run_scoped3A : memref<!tpu.dma_semaphore, #tpu.memory_space<semaphore_mem>>) src(%dma_wait3A_28 : memref<16x128xf32, #tpu.memory_space<hbm>>) dst(%arg13 : memref<16x128xf32, #tpu.memory_space<vmem>>)
      tpu.yield
    }) : () -> ()
    %iota3A = tpu.iota {dimensions = array<i32: 0>} : vector<16xi32>
    %broadcast_in_dim3A = arith.constant 0.000000e+00 : f32
    %broadcast_in_dim3A_5 = vector.broadcast %broadcast_in_dim3A : f32 to vector<16xf32>
    %scan3A = arith.constant 0 : i32
    %scan3A_6 = arith.constant 0 : i32
    %scan3A_7 = arith.constant 8 : i32
    %scan3A_8 = arith.addi %scan3A_6, %scan3A_7 : i32
    %scan3A_9 = arith.constant 1 : i32
    scf.for %scan3A_19 = %scan3A_6 to %scan3A_8 step %scan3A_9  : i32 {
      %mul3A_20 = arith.constant 32 : i32
      %mul3A_21 = arith.muli %scan3A_19, %mul3A_20 : i32
      %add3A_22 = arith.addi %add3A, %mul3A_21 : i32
      %lt3A = arith.constant 250 : i32
      %lt3A_23 = arith.cmpi slt, %add3A_22, %lt3A : i32
      %convert_element_type3A = arith.extui %lt3A_23 : i1 to i32
      %cond3A = arith.constant 0 : i32
      %cond3A_24 = arith.cmpi ne, %convert_element_type3A, %cond3A : i32
      scf.if %cond3A_24 {
        %mul3A_25 = arith.constant 640 : i32
        %mul3A_26 = arith.muli %add3A_22, %mul3A_25 : i32
        "tpu.region"() ({
          %run_scoped3A = tpu.sem_alloc : memref<!tpu.dma_semaphore, #tpu.memory_space<semaphore_mem>>
          %dma_start3A = tpu.memref_slice %arg2[%mul3A_26] : memref<160000xi32, #tpu.memory_space<hbm>> -> memref<640xi32, #tpu.memory_space<hbm>>
          %dma_start3A_33 = tpu.memref_slice %arg2[%mul3A_26] : memref<160000xi32, #tpu.memory_space<hbm>> -> memref<640xi32, #tpu.memory_space<hbm>>
          tpu.enqueue_dma source(%dma_start3A_33 : memref<640xi32, #tpu.memory_space<hbm>>) target(%arg8 : memref<640xi32, #tpu.memory_space<vmem>>) target_semaphore(%run_scoped3A : memref<!tpu.dma_semaphore, #tpu.memory_space<semaphore_mem>>)
          %dma_wait3A = tpu.memref_slice %arg2[%mul3A_26] : memref<160000xi32, #tpu.memory_space<hbm>> -> memref<640xi32, #tpu.memory_space<hbm>>
          %dma_wait3A_34 = tpu.memref_slice %arg2[%mul3A_26] : memref<160000xi32, #tpu.memory_space<hbm>> -> memref<640xi32, #tpu.memory_space<hbm>>
          tpu.wait_dma2 semaphore(%run_scoped3A : memref<!tpu.dma_semaphore, #tpu.memory_space<semaphore_mem>>) src(%dma_wait3A_34 : memref<640xi32, #tpu.memory_space<hbm>>) dst(%arg8 : memref<640xi32, #tpu.memory_space<vmem>>)
          tpu.yield
        }) : () -> ()
        "tpu.region"() ({
          %run_scoped3A = tpu.sem_alloc : memref<!tpu.dma_semaphore, #tpu.memory_space<semaphore_mem>>
          %dma_start3A = tpu.memref_slice %arg3[%mul3A_26] : memref<160000xf32, #tpu.memory_space<hbm>> -> memref<640xf32, #tpu.memory_space<hbm>>
          %dma_start3A_33 = tpu.memref_slice %arg3[%mul3A_26] : memref<160000xf32, #tpu.memory_space<hbm>> -> memref<640xf32, #tpu.memory_space<hbm>>
          tpu.enqueue_dma source(%dma_start3A_33 : memref<640xf32, #tpu.memory_space<hbm>>) target(%arg9 : memref<640xf32, #tpu.memory_space<vmem>>) target_semaphore(%run_scoped3A : memref<!tpu.dma_semaphore, #tpu.memory_space<semaphore_mem>>)
          %dma_wait3A = tpu.memref_slice %arg3[%mul3A_26] : memref<160000xf32, #tpu.memory_space<hbm>> -> memref<640xf32, #tpu.memory_space<hbm>>
          %dma_wait3A_34 = tpu.memref_slice %arg3[%mul3A_26] : memref<160000xf32, #tpu.memory_space<hbm>> -> memref<640xf32, #tpu.memory_space<hbm>>
          tpu.wait_dma2 semaphore(%run_scoped3A : memref<!tpu.dma_semaphore, #tpu.memory_space<semaphore_mem>>) src(%dma_wait3A_34 : memref<640xf32, #tpu.memory_space<hbm>>) dst(%arg9 : memref<640xf32, #tpu.memory_space<vmem>>)
          tpu.yield
        }) : () -> ()
        "tpu.region"() ({
          %run_scoped3A = tpu.sem_alloc : memref<!tpu.dma_semaphore, #tpu.memory_space<semaphore_mem>>
          %dma_start3A = tpu.memref_slice %arg4[%mul3A_26] : memref<160000xf32, #tpu.memory_space<hbm>> -> memref<640xf32, #tpu.memory_space<hbm>>
          %dma_start3A_33 = tpu.memref_slice %arg4[%mul3A_26] : memref<160000xf32, #tpu.memory_space<hbm>> -> memref<640xf32, #tpu.memory_space<hbm>>
          tpu.enqueue_dma source(%dma_start3A_33 : memref<640xf32, #tpu.memory_space<hbm>>) target(%arg10 : memref<640xf32, #tpu.memory_space<vmem>>) target_semaphore(%run_scoped3A : memref<!tpu.dma_semaphore, #tpu.memory_space<semaphore_mem>>)
          %dma_wait3A = tpu.memref_slice %arg4[%mul3A_26] : memref<160000xf32, #tpu.memory_space<hbm>> -> memref<640xf32, #tpu.memory_space<hbm>>
          %dma_wait3A_34 = tpu.memref_slice %arg4[%mul3A_26] : memref<160000xf32, #tpu.memory_space<hbm>> -> memref<640xf32, #tpu.memory_space<hbm>>
          tpu.wait_dma2 semaphore(%run_scoped3A : memref<!tpu.dma_semaphore, #tpu.memory_space<semaphore_mem>>) src(%dma_wait3A_34 : memref<640xf32, #tpu.memory_space<hbm>>) dst(%arg10 : memref<640xf32, #tpu.memory_space<vmem>>)
          tpu.yield
        }) : () -> ()
        "tpu.region"() ({
          %run_scoped3A = tpu.sem_alloc : memref<!tpu.dma_semaphore, #tpu.memory_space<semaphore_mem>>
          %dma_start3A = tpu.memref_slice %arg5[%mul3A_26] : memref<160000xf32, #tpu.memory_space<hbm>> -> memref<640xf32, #tpu.memory_space<hbm>>
          %dma_start3A_33 = tpu.memref_slice %arg5[%mul3A_26] : memref<160000xf32, #tpu.memory_space<hbm>> -> memref<640xf32, #tpu.memory_space<hbm>>
          tpu.enqueue_dma source(%dma_start3A_33 : memref<640xf32, #tpu.memory_space<hbm>>) target(%arg11 : memref<640xf32, #tpu.memory_space<vmem>>) target_semaphore(%run_scoped3A : memref<!tpu.dma_semaphore, #tpu.memory_space<semaphore_mem>>)
          %dma_wait3A = tpu.memref_slice %arg5[%mul3A_26] : memref<160000xf32, #tpu.memory_space<hbm>> -> memref<640xf32, #tpu.memory_space<hbm>>
          %dma_wait3A_34 = tpu.memref_slice %arg5[%mul3A_26] : memref<160000xf32, #tpu.memory_space<hbm>> -> memref<640xf32, #tpu.memory_space<hbm>>
          tpu.wait_dma2 semaphore(%run_scoped3A : memref<!tpu.dma_semaphore, #tpu.memory_space<semaphore_mem>>) src(%dma_wait3A_34 : memref<640xf32, #tpu.memory_space<hbm>>) dst(%arg11 : memref<640xf32, #tpu.memory_space<vmem>>)
          tpu.yield
        }) : () -> ()
        %scan3A_27 = arith.constant 0 : i32
        %scan3A_28 = arith.constant 0 : i32
        %scan3A_29 = arith.constant 40 : i32
        %scan3A_30 = arith.addi %scan3A_28, %scan3A_29 : i32
        %scan3A_31 = arith.constant 1 : i32
        scf.for %scan3A_33 = %scan3A_28 to %scan3A_30 step %scan3A_31  : i32 {
          %mul3A_34 = arith.constant 16 : i32
          %mul3A_35 = arith.muli %scan3A_33, %mul3A_34 : i32
          %get3A = arith.index_cast %mul3A_35 : i32 to index
          %get3A_36 = tpu.vector_load %arg8[%get3A] {strides = array<i32>} : memref<640xi32, #tpu.memory_space<vmem>>, vector<16xi32>,
          %get3A_37 = vector.shape_cast %get3A_36 : vector<16xi32> to vector<16xi32>
          %get3A_38 = arith.index_cast %mul3A_35 : i32 to index
          %get3A_39 = tpu.vector_load %arg9[%get3A_38] {strides = array<i32>} : memref<640xf32, #tpu.memory_space<vmem>>, vector<16xf32>,
          %get3A_40 = vector.shape_cast %get3A_39 : vector<16xf32> to vector<16xf32>
          %exp3A = math.exp %get3A_40 : vector<16xf32>
          %get3A_41 = arith.index_cast %mul3A_35 : i32 to index
          %get3A_42 = tpu.vector_load %arg10[%get3A_41] {strides = array<i32>} : memref<640xf32, #tpu.memory_space<vmem>>, vector<16xf32>,
          %get3A_43 = vector.shape_cast %get3A_42 : vector<16xf32> to vector<16xf32>
          %mul3A_44 = arith.mulf %exp3A, %get3A_43 : vector<16xf32>
          %get3A_45 = arith.index_cast %mul3A_35 : i32 to index
          %get3A_46 = tpu.vector_load %arg11[%get3A_45] {strides = array<i32>} : memref<640xf32, #tpu.memory_space<vmem>>, vector<16xf32>,
          %get3A_47 = vector.shape_cast %get3A_46 : vector<16xf32> to vector<16xf32>
          %mul3A_48 = arith.mulf %exp3A, %get3A_47 : vector<16xf32>
          %swap3A = arith.constant 0 : index
          %swap3A_49 = tpu.vector_load %arg12[%swap3A] {strides = array<i32>} : memref<16xi32, #tpu.memory_space<vmem>>, vector<16xi32>,
          %swap3A_50 = vector.shape_cast %swap3A_49 : vector<16xi32> to vector<16xi32>
          %swap3A_51 = vector.shape_cast %get3A_37 : vector<16xi32> to vector<16xi32>
          tpu.vector_store %arg12[%swap3A], %swap3A_51 {strides = array<i32>} : memref<16xi32, #tpu.memory_space<vmem>>, vector<16xi32>,
          %eq3A = arith.constant 0 : i32
          %eq3A_52 = vector.broadcast %eq3A : i32 to vector<16xi32>
          %eq3A_53 = arith.cmpi eq, %iota3A, %eq3A_52 : vector<16xi32>
          %select_n3A = arith.select %eq3A_53, %exp3A, %broadcast_in_dim3A_5 : vector<16xi1>, vector<16xf32>
          %swap3A_54 = arith.constant 0 : i32
          %swap3A_55 = arith.index_cast %swap3A_54 : i32 to index
          %swap3A_56 = arith.constant 0 : index
          %swap3A_57 = tpu.vector_load %arg13[%swap3A_55, %swap3A_56] {strides = array<i32>} : memref<16x128xf32, #tpu.memory_space<vmem>>, vector<1x16xf32>,
          %swap3A_58 = vector.shape_cast %swap3A_57 : vector<1x16xf32> to vector<16xf32>
          %swap3A_59 = vector.shape_cast %select_n3A : vector<16xf32> to vector<1x16xf32>
          tpu.vector_store %arg13[%swap3A_55, %swap3A_56], %swap3A_59 {strides = array<i32>} : memref<16x128xf32, #tpu.memory_space<vmem>>, vector<1x16xf32>,
          %select_n3A_60 = arith.select %eq3A_53, %mul3A_44, %broadcast_in_dim3A_5 : vector<16xi1>, vector<16xf32>
          %swap3A_61 = arith.constant 0 : i32
          %swap3A_62 = arith.index_cast %swap3A_61 : i32 to index
          %swap3A_63 = arith.constant 16 : index
          %swap3A_64 = tpu.vector_load %arg13[%swap3A_62, %swap3A_63] {strides = array<i32>} : memref<16x128xf32, #tpu.memory_space<vmem>>, vector<1x16xf32>,
          %swap3A_65 = vector.shape_cast %swap3A_64 : vector<1x16xf32> to vector<16xf32>
          %swap3A_66 = vector.shape_cast %select_n3A_60 : vector<16xf32> to vector<1x16xf32>
          tpu.vector_store %arg13[%swap3A_62, %swap3A_63], %swap3A_66 {strides = array<i32>} : memref<16x128xf32, #tpu.memory_space<vmem>>, vector<1x16xf32>,
          %select_n3A_67 = arith.select %eq3A_53, %mul3A_48, %broadcast_in_dim3A_5 : vector<16xi1>, vector<16xf32>
          %swap3A_68 = arith.constant 0 : i32
          %swap3A_69 = arith.index_cast %swap3A_68 : i32 to index
          %swap3A_70 = arith.constant 32 : index
          %swap3A_71 = tpu.vector_load %arg13[%swap3A_69, %swap3A_70] {strides = array<i32>} : memref<16x128xf32, #tpu.memory_space<vmem>>, vector<1x16xf32>,
          %swap3A_72 = vector.shape_cast %swap3A_71 : vector<1x16xf32> to vector<16xf32>
          %swap3A_73 = vector.shape_cast %select_n3A_67 : vector<16xf32> to vector<1x16xf32>
          tpu.vector_store %arg13[%swap3A_69, %swap3A_70], %swap3A_73 {strides = array<i32>} : memref<16x128xf32, #tpu.memory_space<vmem>>, vector<1x16xf32>,
          %eq3A_74 = arith.constant 1 : i32
          %eq3A_75 = vector.broadcast %eq3A_74 : i32 to vector<16xi32>
          %eq3A_76 = arith.cmpi eq, %iota3A, %eq3A_75 : vector<16xi32>
          %select_n3A_77 = arith.select %eq3A_76, %exp3A, %broadcast_in_dim3A_5 : vector<16xi1>, vector<16xf32>
          %swap3A_78 = arith.constant 1 : i32
          %swap3A_79 = arith.index_cast %swap3A_78 : i32 to index
          %swap3A_80 = arith.constant 0 : index
          %swap3A_81 = tpu.vector_load %arg13[%swap3A_79, %swap3A_80] {strides = array<i32>} : memref<16x128xf32, #tpu.memory_space<vmem>>, vector<1x16xf32>,
          %swap3A_82 = vector.shape_cast %swap3A_81 : vector<1x16xf32> to vector<16xf32>
          %swap3A_83 = vector.shape_cast %select_n3A_77 : vector<16xf32> to vector<1x16xf32>
          tpu.vector_store %arg13[%swap3A_79, %swap3A_80], %swap3A_83 {strides = array<i32>} : memref<16x128xf32, #tpu.memory_space<vmem>>, vector<1x16xf32>,
          %select_n3A_84 = arith.select %eq3A_76, %mul3A_44, %broadcast_in_dim3A_5 : vector<16xi1>, vector<16xf32>
          %swap3A_85 = arith.constant 1 : i32
          %swap3A_86 = arith.index_cast %swap3A_85 : i32 to index
          %swap3A_87 = arith.constant 16 : index
          %swap3A_88 = tpu.vector_load %arg13[%swap3A_86, %swap3A_87] {strides = array<i32>} : memref<16x128xf32, #tpu.memory_space<vmem>>, vector<1x16xf32>,
          %swap3A_89 = vector.shape_cast %swap3A_88 : vector<1x16xf32> to vector<16xf32>
          %swap3A_90 = vector.shape_cast %select_n3A_84 : vector<16xf32> to vector<1x16xf32>
          tpu.vector_store %arg13[%swap3A_86, %swap3A_87], %swap3A_90 {strides = array<i32>} : memref<16x128xf32, #tpu.memory_space<vmem>>, vector<1x16xf32>,
          %select_n3A_91 = arith.select %eq3A_76, %mul3A_48, %broadcast_in_dim3A_5 : vector<16xi1>, vector<16xf32>
          %swap3A_92 = arith.constant 1 : i32
          %swap3A_93 = arith.index_cast %swap3A_92 : i32 to index
          %swap3A_94 = arith.constant 32 : index
          %swap3A_95 = tpu.vector_load %arg13[%swap3A_93, %swap3A_94] {strides = array<i32>} : memref<16x128xf32, #tpu.memory_space<vmem>>, vector<1x16xf32>,
          %swap3A_96 = vector.shape_cast %swap3A_95 : vector<1x16xf32> to vector<16xf32>
          %swap3A_97 = vector.shape_cast %select_n3A_91 : vector<16xf32> to vector<1x16xf32>
          tpu.vector_store %arg13[%swap3A_93, %swap3A_94], %swap3A_97 {strides = array<i32>} : memref<16x128xf32, #tpu.memory_space<vmem>>, vector<1x16xf32>,
          %eq3A_98 = arith.constant 2 : i32
          %eq3A_99 = vector.broadcast %eq3A_98 : i32 to vector<16xi32>
          %eq3A_100 = arith.cmpi eq, %iota3A, %eq3A_99 : vector<16xi32>
          %select_n3A_101 = arith.select %eq3A_100, %exp3A, %broadcast_in_dim3A_5 : vector<16xi1>, vector<16xf32>
          %swap3A_102 = arith.constant 2 : i32
          %swap3A_103 = arith.index_cast %swap3A_102 : i32 to index
          %swap3A_104 = arith.constant 0 : index
          %swap3A_105 = tpu.vector_load %arg13[%swap3A_103, %swap3A_104] {strides = array<i32>} : memref<16x128xf32, #tpu.memory_space<vmem>>, vector<1x16xf32>,
          %swap3A_106 = vector.shape_cast %swap3A_105 : vector<1x16xf32> to vector<16xf32>
          %swap3A_107 = vector.shape_cast %select_n3A_101 : vector<16xf32> to vector<1x16xf32>
          tpu.vector_store %arg13[%swap3A_103, %swap3A_104], %swap3A_107 {strides = array<i32>} : memref<16x128xf32, #tpu.memory_space<vmem>>, vector<1x16xf32>,
          %select_n3A_108 = arith.select %eq3A_100, %mul3A_44, %broadcast_in_dim3A_5 : vector<16xi1>, vector<16xf32>
          %swap3A_109 = arith.constant 2 : i32
          %swap3A_110 = arith.index_cast %swap3A_109 : i32 to index
          %swap3A_111 = arith.constant 16 : index
          %swap3A_112 = tpu.vector_load %arg13[%swap3A_110, %swap3A_111] {strides = array<i32>} : memref<16x128xf32, #tpu.memory_space<vmem>>, vector<1x16xf32>,
          %swap3A_113 = vector.shape_cast %swap3A_112 : vector<1x16xf32> to vector<16xf32>
          %swap3A_114 = vector.shape_cast %select_n3A_108 : vector<16xf32> to vector<1x16xf32>
          tpu.vector_store %arg13[%swap3A_110, %swap3A_111], %swap3A_114 {strides = array<i32>} : memref<16x128xf32, #tpu.memory_space<vmem>>, vector<1x16xf32>,
          %select_n3A_115 = arith.select %eq3A_100, %mul3A_48, %broadcast_in_dim3A_5 : vector<16xi1>, vector<16xf32>
          %swap3A_116 = arith.constant 2 : i32
          %swap3A_117 = arith.index_cast %swap3A_116 : i32 to index
          %swap3A_118 = arith.constant 32 : index
          %swap3A_119 = tpu.vector_load %arg13[%swap3A_117, %swap3A_118] {strides = array<i32>} : memref<16x128xf32, #tpu.memory_space<vmem>>, vector<1x16xf32>,
          %swap3A_120 = vector.shape_cast %swap3A_119 : vector<1x16xf32> to vector<16xf32>
          %swap3A_121 = vector.shape_cast %select_n3A_115 : vector<16xf32> to vector<1x16xf32>
          tpu.vector_store %arg13[%swap3A_117, %swap3A_118], %swap3A_121 {strides = array<i32>} : memref<16x128xf32, #tpu.memory_space<vmem>>, vector<1x16xf32>,
          %eq3A_122 = arith.constant 3 : i32
          %eq3A_123 = vector.broadcast %eq3A_122 : i32 to vector<16xi32>
          %eq3A_124 = arith.cmpi eq, %iota3A, %eq3A_123 : vector<16xi32>
          %select_n3A_125 = arith.select %eq3A_124, %exp3A, %broadcast_in_dim3A_5 : vector<16xi1>, vector<16xf32>
          %swap3A_126 = arith.constant 3 : i32
          %swap3A_127 = arith.index_cast %swap3A_126 : i32 to index
          %swap3A_128 = arith.constant 0 : index
          %swap3A_129 = tpu.vector_load %arg13[%swap3A_127, %swap3A_128] {strides = array<i32>} : memref<16x128xf32, #tpu.memory_space<vmem>>, vector<1x16xf32>,
          %swap3A_130 = vector.shape_cast %swap3A_129 : vector<1x16xf32> to vector<16xf32>
          %swap3A_131 = vector.shape_cast %select_n3A_125 : vector<16xf32> to vector<1x16xf32>
          tpu.vector_store %arg13[%swap3A_127, %swap3A_128], %swap3A_131 {strides = array<i32>} : memref<16x128xf32, #tpu.memory_space<vmem>>, vector<1x16xf32>,
          %select_n3A_132 = arith.select %eq3A_124, %mul3A_44, %broadcast_in_dim3A_5 : vector<16xi1>, vector<16xf32>
          %swap3A_133 = arith.constant 3 : i32
          %swap3A_134 = arith.index_cast %swap3A_133 : i32 to index
          %swap3A_135 = arith.constant 16 : index
          %swap3A_136 = tpu.vector_load %arg13[%swap3A_134, %swap3A_135] {strides = array<i32>} : memref<16x128xf32, #tpu.memory_space<vmem>>, vector<1x16xf32>,
          %swap3A_137 = vector.shape_cast %swap3A_136 : vector<1x16xf32> to vector<16xf32>
          %swap3A_138 = vector.shape_cast %select_n3A_132 : vector<16xf32> to vector<1x16xf32>
          tpu.vector_store %arg13[%swap3A_134, %swap3A_135], %swap3A_138 {strides = array<i32>} : memref<16x128xf32, #tpu.memory_space<vmem>>, vector<1x16xf32>,
          %select_n3A_139 = arith.select %eq3A_124, %mul3A_48, %broadcast_in_dim3A_5 : vector<16xi1>, vector<16xf32>
          %swap3A_140 = arith.constant 3 : i32
          %swap3A_141 = arith.index_cast %swap3A_140 : i32 to index
          %swap3A_142 = arith.constant 32 : index
          %swap3A_143 = tpu.vector_load %arg13[%swap3A_141, %swap3A_142] {strides = array<i32>} : memref<16x128xf32, #tpu.memory_space<vmem>>, vector<1x16xf32>,
          %swap3A_144 = vector.shape_cast %swap3A_143 : vector<1x16xf32> to vector<16xf32>
          %swap3A_145 = vector.shape_cast %select_n3A_139 : vector<16xf32> to vector<1x16xf32>
          tpu.vector_store %arg13[%swap3A_141, %swap3A_142], %swap3A_145 {strides = array<i32>} : memref<16x128xf32, #tpu.memory_space<vmem>>, vector<1x16xf32>,
          %eq3A_146 = arith.constant 4 : i32
          %eq3A_147 = vector.broadcast %eq3A_146 : i32 to vector<16xi32>
          %eq3A_148 = arith.cmpi eq, %iota3A, %eq3A_147 : vector<16xi32>
          %select_n3A_149 = arith.select %eq3A_148, %exp3A, %broadcast_in_dim3A_5 : vector<16xi1>, vector<16xf32>
          %swap3A_150 = arith.constant 4 : i32
          %swap3A_151 = arith.index_cast %swap3A_150 : i32 to index
          %swap3A_152 = arith.constant 0 : index
          %swap3A_153 = tpu.vector_load %arg13[%swap3A_151, %swap3A_152] {strides = array<i32>} : memref<16x128xf32, #tpu.memory_space<vmem>>, vector<1x16xf32>,
          %swap3A_154 = vector.shape_cast %swap3A_153 : vector<1x16xf32> to vector<16xf32>
          %swap3A_155 = vector.shape_cast %select_n3A_149 : vector<16xf32> to vector<1x16xf32>
          tpu.vector_store %arg13[%swap3A_151, %swap3A_152], %swap3A_155 {strides = array<i32>} : memref<16x128xf32, #tpu.memory_space<vmem>>, vector<1x16xf32>,
          %select_n3A_156 = arith.select %eq3A_148, %mul3A_44, %broadcast_in_dim3A_5 : vector<16xi1>, vector<16xf32>
          %swap3A_157 = arith.constant 4 : i32
          %swap3A_158 = arith.index_cast %swap3A_157 : i32 to index
          %swap3A_159 = arith.constant 16 : index
          %swap3A_160 = tpu.vector_load %arg13[%swap3A_158, %swap3A_159] {strides = array<i32>} : memref<16x128xf32, #tpu.memory_space<vmem>>, vector<1x16xf32>,
          %swap3A_161 = vector.shape_cast %swap3A_160 : vector<1x16xf32> to vector<16xf32>
          %swap3A_162 = vector.shape_cast %select_n3A_156 : vector<16xf32> to vector<1x16xf32>
          tpu.vector_store %arg13[%swap3A_158, %swap3A_159], %swap3A_162 {strides = array<i32>} : memref<16x128xf32, #tpu.memory_space<vmem>>, vector<1x16xf32>,
          %select_n3A_163 = arith.select %eq3A_148, %mul3A_48, %broadcast_in_dim3A_5 : vector<16xi1>, vector<16xf32>
          %swap3A_164 = arith.constant 4 : i32
          %swap3A_165 = arith.index_cast %swap3A_164 : i32 to index
          %swap3A_166 = arith.constant 32 : index
          %swap3A_167 = tpu.vector_load %arg13[%swap3A_165, %swap3A_166] {strides = array<i32>} : memref<16x128xf32, #tpu.memory_space<vmem>>, vector<1x16xf32>,
          %swap3A_168 = vector.shape_cast %swap3A_167 : vector<1x16xf32> to vector<16xf32>
          %swap3A_169 = vector.shape_cast %select_n3A_163 : vector<16xf32> to vector<1x16xf32>
          tpu.vector_store %arg13[%swap3A_165, %swap3A_166], %swap3A_169 {strides = array<i32>} : memref<16x128xf32, #tpu.memory_space<vmem>>, vector<1x16xf32>,
          %eq3A_170 = arith.constant 5 : i32
          %eq3A_171 = vector.broadcast %eq3A_170 : i32 to vector<16xi32>
          %eq3A_172 = arith.cmpi eq, %iota3A, %eq3A_171 : vector<16xi32>
          %select_n3A_173 = arith.select %eq3A_172, %exp3A, %broadcast_in_dim3A_5 : vector<16xi1>, vector<16xf32>
          %swap3A_174 = arith.constant 5 : i32
          %swap3A_175 = arith.index_cast %swap3A_174 : i32 to index
          %swap3A_176 = arith.constant 0 : index
          %swap3A_177 = tpu.vector_load %arg13[%swap3A_175, %swap3A_176] {strides = array<i32>} : memref<16x128xf32, #tpu.memory_space<vmem>>, vector<1x16xf32>,
          %swap3A_178 = vector.shape_cast %swap3A_177 : vector<1x16xf32> to vector<16xf32>
          %swap3A_179 = vector.shape_cast %select_n3A_173 : vector<16xf32> to vector<1x16xf32>
          tpu.vector_store %arg13[%swap3A_175, %swap3A_176], %swap3A_179 {strides = array<i32>} : memref<16x128xf32, #tpu.memory_space<vmem>>, vector<1x16xf32>,
          %select_n3A_180 = arith.select %eq3A_172, %mul3A_44, %broadcast_in_dim3A_5 : vector<16xi1>, vector<16xf32>
          %swap3A_181 = arith.constant 5 : i32
          %swap3A_182 = arith.index_cast %swap3A_181 : i32 to index
          %swap3A_183 = arith.constant 16 : index
          %swap3A_184 = tpu.vector_load %arg13[%swap3A_182, %swap3A_183] {strides = array<i32>} : memref<16x128xf32, #tpu.memory_space<vmem>>, vector<1x16xf32>,
          %swap3A_185 = vector.shape_cast %swap3A_184 : vector<1x16xf32> to vector<16xf32>
          %swap3A_186 = vector.shape_cast %select_n3A_180 : vector<16xf32> to vector<1x16xf32>
          tpu.vector_store %arg13[%swap3A_182, %swap3A_183], %swap3A_186 {strides = array<i32>} : memref<16x128xf32, #tpu.memory_space<vmem>>, vector<1x16xf32>,
          %select_n3A_187 = arith.select %eq3A_172, %mul3A_48, %broadcast_in_dim3A_5 : vector<16xi1>, vector<16xf32>
          %swap3A_188 = arith.constant 5 : i32
          %swap3A_189 = arith.index_cast %swap3A_188 : i32 to index
          %swap3A_190 = arith.constant 32 : index
          %swap3A_191 = tpu.vector_load %arg13[%swap3A_189, %swap3A_190] {strides = array<i32>} : memref<16x128xf32, #tpu.memory_space<vmem>>, vector<1x16xf32>,
          %swap3A_192 = vector.shape_cast %swap3A_191 : vector<1x16xf32> to vector<16xf32>
          %swap3A_193 = vector.shape_cast %select_n3A_187 : vector<16xf32> to vector<1x16xf32>
          tpu.vector_store %arg13[%swap3A_189, %swap3A_190], %swap3A_193 {strides = array<i32>} : memref<16x128xf32, #tpu.memory_space<vmem>>, vector<1x16xf32>,
          %eq3A_194 = arith.constant 6 : i32
          %eq3A_195 = vector.broadcast %eq3A_194 : i32 to vector<16xi32>
          %eq3A_196 = arith.cmpi eq, %iota3A, %eq3A_195 : vector<16xi32>
          %select_n3A_197 = arith.select %eq3A_196, %exp3A, %broadcast_in_dim3A_5 : vector<16xi1>, vector<16xf32>
          %swap3A_198 = arith.constant 6 : i32
          %swap3A_199 = arith.index_cast %swap3A_198 : i32 to index
          %swap3A_200 = arith.constant 0 : index
          %swap3A_201 = tpu.vector_load %arg13[%swap3A_199, %swap3A_200] {strides = array<i32>} : memref<16x128xf32, #tpu.memory_space<vmem>>, vector<1x16xf32>,
          %swap3A_202 = vector.shape_cast %swap3A_201 : vector<1x16xf32> to vector<16xf32>
          %swap3A_203 = vector.shape_cast %select_n3A_197 : vector<16xf32> to vector<1x16xf32>
          tpu.vector_store %arg13[%swap3A_199, %swap3A_200], %swap3A_203 {strides = array<i32>} : memref<16x128xf32, #tpu.memory_space<vmem>>, vector<1x16xf32>,
          %select_n3A_204 = arith.select %eq3A_196, %mul3A_44, %broadcast_in_dim3A_5 : vector<16xi1>, vector<16xf32>
          %swap3A_205 = arith.constant 6 : i32
          %swap3A_206 = arith.index_cast %swap3A_205 : i32 to index
          %swap3A_207 = arith.constant 16 : index
          %swap3A_208 = tpu.vector_load %arg13[%swap3A_206, %swap3A_207] {strides = array<i32>} : memref<16x128xf32, #tpu.memory_space<vmem>>, vector<1x16xf32>,
          %swap3A_209 = vector.shape_cast %swap3A_208 : vector<1x16xf32> to vector<16xf32>
          %swap3A_210 = vector.shape_cast %select_n3A_204 : vector<16xf32> to vector<1x16xf32>
          tpu.vector_store %arg13[%swap3A_206, %swap3A_207], %swap3A_210 {strides = array<i32>} : memref<16x128xf32, #tpu.memory_space<vmem>>, vector<1x16xf32>,
          %select_n3A_211 = arith.select %eq3A_196, %mul3A_48, %broadcast_in_dim3A_5 : vector<16xi1>, vector<16xf32>
          %swap3A_212 = arith.constant 6 : i32
          %swap3A_213 = arith.index_cast %swap3A_212 : i32 to index
          %swap3A_214 = arith.constant 32 : index
          %swap3A_215 = tpu.vector_load %arg13[%swap3A_213, %swap3A_214] {strides = array<i32>} : memref<16x128xf32, #tpu.memory_space<vmem>>, vector<1x16xf32>,
          %swap3A_216 = vector.shape_cast %swap3A_215 : vector<1x16xf32> to vector<16xf32>
          %swap3A_217 = vector.shape_cast %select_n3A_211 : vector<16xf32> to vector<1x16xf32>
          tpu.vector_store %arg13[%swap3A_213, %swap3A_214], %swap3A_217 {strides = array<i32>} : memref<16x128xf32, #tpu.memory_space<vmem>>, vector<1x16xf32>,
          %eq3A_218 = arith.constant 7 : i32
          %eq3A_219 = vector.broadcast %eq3A_218 : i32 to vector<16xi32>
          %eq3A_220 = arith.cmpi eq, %iota3A, %eq3A_219 : vector<16xi32>
          %select_n3A_221 = arith.select %eq3A_220, %exp3A, %broadcast_in_dim3A_5 : vector<16xi1>, vector<16xf32>
          %swap3A_222 = arith.constant 7 : i32
          %swap3A_223 = arith.index_cast %swap3A_222 : i32 to index
          %swap3A_224 = arith.constant 0 : index
          %swap3A_225 = tpu.vector_load %arg13[%swap3A_223, %swap3A_224] {strides = array<i32>} : memref<16x128xf32, #tpu.memory_space<vmem>>, vector<1x16xf32>,
          %swap3A_226 = vector.shape_cast %swap3A_225 : vector<1x16xf32> to vector<16xf32>
          %swap3A_227 = vector.shape_cast %select_n3A_221 : vector<16xf32> to vector<1x16xf32>
          tpu.vector_store %arg13[%swap3A_223, %swap3A_224], %swap3A_227 {strides = array<i32>} : memref<16x128xf32, #tpu.memory_space<vmem>>, vector<1x16xf32>,
          %select_n3A_228 = arith.select %eq3A_220, %mul3A_44, %broadcast_in_dim3A_5 : vector<16xi1>, vector<16xf32>
          %swap3A_229 = arith.constant 7 : i32
          %swap3A_230 = arith.index_cast %swap3A_229 : i32 to index
          %swap3A_231 = arith.constant 16 : index
          %swap3A_232 = tpu.vector_load %arg13[%swap3A_230, %swap3A_231] {strides = array<i32>} : memref<16x128xf32, #tpu.memory_space<vmem>>, vector<1x16xf32>,
          %swap3A_233 = vector.shape_cast %swap3A_232 : vector<1x16xf32> to vector<16xf32>
          %swap3A_234 = vector.shape_cast %select_n3A_228 : vector<16xf32> to vector<1x16xf32>
          tpu.vector_store %arg13[%swap3A_230, %swap3A_231], %swap3A_234 {strides = array<i32>} : memref<16x128xf32, #tpu.memory_space<vmem>>, vector<1x16xf32>,
          %select_n3A_235 = arith.select %eq3A_220, %mul3A_48, %broadcast_in_dim3A_5 : vector<16xi1>, vector<16xf32>
          %swap3A_236 = arith.constant 7 : i32
          %swap3A_237 = arith.index_cast %swap3A_236 : i32 to index
          %swap3A_238 = arith.constant 32 : index
          %swap3A_239 = tpu.vector_load %arg13[%swap3A_237, %swap3A_238] {strides = array<i32>} : memref<16x128xf32, #tpu.memory_space<vmem>>, vector<1x16xf32>,
          %swap3A_240 = vector.shape_cast %swap3A_239 : vector<1x16xf32> to vector<16xf32>
          %swap3A_241 = vector.shape_cast %select_n3A_235 : vector<16xf32> to vector<1x16xf32>
          tpu.vector_store %arg13[%swap3A_237, %swap3A_238], %swap3A_241 {strides = array<i32>} : memref<16x128xf32, #tpu.memory_space<vmem>>, vector<1x16xf32>,
          %eq3A_242 = arith.constant 8 : i32
          %eq3A_243 = vector.broadcast %eq3A_242 : i32 to vector<16xi32>
          %eq3A_244 = arith.cmpi eq, %iota3A, %eq3A_243 : vector<16xi32>
          %select_n3A_245 = arith.select %eq3A_244, %exp3A, %broadcast_in_dim3A_5 : vector<16xi1>, vector<16xf32>
          %swap3A_246 = arith.constant 8 : i32
          %swap3A_247 = arith.index_cast %swap3A_246 : i32 to index
          %swap3A_248 = arith.constant 0 : index
          %swap3A_249 = tpu.vector_load %arg13[%swap3A_247, %swap3A_248] {strides = array<i32>} : memref<16x128xf32, #tpu.memory_space<vmem>>, vector<1x16xf32>,
          %swap3A_250 = vector.shape_cast %swap3A_249 : vector<1x16xf32> to vector<16xf32>
          %swap3A_251 = vector.shape_cast %select_n3A_245 : vector<16xf32> to vector<1x16xf32>
          tpu.vector_store %arg13[%swap3A_247, %swap3A_248], %swap3A_251 {strides = array<i32>} : memref<16x128xf32, #tpu.memory_space<vmem>>, vector<1x16xf32>,
          %select_n3A_252 = arith.select %eq3A_244, %mul3A_44, %broadcast_in_dim3A_5 : vector<16xi1>, vector<16xf32>
          %swap3A_253 = arith.constant 8 : i32
          %swap3A_254 = arith.index_cast %swap3A_253 : i32 to index
          %swap3A_255 = arith.constant 16 : index
          %swap3A_256 = tpu.vector_load %arg13[%swap3A_254, %swap3A_255] {strides = array<i32>} : memref<16x128xf32, #tpu.memory_space<vmem>>, vector<1x16xf32>,
          %swap3A_257 = vector.shape_cast %swap3A_256 : vector<1x16xf32> to vector<16xf32>
          %swap3A_258 = vector.shape_cast %select_n3A_252 : vector<16xf32> to vector<1x16xf32>
          tpu.vector_store %arg13[%swap3A_254, %swap3A_255], %swap3A_258 {strides = array<i32>} : memref<16x128xf32, #tpu.memory_space<vmem>>, vector<1x16xf32>,
          %select_n3A_259 = arith.select %eq3A_244, %mul3A_48, %broadcast_in_dim3A_5 : vector<16xi1>, vector<16xf32>
          %swap3A_260 = arith.constant 8 : i32
          %swap3A_261 = arith.index_cast %swap3A_260 : i32 to index
          %swap3A_262 = arith.constant 32 : index
          %swap3A_263 = tpu.vector_load %arg13[%swap3A_261, %swap3A_262] {strides = array<i32>} : memref<16x128xf32, #tpu.memory_space<vmem>>, vector<1x16xf32>,
          %swap3A_264 = vector.shape_cast %swap3A_263 : vector<1x16xf32> to vector<16xf32>
          %swap3A_265 = vector.shape_cast %select_n3A_259 : vector<16xf32> to vector<1x16xf32>
          tpu.vector_store %arg13[%swap3A_261, %swap3A_262], %swap3A_265 {strides = array<i32>} : memref<16x128xf32, #tpu.memory_space<vmem>>, vector<1x16xf32>,
          %eq3A_266 = arith.constant 9 : i32
          %eq3A_267 = vector.broadcast %eq3A_266 : i32 to vector<16xi32>
          %eq3A_268 = arith.cmpi eq, %iota3A, %eq3A_267 : vector<16xi32>
          %select_n3A_269 = arith.select %eq3A_268, %exp3A, %broadcast_in_dim3A_5 : vector<16xi1>, vector<16xf32>
          %swap3A_270 = arith.constant 9 : i32
          %swap3A_271 = arith.index_cast %swap3A_270 : i32 to index
          %swap3A_272 = arith.constant 0 : index
          %swap3A_273 = tpu.vector_load %arg13[%swap3A_271, %swap3A_272] {strides = array<i32>} : memref<16x128xf32, #tpu.memory_space<vmem>>, vector<1x16xf32>,
          %swap3A_274 = vector.shape_cast %swap3A_273 : vector<1x16xf32> to vector<16xf32>
          %swap3A_275 = vector.shape_cast %select_n3A_269 : vector<16xf32> to vector<1x16xf32>
          tpu.vector_store %arg13[%swap3A_271, %swap3A_272], %swap3A_275 {strides = array<i32>} : memref<16x128xf32, #tpu.memory_space<vmem>>, vector<1x16xf32>,
          %select_n3A_276 = arith.select %eq3A_268, %mul3A_44, %broadcast_in_dim3A_5 : vector<16xi1>, vector<16xf32>
          %swap3A_277 = arith.constant 9 : i32
          %swap3A_278 = arith.index_cast %swap3A_277 : i32 to index
          %swap3A_279 = arith.constant 16 : index
          %swap3A_280 = tpu.vector_load %arg13[%swap3A_278, %swap3A_279] {strides = array<i32>} : memref<16x128xf32, #tpu.memory_space<vmem>>, vector<1x16xf32>,
          %swap3A_281 = vector.shape_cast %swap3A_280 : vector<1x16xf32> to vector<16xf32>
          %swap3A_282 = vector.shape_cast %select_n3A_276 : vector<16xf32> to vector<1x16xf32>
          tpu.vector_store %arg13[%swap3A_278, %swap3A_279], %swap3A_282 {strides = array<i32>} : memref<16x128xf32, #tpu.memory_space<vmem>>, vector<1x16xf32>,
          %select_n3A_283 = arith.select %eq3A_268, %mul3A_48, %broadcast_in_dim3A_5 : vector<16xi1>, vector<16xf32>
          %swap3A_284 = arith.constant 9 : i32
          %swap3A_285 = arith.index_cast %swap3A_284 : i32 to index
          %swap3A_286 = arith.constant 32 : index
          %swap3A_287 = tpu.vector_load %arg13[%swap3A_285, %swap3A_286] {strides = array<i32>} : memref<16x128xf32, #tpu.memory_space<vmem>>, vector<1x16xf32>,
          %swap3A_288 = vector.shape_cast %swap3A_287 : vector<1x16xf32> to vector<16xf32>
          %swap3A_289 = vector.shape_cast %select_n3A_283 : vector<16xf32> to vector<1x16xf32>
          tpu.vector_store %arg13[%swap3A_285, %swap3A_286], %swap3A_289 {strides = array<i32>} : memref<16x128xf32, #tpu.memory_space<vmem>>, vector<1x16xf32>,
          %eq3A_290 = arith.constant 10 : i32
          %eq3A_291 = vector.broadcast %eq3A_290 : i32 to vector<16xi32>
          %eq3A_292 = arith.cmpi eq, %iota3A, %eq3A_291 : vector<16xi32>
          %select_n3A_293 = arith.select %eq3A_292, %exp3A, %broadcast_in_dim3A_5 : vector<16xi1>, vector<16xf32>
          %swap3A_294 = arith.constant 10 : i32
          %swap3A_295 = arith.index_cast %swap3A_294 : i32 to index
          %swap3A_296 = arith.constant 0 : index
          %swap3A_297 = tpu.vector_load %arg13[%swap3A_295, %swap3A_296] {strides = array<i32>} : memref<16x128xf32, #tpu.memory_space<vmem>>, vector<1x16xf32>,
          %swap3A_298 = vector.shape_cast %swap3A_297 : vector<1x16xf32> to vector<16xf32>
          %swap3A_299 = vector.shape_cast %select_n3A_293 : vector<16xf32> to vector<1x16xf32>
          tpu.vector_store %arg13[%swap3A_295, %swap3A_296], %swap3A_299 {strides = array<i32>} : memref<16x128xf32, #tpu.memory_space<vmem>>, vector<1x16xf32>,
          %select_n3A_300 = arith.select %eq3A_292, %mul3A_44, %broadcast_in_dim3A_5 : vector<16xi1>, vector<16xf32>
          %swap3A_301 = arith.constant 10 : i32
          %swap3A_302 = arith.index_cast %swap3A_301 : i32 to index
          %swap3A_303 = arith.constant 16 : index
          %swap3A_304 = tpu.vector_load %arg13[%swap3A_302, %swap3A_303] {strides = array<i32>} : memref<16x128xf32, #tpu.memory_space<vmem>>, vector<1x16xf32>,
          %swap3A_305 = vector.shape_cast %swap3A_304 : vector<1x16xf32> to vector<16xf32>
          %swap3A_306 = vector.shape_cast %select_n3A_300 : vector<16xf32> to vector<1x16xf32>
          tpu.vector_store %arg13[%swap3A_302, %swap3A_303], %swap3A_306 {strides = array<i32>} : memref<16x128xf32, #tpu.memory_space<vmem>>, vector<1x16xf32>,
          %select_n3A_307 = arith.select %eq3A_292, %mul3A_48, %broadcast_in_dim3A_5 : vector<16xi1>, vector<16xf32>
          %swap3A_308 = arith.constant 10 : i32
          %swap3A_309 = arith.index_cast %swap3A_308 : i32 to index
          %swap3A_310 = arith.constant 32 : index
          %swap3A_311 = tpu.vector_load %arg13[%swap3A_309, %swap3A_310] {strides = array<i32>} : memref<16x128xf32, #tpu.memory_space<vmem>>, vector<1x16xf32>,
          %swap3A_312 = vector.shape_cast %swap3A_311 : vector<1x16xf32> to vector<16xf32>
          %swap3A_313 = vector.shape_cast %select_n3A_307 : vector<16xf32> to vector<1x16xf32>
          tpu.vector_store %arg13[%swap3A_309, %swap3A_310], %swap3A_313 {strides = array<i32>} : memref<16x128xf32, #tpu.memory_space<vmem>>, vector<1x16xf32>,
          %eq3A_314 = arith.constant 11 : i32
          %eq3A_315 = vector.broadcast %eq3A_314 : i32 to vector<16xi32>
          %eq3A_316 = arith.cmpi eq, %iota3A, %eq3A_315 : vector<16xi32>
          %select_n3A_317 = arith.select %eq3A_316, %exp3A, %broadcast_in_dim3A_5 : vector<16xi1>, vector<16xf32>
          %swap3A_318 = arith.constant 11 : i32
          %swap3A_319 = arith.index_cast %swap3A_318 : i32 to index
          %swap3A_320 = arith.constant 0 : index
          %swap3A_321 = tpu.vector_load %arg13[%swap3A_319, %swap3A_320] {strides = array<i32>} : memref<16x128xf32, #tpu.memory_space<vmem>>, vector<1x16xf32>,
          %swap3A_322 = vector.shape_cast %swap3A_321 : vector<1x16xf32> to vector<16xf32>
          %swap3A_323 = vector.shape_cast %select_n3A_317 : vector<16xf32> to vector<1x16xf32>
          tpu.vector_store %arg13[%swap3A_319, %swap3A_320], %swap3A_323 {strides = array<i32>} : memref<16x128xf32, #tpu.memory_space<vmem>>, vector<1x16xf32>,
          %select_n3A_324 = arith.select %eq3A_316, %mul3A_44, %broadcast_in_dim3A_5 : vector<16xi1>, vector<16xf32>
          %swap3A_325 = arith.constant 11 : i32
          %swap3A_326 = arith.index_cast %swap3A_325 : i32 to index
          %swap3A_327 = arith.constant 16 : index
          %swap3A_328 = tpu.vector_load %arg13[%swap3A_326, %swap3A_327] {strides = array<i32>} : memref<16x128xf32, #tpu.memory_space<vmem>>, vector<1x16xf32>,
          %swap3A_329 = vector.shape_cast %swap3A_328 : vector<1x16xf32> to vector<16xf32>
          %swap3A_330 = vector.shape_cast %select_n3A_324 : vector<16xf32> to vector<1x16xf32>
          tpu.vector_store %arg13[%swap3A_326, %swap3A_327], %swap3A_330 {strides = array<i32>} : memref<16x128xf32, #tpu.memory_space<vmem>>, vector<1x16xf32>,
          %select_n3A_331 = arith.select %eq3A_316, %mul3A_48, %broadcast_in_dim3A_5 : vector<16xi1>, vector<16xf32>
          %swap3A_332 = arith.constant 11 : i32
          %swap3A_333 = arith.index_cast %swap3A_332 : i32 to index
          %swap3A_334 = arith.constant 32 : index
          %swap3A_335 = tpu.vector_load %arg13[%swap3A_333, %swap3A_334] {strides = array<i32>} : memref<16x128xf32, #tpu.memory_space<vmem>>, vector<1x16xf32>,
          %swap3A_336 = vector.shape_cast %swap3A_335 : vector<1x16xf32> to vector<16xf32>
          %swap3A_337 = vector.shape_cast %select_n3A_331 : vector<16xf32> to vector<1x16xf32>
          tpu.vector_store %arg13[%swap3A_333, %swap3A_334], %swap3A_337 {strides = array<i32>} : memref<16x128xf32, #tpu.memory_space<vmem>>, vector<1x16xf32>,
          %eq3A_338 = arith.constant 12 : i32
          %eq3A_339 = vector.broadcast %eq3A_338 : i32 to vector<16xi32>
          %eq3A_340 = arith.cmpi eq, %iota3A, %eq3A_339 : vector<16xi32>
          %select_n3A_341 = arith.select %eq3A_340, %exp3A, %broadcast_in_dim3A_5 : vector<16xi1>, vector<16xf32>
          %swap3A_342 = arith.constant 12 : i32
          %swap3A_343 = arith.index_cast %swap3A_342 : i32 to index
          %swap3A_344 = arith.constant 0 : index
          %swap3A_345 = tpu.vector_load %arg13[%swap3A_343, %swap3A_344] {strides = array<i32>} : memref<16x128xf32, #tpu.memory_space<vmem>>, vector<1x16xf32>,
          %swap3A_346 = vector.shape_cast %swap3A_345 : vector<1x16xf32> to vector<16xf32>
          %swap3A_347 = vector.shape_cast %select_n3A_341 : vector<16xf32> to vector<1x16xf32>
          tpu.vector_store %arg13[%swap3A_343, %swap3A_344], %swap3A_347 {strides = array<i32>} : memref<16x128xf32, #tpu.memory_space<vmem>>, vector<1x16xf32>,
          %select_n3A_348 = arith.select %eq3A_340, %mul3A_44, %broadcast_in_dim3A_5 : vector<16xi1>, vector<16xf32>
          %swap3A_349 = arith.constant 12 : i32
          %swap3A_350 = arith.index_cast %swap3A_349 : i32 to index
          %swap3A_351 = arith.constant 16 : index
          %swap3A_352 = tpu.vector_load %arg13[%swap3A_350, %swap3A_351] {strides = array<i32>} : memref<16x128xf32, #tpu.memory_space<vmem>>, vector<1x16xf32>,
          %swap3A_353 = vector.shape_cast %swap3A_352 : vector<1x16xf32> to vector<16xf32>
          %swap3A_354 = vector.shape_cast %select_n3A_348 : vector<16xf32> to vector<1x16xf32>
          tpu.vector_store %arg13[%swap3A_350, %swap3A_351], %swap3A_354 {strides = array<i32>} : memref<16x128xf32, #tpu.memory_space<vmem>>, vector<1x16xf32>,
          %select_n3A_355 = arith.select %eq3A_340, %mul3A_48, %broadcast_in_dim3A_5 : vector<16xi1>, vector<16xf32>
          %swap3A_356 = arith.constant 12 : i32
          %swap3A_357 = arith.index_cast %swap3A_356 : i32 to index
          %swap3A_358 = arith.constant 32 : index
          %swap3A_359 = tpu.vector_load %arg13[%swap3A_357, %swap3A_358] {strides = array<i32>} : memref<16x128xf32, #tpu.memory_space<vmem>>, vector<1x16xf32>,
          %swap3A_360 = vector.shape_cast %swap3A_359 : vector<1x16xf32> to vector<16xf32>
          %swap3A_361 = vector.shape_cast %select_n3A_355 : vector<16xf32> to vector<1x16xf32>
          tpu.vector_store %arg13[%swap3A_357, %swap3A_358], %swap3A_361 {strides = array<i32>} : memref<16x128xf32, #tpu.memory_space<vmem>>, vector<1x16xf32>,
          %eq3A_362 = arith.constant 13 : i32
          %eq3A_363 = vector.broadcast %eq3A_362 : i32 to vector<16xi32>
          %eq3A_364 = arith.cmpi eq, %iota3A, %eq3A_363 : vector<16xi32>
          %select_n3A_365 = arith.select %eq3A_364, %exp3A, %broadcast_in_dim3A_5 : vector<16xi1>, vector<16xf32>
          %swap3A_366 = arith.constant 13 : i32
          %swap3A_367 = arith.index_cast %swap3A_366 : i32 to index
          %swap3A_368 = arith.constant 0 : index
          %swap3A_369 = tpu.vector_load %arg13[%swap3A_367, %swap3A_368] {strides = array<i32>} : memref<16x128xf32, #tpu.memory_space<vmem>>, vector<1x16xf32>,
          %swap3A_370 = vector.shape_cast %swap3A_369 : vector<1x16xf32> to vector<16xf32>
          %swap3A_371 = vector.shape_cast %select_n3A_365 : vector<16xf32> to vector<1x16xf32>
          tpu.vector_store %arg13[%swap3A_367, %swap3A_368], %swap3A_371 {strides = array<i32>} : memref<16x128xf32, #tpu.memory_space<vmem>>, vector<1x16xf32>,
          %select_n3A_372 = arith.select %eq3A_364, %mul3A_44, %broadcast_in_dim3A_5 : vector<16xi1>, vector<16xf32>
          %swap3A_373 = arith.constant 13 : i32
          %swap3A_374 = arith.index_cast %swap3A_373 : i32 to index
          %swap3A_375 = arith.constant 16 : index
          %swap3A_376 = tpu.vector_load %arg13[%swap3A_374, %swap3A_375] {strides = array<i32>} : memref<16x128xf32, #tpu.memory_space<vmem>>, vector<1x16xf32>,
          %swap3A_377 = vector.shape_cast %swap3A_376 : vector<1x16xf32> to vector<16xf32>
          %swap3A_378 = vector.shape_cast %select_n3A_372 : vector<16xf32> to vector<1x16xf32>
          tpu.vector_store %arg13[%swap3A_374, %swap3A_375], %swap3A_378 {strides = array<i32>} : memref<16x128xf32, #tpu.memory_space<vmem>>, vector<1x16xf32>,
          %select_n3A_379 = arith.select %eq3A_364, %mul3A_48, %broadcast_in_dim3A_5 : vector<16xi1>, vector<16xf32>
          %swap3A_380 = arith.constant 13 : i32
          %swap3A_381 = arith.index_cast %swap3A_380 : i32 to index
          %swap3A_382 = arith.constant 32 : index
          %swap3A_383 = tpu.vector_load %arg13[%swap3A_381, %swap3A_382] {strides = array<i32>} : memref<16x128xf32, #tpu.memory_space<vmem>>, vector<1x16xf32>,
          %swap3A_384 = vector.shape_cast %swap3A_383 : vector<1x16xf32> to vector<16xf32>
          %swap3A_385 = vector.shape_cast %select_n3A_379 : vector<16xf32> to vector<1x16xf32>
          tpu.vector_store %arg13[%swap3A_381, %swap3A_382], %swap3A_385 {strides = array<i32>} : memref<16x128xf32, #tpu.memory_space<vmem>>, vector<1x16xf32>,
          %eq3A_386 = arith.constant 14 : i32
          %eq3A_387 = vector.broadcast %eq3A_386 : i32 to vector<16xi32>
          %eq3A_388 = arith.cmpi eq, %iota3A, %eq3A_387 : vector<16xi32>
          %select_n3A_389 = arith.select %eq3A_388, %exp3A, %broadcast_in_dim3A_5 : vector<16xi1>, vector<16xf32>
          %swap3A_390 = arith.constant 14 : i32
          %swap3A_391 = arith.index_cast %swap3A_390 : i32 to index
          %swap3A_392 = arith.constant 0 : index
          %swap3A_393 = tpu.vector_load %arg13[%swap3A_391, %swap3A_392] {strides = array<i32>} : memref<16x128xf32, #tpu.memory_space<vmem>>, vector<1x16xf32>,
          %swap3A_394 = vector.shape_cast %swap3A_393 : vector<1x16xf32> to vector<16xf32>
          %swap3A_395 = vector.shape_cast %select_n3A_389 : vector<16xf32> to vector<1x16xf32>
          tpu.vector_store %arg13[%swap3A_391, %swap3A_392], %swap3A_395 {strides = array<i32>} : memref<16x128xf32, #tpu.memory_space<vmem>>, vector<1x16xf32>,
          %select_n3A_396 = arith.select %eq3A_388, %mul3A_44, %broadcast_in_dim3A_5 : vector<16xi1>, vector<16xf32>
          %swap3A_397 = arith.constant 14 : i32
          %swap3A_398 = arith.index_cast %swap3A_397 : i32 to index
          %swap3A_399 = arith.constant 16 : index
          %swap3A_400 = tpu.vector_load %arg13[%swap3A_398, %swap3A_399] {strides = array<i32>} : memref<16x128xf32, #tpu.memory_space<vmem>>, vector<1x16xf32>,
          %swap3A_401 = vector.shape_cast %swap3A_400 : vector<1x16xf32> to vector<16xf32>
          %swap3A_402 = vector.shape_cast %select_n3A_396 : vector<16xf32> to vector<1x16xf32>
          tpu.vector_store %arg13[%swap3A_398, %swap3A_399], %swap3A_402 {strides = array<i32>} : memref<16x128xf32, #tpu.memory_space<vmem>>, vector<1x16xf32>,
          %select_n3A_403 = arith.select %eq3A_388, %mul3A_48, %broadcast_in_dim3A_5 : vector<16xi1>, vector<16xf32>
          %swap3A_404 = arith.constant 14 : i32
          %swap3A_405 = arith.index_cast %swap3A_404 : i32 to index
          %swap3A_406 = arith.constant 32 : index
          %swap3A_407 = tpu.vector_load %arg13[%swap3A_405, %swap3A_406] {strides = array<i32>} : memref<16x128xf32, #tpu.memory_space<vmem>>, vector<1x16xf32>,
          %swap3A_408 = vector.shape_cast %swap3A_407 : vector<1x16xf32> to vector<16xf32>
          %swap3A_409 = vector.shape_cast %select_n3A_403 : vector<16xf32> to vector<1x16xf32>
          tpu.vector_store %arg13[%swap3A_405, %swap3A_406], %swap3A_409 {strides = array<i32>} : memref<16x128xf32, #tpu.memory_space<vmem>>, vector<1x16xf32>,
          %eq3A_410 = arith.constant 15 : i32
          %eq3A_411 = vector.broadcast %eq3A_410 : i32 to vector<16xi32>
          %eq3A_412 = arith.cmpi eq, %iota3A, %eq3A_411 : vector<16xi32>
          %select_n3A_413 = arith.select %eq3A_412, %exp3A, %broadcast_in_dim3A_5 : vector<16xi1>, vector<16xf32>
          %swap3A_414 = arith.constant 15 : i32
          %swap3A_415 = arith.index_cast %swap3A_414 : i32 to index
          %swap3A_416 = arith.constant 0 : index
          %swap3A_417 = tpu.vector_load %arg13[%swap3A_415, %swap3A_416] {strides = array<i32>} : memref<16x128xf32, #tpu.memory_space<vmem>>, vector<1x16xf32>,
          %swap3A_418 = vector.shape_cast %swap3A_417 : vector<1x16xf32> to vector<16xf32>
          %swap3A_419 = vector.shape_cast %select_n3A_413 : vector<16xf32> to vector<1x16xf32>
          tpu.vector_store %arg13[%swap3A_415, %swap3A_416], %swap3A_419 {strides = array<i32>} : memref<16x128xf32, #tpu.memory_space<vmem>>, vector<1x16xf32>,
          %select_n3A_420 = arith.select %eq3A_412, %mul3A_44, %broadcast_in_dim3A_5 : vector<16xi1>, vector<16xf32>
          %swap3A_421 = arith.constant 15 : i32
          %swap3A_422 = arith.index_cast %swap3A_421 : i32 to index
          %swap3A_423 = arith.constant 16 : index
          %swap3A_424 = tpu.vector_load %arg13[%swap3A_422, %swap3A_423] {strides = array<i32>} : memref<16x128xf32, #tpu.memory_space<vmem>>, vector<1x16xf32>,
          %swap3A_425 = vector.shape_cast %swap3A_424 : vector<1x16xf32> to vector<16xf32>
          %swap3A_426 = vector.shape_cast %select_n3A_420 : vector<16xf32> to vector<1x16xf32>
          tpu.vector_store %arg13[%swap3A_422, %swap3A_423], %swap3A_426 {strides = array<i32>} : memref<16x128xf32, #tpu.memory_space<vmem>>, vector<1x16xf32>,
          %select_n3A_427 = arith.select %eq3A_412, %mul3A_48, %broadcast_in_dim3A_5 : vector<16xi1>, vector<16xf32>
          %swap3A_428 = arith.constant 15 : i32
          %swap3A_429 = arith.index_cast %swap3A_428 : i32 to index
          %swap3A_430 = arith.constant 32 : index
          %swap3A_431 = tpu.vector_load %arg13[%swap3A_429, %swap3A_430] {strides = array<i32>} : memref<16x128xf32, #tpu.memory_space<vmem>>, vector<1x16xf32>,
          %swap3A_432 = vector.shape_cast %swap3A_431 : vector<1x16xf32> to vector<16xf32>
          %swap3A_433 = vector.shape_cast %select_n3A_427 : vector<16xf32> to vector<1x16xf32>
          tpu.vector_store %arg13[%swap3A_429, %swap3A_430], %swap3A_433 {strides = array<i32>} : memref<16x128xf32, #tpu.memory_space<vmem>>, vector<1x16xf32>,
          "tpu.region"() ({
            %run_scoped3A = tpu.sem_alloc : memref<!tpu.dma_semaphore, #tpu.memory_space<semaphore_mem>>
            %dma_start3A = arith.constant 0 : i32
            %dma_start3A_434 = arith.constant 0 : i32
            %dma_start3A_435 = tpu.memref_slice %arg14[%dma_start3A, %dma_start3A_434] : memref<10240x128xf32, #tpu.memory_space<vmem_shared>> -> memref<10240x128xf32, #tpu.memory_space<vmem_shared>>
            tpu.enqueue_indirect_dma source(%arg13 : memref<16x128xf32, #tpu.memory_space<vmem>>) target(%dma_start3A_435 : memref<10240x128xf32, #tpu.memory_space<vmem_shared>>) offsets(%arg12 : memref<16xi32, #tpu.memory_space<vmem>>) semaphore(%run_scoped3A : memref<!tpu.dma_semaphore, #tpu.memory_space<semaphore_mem>>) {add = true}
            %dma_wait3A = arith.constant 0 : i32
            %dma_wait3A_436 = arith.constant 0 : i32
            %dma_wait3A_437 = tpu.memref_slice %arg14[%dma_wait3A, %dma_wait3A_436] : memref<10240x128xf32, #tpu.memory_space<vmem_shared>> -> memref<10240x128xf32, #tpu.memory_space<vmem_shared>>
            tpu.wait_indirect_dma semaphore(%run_scoped3A : memref<!tpu.dma_semaphore, #tpu.memory_space<semaphore_mem>>) src(%arg13 : memref<16x128xf32, #tpu.memory_space<vmem>>) dst(%dma_wait3A_437 : memref<10240x128xf32, #tpu.memory_space<vmem_shared>>)
            tpu.yield
          }) : () -> ()
        }
        %scan3A_32 = arith.constant 40 : i32
      } else {
      }
    }
    %scan3A_10 = arith.constant 8 : i32
    %barrier3A_11 = arith.constant 0 : index
    tpu.barrier barrier_id(%barrier3A_11)
    %mul3A_12 = arith.constant 640 : i32
    %mul3A_13 = arith.muli %arg1, %mul3A_12 : i32
    %mul3A_14 = arith.constant 10240 : i32
    %mul3A_15 = arith.muli %arg0, %mul3A_14 : i32
    %mul3A_16 = arith.constant 640 : i32
    %mul3A_17 = arith.muli %arg1, %mul3A_16 : i32
    %add3A_18 = arith.addi %mul3A_15, %mul3A_17 : i32
    "tpu.region"() ({
      %run_scoped3A = tpu.sem_alloc : memref<!tpu.dma_semaphore, #tpu.memory_space<semaphore_mem>>
      %dma_start3A = arith.constant 0 : i32
      %dma_start3A_19 = tpu.memref_slice %arg7[%add3A_18, %dma_start3A] : memref<20480x128xf32, #tpu.memory_space<hbm>> -> memref<640x128xf32, #tpu.memory_space<hbm>>
      %dma_start3A_20 = arith.constant 0 : i32
      %dma_start3A_21 = tpu.memref_slice %arg14[%mul3A_13, %dma_start3A_20] : memref<10240x128xf32, #tpu.memory_space<vmem_shared>> -> memref<640x128xf32, #tpu.memory_space<vmem_shared>>
      tpu.enqueue_dma source(%dma_start3A_21 : memref<640x128xf32, #tpu.memory_space<vmem_shared>>) target(%dma_start3A_19 : memref<640x128xf32, #tpu.memory_space<hbm>>) target_semaphore(%run_scoped3A : memref<!tpu.dma_semaphore, #tpu.memory_space<semaphore_mem>>)
      %dma_wait3A = arith.constant 0 : i32
      %dma_wait3A_22 = tpu.memref_slice %arg7[%add3A_18, %dma_wait3A] : memref<20480x128xf32, #tpu.memory_space<hbm>> -> memref<640x128xf32, #tpu.memory_space<hbm>>
      %dma_wait3A_23 = arith.constant 0 : i32
      %dma_wait3A_24 = tpu.memref_slice %arg14[%mul3A_13, %dma_wait3A_23] : memref<10240x128xf32, #tpu.memory_space<vmem_shared>> -> memref<640x128xf32, #tpu.memory_space<vmem_shared>>
      tpu.wait_dma2 semaphore(%run_scoped3A : memref<!tpu.dma_semaphore, #tpu.memory_space<semaphore_mem>>) src(%dma_wait3A_24 : memref<640x128xf32, #tpu.memory_space<vmem_shared>>) dst(%dma_wait3A_22 : memref<640x128xf32, #tpu.memory_space<hbm>>)
      tpu.yield
    }) : () -> ()
    return
  }
}

#map = affine_map<(d0, d1) -> (0, 0)>
#map1 = affine_map<(d0, d1) -> (0)>
module attributes {stable_mosaic.version = 14 : i64} {
  func.func @_gather_body(%arg0: i32, %arg1: i32, %arg2: memref<10000x128xf32, #tpu.memory_space<hbm>>, %arg3: memref<320000xi32, #tpu.memory_space<hbm>>, %arg4: memref<320000x128xf32, #tpu.memory_space<hbm>>, %arg5: memref<80xi32, #tpu.memory_space<vmem>>, %arg6: memref<80x128xf32, #tpu.memory_space<vmem>>, %arg7: memref<!tpu.dma_semaphore, #tpu.memory_space<semaphore_mem>>) attributes {dimension_semantics = [#tpu.dimension_semantics<core_parallel>, #tpu.dimension_semantics<subcore_parallel>], iteration_bounds = array<i64: 2, 16>, scalar_prefetch = 0 : i64, scratch_operands = 3 : i64, tpu.core_type = #tpu.core_type<sc_vector_subcore>, window_params = [{transform_indices = #map}, {transform_indices = #map1}, {transform_indices = #map}]} {
    %mul3A = arith.constant 2 : i32
    %mul3A_0 = arith.muli %arg1, %mul3A : i32
    %add3A = arith.addi %mul3A_0, %arg0 : i32
    %scan3A = arith.constant 0 : i32
    %scan3A_1 = arith.constant 0 : i32
    %scan3A_2 = arith.constant 125 : i32
    %scan3A_3 = arith.addi %scan3A_1, %scan3A_2 : i32
    %scan3A_4 = arith.constant 1 : i32
    scf.for %scan3A_6 = %scan3A_1 to %scan3A_3 step %scan3A_4  : i32 {
      %mul3A_7 = arith.constant 10000 : i32
      %mul3A_8 = arith.muli %add3A, %mul3A_7 : i32
      %mul3A_9 = arith.constant 80 : i32
      %mul3A_10 = arith.muli %scan3A_6, %mul3A_9 : i32
      %add3A_11 = arith.addi %mul3A_8, %mul3A_10 : i32
      "tpu.region"() ({
        %run_scoped3A = tpu.sem_alloc : memref<!tpu.dma_semaphore, #tpu.memory_space<semaphore_mem>>
        %dma_start3A_16 = tpu.memref_slice %arg3[%add3A_11] : memref<320000xi32, #tpu.memory_space<hbm>> -> memref<80xi32, #tpu.memory_space<hbm>>
        %dma_start3A_17 = tpu.memref_slice %arg3[%add3A_11] : memref<320000xi32, #tpu.memory_space<hbm>> -> memref<80xi32, #tpu.memory_space<hbm>>
        tpu.enqueue_dma source(%dma_start3A_17 : memref<80xi32, #tpu.memory_space<hbm>>) target(%arg5 : memref<80xi32, #tpu.memory_space<vmem>>) target_semaphore(%run_scoped3A : memref<!tpu.dma_semaphore, #tpu.memory_space<semaphore_mem>>)
        %dma_wait3A_18 = tpu.memref_slice %arg3[%add3A_11] : memref<320000xi32, #tpu.memory_space<hbm>> -> memref<80xi32, #tpu.memory_space<hbm>>
        %dma_wait3A_19 = tpu.memref_slice %arg3[%add3A_11] : memref<320000xi32, #tpu.memory_space<hbm>> -> memref<80xi32, #tpu.memory_space<hbm>>
        tpu.wait_dma2 semaphore(%run_scoped3A : memref<!tpu.dma_semaphore, #tpu.memory_space<semaphore_mem>>) src(%dma_wait3A_19 : memref<80xi32, #tpu.memory_space<hbm>>) dst(%arg5 : memref<80xi32, #tpu.memory_space<vmem>>)
        tpu.yield
      }) : () -> ()
      %dma_start3A = arith.constant 0 : i32
      %dma_start3A_12 = arith.constant 0 : i32
      %dma_start3A_13 = tpu.memref_slice %arg2[%dma_start3A, %dma_start3A_12] : memref<10000x128xf32, #tpu.memory_space<hbm>> -> memref<10000x128xf32, #tpu.memory_space<hbm>>
      tpu.enqueue_indirect_dma source(%dma_start3A_13 : memref<10000x128xf32, #tpu.memory_space<hbm>>) target(%arg6 : memref<80x128xf32, #tpu.memory_space<vmem>>) offsets(%arg5 : memref<80xi32, #tpu.memory_space<vmem>>) semaphore(%arg7 : memref<!tpu.dma_semaphore, #tpu.memory_space<semaphore_mem>>)
      %dma_wait3A = arith.constant 0 : i32
      %dma_wait3A_14 = arith.constant 0 : i32
      %dma_wait3A_15 = tpu.memref_slice %arg2[%dma_wait3A, %dma_wait3A_14] : memref<10000x128xf32, #tpu.memory_space<hbm>> -> memref<10000x128xf32, #tpu.memory_space<hbm>>
      tpu.wait_indirect_dma semaphore(%arg7 : memref<!tpu.dma_semaphore, #tpu.memory_space<semaphore_mem>>) src(%dma_wait3A_15 : memref<10000x128xf32, #tpu.memory_space<hbm>>) dst(%arg6 : memref<80x128xf32, #tpu.memory_space<vmem>>)
      "tpu.region"() ({
        %run_scoped3A = tpu.sem_alloc : memref<!tpu.dma_semaphore, #tpu.memory_space<semaphore_mem>>
        %dma_start3A_16 = arith.constant 0 : i32
        %dma_start3A_17 = tpu.memref_slice %arg4[%add3A_11, %dma_start3A_16] : memref<320000x128xf32, #tpu.memory_space<hbm>> -> memref<80x128xf32, #tpu.memory_space<hbm>>
        %dma_start3A_18 = arith.constant 0 : i32
        %dma_start3A_19 = tpu.memref_slice %arg4[%add3A_11, %dma_start3A_18] : memref<320000x128xf32, #tpu.memory_space<hbm>> -> memref<80x128xf32, #tpu.memory_space<hbm>>
        tpu.enqueue_dma source(%arg6 : memref<80x128xf32, #tpu.memory_space<vmem>>) target(%dma_start3A_19 : memref<80x128xf32, #tpu.memory_space<hbm>>) target_semaphore(%run_scoped3A : memref<!tpu.dma_semaphore, #tpu.memory_space<semaphore_mem>>)
        %dma_wait3A_20 = arith.constant 0 : i32
        %dma_wait3A_21 = tpu.memref_slice %arg4[%add3A_11, %dma_wait3A_20] : memref<320000x128xf32, #tpu.memory_space<hbm>> -> memref<80x128xf32, #tpu.memory_space<hbm>>
        %dma_wait3A_22 = arith.constant 0 : i32
        %dma_wait3A_23 = tpu.memref_slice %arg4[%add3A_11, %dma_wait3A_22] : memref<320000x128xf32, #tpu.memory_space<hbm>> -> memref<80x128xf32, #tpu.memory_space<hbm>>
        tpu.wait_dma2 semaphore(%run_scoped3A : memref<!tpu.dma_semaphore, #tpu.memory_space<semaphore_mem>>) src(%arg6 : memref<80x128xf32, #tpu.memory_space<vmem>>) dst(%dma_wait3A_23 : memref<80x128xf32, #tpu.memory_space<hbm>>)
        tpu.yield
      }) : () -> ()
    }
    %scan3A_5 = arith.constant 125 : i32
    return
  }
}

#map = affine_map<(d0, d1) -> (0, 0)>
#map1 = affine_map<(d0, d1) -> (0)>
module attributes {stable_mosaic.version = 14 : i64} {
  func.func @_gather_body(%arg0: i32, %arg1: i32, %arg2: memref<10000x128xf32, #tpu.memory_space<hbm>>, %arg3: memref<320000xi32, #tpu.memory_space<hbm>>, %arg4: memref<320000x128xf32, #tpu.memory_space<hbm>>, %arg5: memref<80xi32, #tpu.memory_space<vmem>>, %arg6: memref<80x128xf32, #tpu.memory_space<vmem>>, %arg7: memref<!tpu.dma_semaphore, #tpu.memory_space<semaphore_mem>>) attributes {dimension_semantics = [#tpu.dimension_semantics<core_parallel>, #tpu.dimension_semantics<subcore_parallel>], iteration_bounds = array<i64: 2, 16>, scalar_prefetch = 0 : i64, scratch_operands = 3 : i64, tpu.core_type = #tpu.core_type<sc_vector_subcore>, window_params = [{transform_indices = #map}, {transform_indices = #map1}, {transform_indices = #map}]} {
    %mul3A = arith.constant 2 : i32
    %mul3A_0 = arith.muli %arg1, %mul3A : i32
    %add3A = arith.addi %mul3A_0, %arg0 : i32
    %scan3A = arith.constant 0 : i32
    %scan3A_1 = arith.constant 0 : i32
    %scan3A_2 = arith.constant 125 : i32
    %scan3A_3 = arith.addi %scan3A_1, %scan3A_2 : i32
    %scan3A_4 = arith.constant 1 : i32
    scf.for %scan3A_6 = %scan3A_1 to %scan3A_3 step %scan3A_4  : i32 {
      %mul3A_7 = arith.constant 10000 : i32
      %mul3A_8 = arith.muli %add3A, %mul3A_7 : i32
      %mul3A_9 = arith.constant 80 : i32
      %mul3A_10 = arith.muli %scan3A_6, %mul3A_9 : i32
      %add3A_11 = arith.addi %mul3A_8, %mul3A_10 : i32
      "tpu.region"() ({
        %run_scoped3A = tpu.sem_alloc : memref<!tpu.dma_semaphore, #tpu.memory_space<semaphore_mem>>
        %dma_start3A_16 = tpu.memref_slice %arg3[%add3A_11] : memref<320000xi32, #tpu.memory_space<hbm>> -> memref<80xi32, #tpu.memory_space<hbm>>
        %dma_start3A_17 = tpu.memref_slice %arg3[%add3A_11] : memref<320000xi32, #tpu.memory_space<hbm>> -> memref<80xi32, #tpu.memory_space<hbm>>
        tpu.enqueue_dma source(%dma_start3A_17 : memref<80xi32, #tpu.memory_space<hbm>>) target(%arg5 : memref<80xi32, #tpu.memory_space<vmem>>) target_semaphore(%run_scoped3A : memref<!tpu.dma_semaphore, #tpu.memory_space<semaphore_mem>>)
        %dma_wait3A_18 = tpu.memref_slice %arg3[%add3A_11] : memref<320000xi32, #tpu.memory_space<hbm>> -> memref<80xi32, #tpu.memory_space<hbm>>
        %dma_wait3A_19 = tpu.memref_slice %arg3[%add3A_11] : memref<320000xi32, #tpu.memory_space<hbm>> -> memref<80xi32, #tpu.memory_space<hbm>>
        tpu.wait_dma2 semaphore(%run_scoped3A : memref<!tpu.dma_semaphore, #tpu.memory_space<semaphore_mem>>) src(%dma_wait3A_19 : memref<80xi32, #tpu.memory_space<hbm>>) dst(%arg5 : memref<80xi32, #tpu.memory_space<vmem>>)
        tpu.yield
      }) : () -> ()
      %dma_start3A = arith.constant 0 : i32
      %dma_start3A_12 = arith.constant 0 : i32
      %dma_start3A_13 = tpu.memref_slice %arg2[%dma_start3A, %dma_start3A_12] : memref<10000x128xf32, #tpu.memory_space<hbm>> -> memref<10000x128xf32, #tpu.memory_space<hbm>>
      tpu.enqueue_indirect_dma source(%dma_start3A_13 : memref<10000x128xf32, #tpu.memory_space<hbm>>) target(%arg6 : memref<80x128xf32, #tpu.memory_space<vmem>>) offsets(%arg5 : memref<80xi32, #tpu.memory_space<vmem>>) semaphore(%arg7 : memref<!tpu.dma_semaphore, #tpu.memory_space<semaphore_mem>>)
      %dma_wait3A = arith.constant 0 : i32
      %dma_wait3A_14 = arith.constant 0 : i32
      %dma_wait3A_15 = tpu.memref_slice %arg2[%dma_wait3A, %dma_wait3A_14] : memref<10000x128xf32, #tpu.memory_space<hbm>> -> memref<10000x128xf32, #tpu.memory_space<hbm>>
      tpu.wait_indirect_dma semaphore(%arg7 : memref<!tpu.dma_semaphore, #tpu.memory_space<semaphore_mem>>) src(%dma_wait3A_15 : memref<10000x128xf32, #tpu.memory_space<hbm>>) dst(%arg6 : memref<80x128xf32, #tpu.memory_space<vmem>>)
      "tpu.region"() ({
        %run_scoped3A = tpu.sem_alloc : memref<!tpu.dma_semaphore, #tpu.memory_space<semaphore_mem>>
        %dma_start3A_16 = arith.constant 0 : i32
        %dma_start3A_17 = tpu.memref_slice %arg4[%add3A_11, %dma_start3A_16] : memref<320000x128xf32, #tpu.memory_space<hbm>> -> memref<80x128xf32, #tpu.memory_space<hbm>>
        %dma_start3A_18 = arith.constant 0 : i32
        %dma_start3A_19 = tpu.memref_slice %arg4[%add3A_11, %dma_start3A_18] : memref<320000x128xf32, #tpu.memory_space<hbm>> -> memref<80x128xf32, #tpu.memory_space<hbm>>
        tpu.enqueue_dma source(%arg6 : memref<80x128xf32, #tpu.memory_space<vmem>>) target(%dma_start3A_19 : memref<80x128xf32, #tpu.memory_space<hbm>>) target_semaphore(%run_scoped3A : memref<!tpu.dma_semaphore, #tpu.memory_space<semaphore_mem>>)
        %dma_wait3A_20 = arith.constant 0 : i32
        %dma_wait3A_21 = tpu.memref_slice %arg4[%add3A_11, %dma_wait3A_20] : memref<320000x128xf32, #tpu.memory_space<hbm>> -> memref<80x128xf32, #tpu.memory_space<hbm>>
        %dma_wait3A_22 = arith.constant 0 : i32
        %dma_wait3A_23 = tpu.memref_slice %arg4[%add3A_11, %dma_wait3A_22] : memref<320000x128xf32, #tpu.memory_space<hbm>> -> memref<80x128xf32, #tpu.memory_space<hbm>>
        tpu.wait_dma2 semaphore(%run_scoped3A : memref<!tpu.dma_semaphore, #tpu.memory_space<semaphore_mem>>) src(%arg6 : memref<80x128xf32, #tpu.memory_space<vmem>>) dst(%dma_wait3A_23 : memref<80x128xf32, #tpu.memory_space<hbm>>)
        tpu.yield
      }) : () -> ()
    }
    %scan3A_5 = arith.constant 125 : i32
    return
  }
}

#map = affine_map<(d0, d1) -> (0, 0)>
#map1 = affine_map<(d0, d1) -> (0)>
module attributes {stable_mosaic.version = 14 : i64} {
  func.func @_gather_body(%arg0: i32, %arg1: i32, %arg2: memref<10000x128xf32, #tpu.memory_space<hbm>>, %arg3: memref<320000xi32, #tpu.memory_space<hbm>>, %arg4: memref<320000x128xf32, #tpu.memory_space<hbm>>, %arg5: memref<80xi32, #tpu.memory_space<vmem>>, %arg6: memref<80x128xf32, #tpu.memory_space<vmem>>, %arg7: memref<!tpu.dma_semaphore, #tpu.memory_space<semaphore_mem>>) attributes {dimension_semantics = [#tpu.dimension_semantics<core_parallel>, #tpu.dimension_semantics<subcore_parallel>], iteration_bounds = array<i64: 2, 16>, scalar_prefetch = 0 : i64, scratch_operands = 3 : i64, tpu.core_type = #tpu.core_type<sc_vector_subcore>, window_params = [{transform_indices = #map}, {transform_indices = #map1}, {transform_indices = #map}]} {
    %mul3A = arith.constant 2 : i32
    %mul3A_0 = arith.muli %arg1, %mul3A : i32
    %add3A = arith.addi %mul3A_0, %arg0 : i32
    %scan3A = arith.constant 0 : i32
    %scan3A_1 = arith.constant 0 : i32
    %scan3A_2 = arith.constant 125 : i32
    %scan3A_3 = arith.addi %scan3A_1, %scan3A_2 : i32
    %scan3A_4 = arith.constant 1 : i32
    scf.for %scan3A_6 = %scan3A_1 to %scan3A_3 step %scan3A_4  : i32 {
      %mul3A_7 = arith.constant 10000 : i32
      %mul3A_8 = arith.muli %add3A, %mul3A_7 : i32
      %mul3A_9 = arith.constant 80 : i32
      %mul3A_10 = arith.muli %scan3A_6, %mul3A_9 : i32
      %add3A_11 = arith.addi %mul3A_8, %mul3A_10 : i32
      "tpu.region"() ({
        %run_scoped3A = tpu.sem_alloc : memref<!tpu.dma_semaphore, #tpu.memory_space<semaphore_mem>>
        %dma_start3A_16 = tpu.memref_slice %arg3[%add3A_11] : memref<320000xi32, #tpu.memory_space<hbm>> -> memref<80xi32, #tpu.memory_space<hbm>>
        %dma_start3A_17 = tpu.memref_slice %arg3[%add3A_11] : memref<320000xi32, #tpu.memory_space<hbm>> -> memref<80xi32, #tpu.memory_space<hbm>>
        tpu.enqueue_dma source(%dma_start3A_17 : memref<80xi32, #tpu.memory_space<hbm>>) target(%arg5 : memref<80xi32, #tpu.memory_space<vmem>>) target_semaphore(%run_scoped3A : memref<!tpu.dma_semaphore, #tpu.memory_space<semaphore_mem>>)
        %dma_wait3A_18 = tpu.memref_slice %arg3[%add3A_11] : memref<320000xi32, #tpu.memory_space<hbm>> -> memref<80xi32, #tpu.memory_space<hbm>>
        %dma_wait3A_19 = tpu.memref_slice %arg3[%add3A_11] : memref<320000xi32, #tpu.memory_space<hbm>> -> memref<80xi32, #tpu.memory_space<hbm>>
        tpu.wait_dma2 semaphore(%run_scoped3A : memref<!tpu.dma_semaphore, #tpu.memory_space<semaphore_mem>>) src(%dma_wait3A_19 : memref<80xi32, #tpu.memory_space<hbm>>) dst(%arg5 : memref<80xi32, #tpu.memory_space<vmem>>)
        tpu.yield
      }) : () -> ()
      %dma_start3A = arith.constant 0 : i32
      %dma_start3A_12 = arith.constant 0 : i32
      %dma_start3A_13 = tpu.memref_slice %arg2[%dma_start3A, %dma_start3A_12] : memref<10000x128xf32, #tpu.memory_space<hbm>> -> memref<10000x128xf32, #tpu.memory_space<hbm>>
      tpu.enqueue_indirect_dma source(%dma_start3A_13 : memref<10000x128xf32, #tpu.memory_space<hbm>>) target(%arg6 : memref<80x128xf32, #tpu.memory_space<vmem>>) offsets(%arg5 : memref<80xi32, #tpu.memory_space<vmem>>) semaphore(%arg7 : memref<!tpu.dma_semaphore, #tpu.memory_space<semaphore_mem>>)
      %dma_wait3A = arith.constant 0 : i32
      %dma_wait3A_14 = arith.constant 0 : i32
      %dma_wait3A_15 = tpu.memref_slice %arg2[%dma_wait3A, %dma_wait3A_14] : memref<10000x128xf32, #tpu.memory_space<hbm>> -> memref<10000x128xf32, #tpu.memory_space<hbm>>
      tpu.wait_indirect_dma semaphore(%arg7 : memref<!tpu.dma_semaphore, #tpu.memory_space<semaphore_mem>>) src(%dma_wait3A_15 : memref<10000x128xf32, #tpu.memory_space<hbm>>) dst(%arg6 : memref<80x128xf32, #tpu.memory_space<vmem>>)
      "tpu.region"() ({
        %run_scoped3A = tpu.sem_alloc : memref<!tpu.dma_semaphore, #tpu.memory_space<semaphore_mem>>
        %dma_start3A_16 = arith.constant 0 : i32
        %dma_start3A_17 = tpu.memref_slice %arg4[%add3A_11, %dma_start3A_16] : memref<320000x128xf32, #tpu.memory_space<hbm>> -> memref<80x128xf32, #tpu.memory_space<hbm>>
        %dma_start3A_18 = arith.constant 0 : i32
        %dma_start3A_19 = tpu.memref_slice %arg4[%add3A_11, %dma_start3A_18] : memref<320000x128xf32, #tpu.memory_space<hbm>> -> memref<80x128xf32, #tpu.memory_space<hbm>>
        tpu.enqueue_dma source(%arg6 : memref<80x128xf32, #tpu.memory_space<vmem>>) target(%dma_start3A_19 : memref<80x128xf32, #tpu.memory_space<hbm>>) target_semaphore(%run_scoped3A : memref<!tpu.dma_semaphore, #tpu.memory_space<semaphore_mem>>)
        %dma_wait3A_20 = arith.constant 0 : i32
        %dma_wait3A_21 = tpu.memref_slice %arg4[%add3A_11, %dma_wait3A_20] : memref<320000x128xf32, #tpu.memory_space<hbm>> -> memref<80x128xf32, #tpu.memory_space<hbm>>
        %dma_wait3A_22 = arith.constant 0 : i32
        %dma_wait3A_23 = tpu.memref_slice %arg4[%add3A_11, %dma_wait3A_22] : memref<320000x128xf32, #tpu.memory_space<hbm>> -> memref<80x128xf32, #tpu.memory_space<hbm>>
        tpu.wait_dma2 semaphore(%run_scoped3A : memref<!tpu.dma_semaphore, #tpu.memory_space<semaphore_mem>>) src(%arg6 : memref<80x128xf32, #tpu.memory_space<vmem>>) dst(%dma_wait3A_23 : memref<80x128xf32, #tpu.memory_space<hbm>>)
        tpu.yield
      }) : () -> ()
    }
    %scan3A_5 = arith.constant 125 : i32
    return
  }
}

module attributes {stable_mosaic.version = 14 : i64} {
  func.func @_graph_kernel(%arg0: i32, %arg1: memref<125xi32, #tpu.memory_space<smem>>, %arg2: memref<80x2xf32, #tpu.memory_space<vmem>>, %arg3: memref<80x1xi32, #tpu.memory_space<vmem>>, %arg4: memref<2x1024xf32, #tpu.memory_space<vmem>>, %arg5: memref<2x1024xf32, #tpu.memory_space<vmem>>, %arg6: memref<2x1024xf32, #tpu.memory_space<vmem>>, %arg7: memref<2x1024xf32, #tpu.memory_space<vmem>>, %arg8: memref<1x1024xi32, #tpu.memory_space<vmem>>, %arg9: memref<1x1024xi32, #tpu.memory_space<vmem>>, %arg10: memref<1x1024xi32, #tpu.memory_space<vmem>>, %arg11: memref<1x1024xi32, #tpu.memory_space<vmem>>, %arg12: memref<80x32xi32, #tpu.memory_space<vmem>>, %arg13: memref<80x32xf32, #tpu.memory_space<vmem>>) attributes {dimension_semantics = [#tpu.dimension_semantics<arbitrary>], iteration_bounds = array<i64: 125>, scalar_prefetch = 1 : i64, scratch_operands = 0 : i64, tpu.core_type = #tpu.core_type<tc>, window_params = [{transform_indices = @transform_0, window_bounds = array<i64: 80, 2>}, {transform_indices = @transform_1, window_bounds = array<i64: 80, 1>}, {transform_indices = @transform_2, window_bounds = array<i64: 2, 1024>}, {transform_indices = @transform_3, window_bounds = array<i64: 2, 1024>}, {transform_indices = @transform_4, window_bounds = array<i64: 2, 1024>}, {transform_indices = @transform_5, window_bounds = array<i64: 2, 1024>}, {transform_indices = @transform_6, window_bounds = array<i64: 1, 1024>}, {transform_indices = @transform_7, window_bounds = array<i64: 1, 1024>}, {transform_indices = @transform_8, window_bounds = array<i64: 1, 1024>}, {transform_indices = @transform_9, window_bounds = array<i64: 1, 1024>}, {transform_indices = @transform_10, window_bounds = array<i64: 80, 32>}, {transform_indices = @transform_11, window_bounds = array<i64: 80, 32>}]} {
    %get3A = arith.constant 0 : index
    %get3A_0 = arith.constant 0 : index
    %get3A_1 = vector.load %arg2[%get3A, %get3A_0] : memref<80x2xf32, #tpu.memory_space<vmem>>, vector<80x2xf32>
    %get3A_2 = arith.constant 0 : index
    %get3A_3 = arith.constant 0 : index
    %get3A_4 = vector.load %arg4[%get3A_2, %get3A_3] : memref<2x1024xf32, #tpu.memory_space<vmem>>, vector<2x1024xf32>
    %get3A_5 = arith.constant 0 : index
    %get3A_6 = arith.constant 0 : index
    %get3A_7 = vector.load %arg5[%get3A_5, %get3A_6] : memref<2x1024xf32, #tpu.memory_space<vmem>>, vector<2x1024xf32>
    %get3A_8 = arith.constant 0 : index
    %get3A_9 = arith.constant 0 : index
    %get3A_10 = vector.load %arg6[%get3A_8, %get3A_9] : memref<2x1024xf32, #tpu.memory_space<vmem>>, vector<2x1024xf32>
    %get3A_11 = arith.constant 0 : index
    %get3A_12 = arith.constant 0 : index
    %get3A_13 = vector.load %arg7[%get3A_11, %get3A_12] : memref<2x1024xf32, #tpu.memory_space<vmem>>, vector<2x1024xf32>
    %concatenate3A = tpu.concatenate %get3A_4, %get3A_7, %get3A_10, %get3A_13 in 1 : vector<2x1024xf32>, vector<2x1024xf32>, vector<2x1024xf32>, vector<2x1024xf32> -> vector<2x4096xf32>
    %get3A_14 = arith.constant 0 : index
    %get3A_15 = arith.constant 0 : index
    %get3A_16 = vector.load %arg8[%get3A_14, %get3A_15] : memref<1x1024xi32, #tpu.memory_space<vmem>>, vector<1x1024xi32>
    %get3A_17 = arith.constant 0 : index
    %get3A_18 = arith.constant 0 : index
    %get3A_19 = vector.load %arg9[%get3A_17, %get3A_18] : memref<1x1024xi32, #tpu.memory_space<vmem>>, vector<1x1024xi32>
    %get3A_20 = arith.constant 0 : index
    %get3A_21 = arith.constant 0 : index
    %get3A_22 = vector.load %arg10[%get3A_20, %get3A_21] : memref<1x1024xi32, #tpu.memory_space<vmem>>, vector<1x1024xi32>
    %get3A_23 = arith.constant 0 : index
    %get3A_24 = arith.constant 0 : index
    %get3A_25 = vector.load %arg11[%get3A_23, %get3A_24] : memref<1x1024xi32, #tpu.memory_space<vmem>>, vector<1x1024xi32>
    %concatenate3A_26 = tpu.concatenate %get3A_16, %get3A_19, %get3A_22, %get3A_25 in 1 : vector<1x1024xi32>, vector<1x1024xi32>, vector<1x1024xi32>, vector<1x1024xi32> -> vector<1x4096xi32>
    %mul3A = arith.mulf %get3A_1, %get3A_1 : vector<80x2xf32>
    %reduce_sum3A = arith.constant dense<0.000000e+00> : vector<80xf32>
    %reduce_sum3A_27 = vector.multi_reduction <add>, %mul3A, %reduce_sum3A [1] : vector<80x2xf32> to vector<80xf32>
    %mul3A_28 = arith.mulf %concatenate3A, %concatenate3A : vector<2x4096xf32>
    %reduce_sum3A_29 = arith.constant dense<0.000000e+00> : vector<4096xf32>
    %reduce_sum3A_30 = vector.multi_reduction <add>, %mul3A_28, %reduce_sum3A_29 [0] : vector<2x4096xf32> to vector<4096xf32>
    %dot_general3A = arith.constant dense<0.000000e+00> : vector<80x4096xf32>
    %dot_general3A_31 = tpu.matmul %get3A_1, %concatenate3A, %dot_general3A {dimension_numbers = #tpu.dot_dimension_numbers<[1], [0], [0], [1], [0, 0, 1, 1], [], []>, transpose_lhs_hint = false} : vector<80x2xf32>, vector<2x4096xf32>, vector<80x4096xf32> -> vector<80x4096xf32>
    %broadcast_in_dim3A = vector.shape_cast %reduce_sum3A_27 : vector<80xf32> to vector<80x1xf32>
    %broadcast_in_dim3A_32 = vector.shape_cast %reduce_sum3A_30 : vector<4096xf32> to vector<1x4096xf32>
    %add3A = vector.broadcast %broadcast_in_dim3A : vector<80x1xf32> to vector<80x4096xf32>
    %add3A_33 = vector.broadcast %broadcast_in_dim3A_32 : vector<1x4096xf32> to vector<80x4096xf32>
    %add3A_34 = arith.addf %add3A, %add3A_33 : vector<80x4096xf32>
    %mul3A_35 = arith.constant 2.000000e+00 : f32
    %mul3A_36 = vector.broadcast %mul3A_35 : f32 to vector<80x4096xf32>
    %mul3A_37 = arith.mulf %mul3A_36, %dot_general3A_31 : vector<80x4096xf32>
    %sub3A = arith.subf %add3A_34, %mul3A_37 : vector<80x4096xf32>
    %get3A_38 = arith.constant 0 : index
    %get3A_39 = arith.constant 0 : index
    %get3A_40 = vector.load %arg3[%get3A_38, %get3A_39] : memref<80x1xi32, #tpu.memory_space<vmem>>, vector<80x1xi32>
    %eq3A = vector.broadcast %get3A_40 : vector<80x1xi32> to vector<80x4096xi32>
    %eq3A_41 = vector.broadcast %concatenate3A_26 : vector<1x4096xi32> to vector<80x4096xi32>
    %eq3A_42 = arith.cmpi eq, %eq3A, %eq3A_41 : vector<80x4096xi32>
    %le3A = arith.constant 1.000000e+00 : f32
    %le3A_43 = vector.broadcast %le3A : f32 to vector<80x4096xf32>
    %le3A_44 = arith.cmpf ole, %sub3A, %le3A_43 : vector<80x4096xf32>
    %and3A = arith.andi %eq3A_42, %le3A_44 : vector<80x4096xi1>
    %jit3A = arith.constant 0x7F800000 : f32
    %broadcast_in_dim3A_45 = vector.broadcast %jit3A : f32 to vector<80x4096xf32>
    %select_n3A = arith.select %and3A, %sub3A, %broadcast_in_dim3A_45 : vector<80x4096xi1>, vector<80x4096xf32>
    %iota3A = tpu.iota {dimensions = array<i32: 1>} : vector<80x4096xi32>
    %get3A_46 = arith.index_cast %arg0 : i32 to index
    %get3A_47 = memref.load %arg1[%get3A_46] : memref<125xi32, #tpu.memory_space<smem>>
    %mul3A_48 = arith.constant 1024 : i32
    %mul3A_49 = arith.muli %get3A_47, %mul3A_48 : i32
    %broadcast_in_dim3A_50 = arith.constant 0 : i32
    %broadcast_in_dim3A_51 = vector.broadcast %broadcast_in_dim3A_50 : i32 to vector<80x32xi32>
    %broadcast_in_dim3A_52 = arith.constant 0.000000e+00 : f32
    %broadcast_in_dim3A_53 = vector.broadcast %broadcast_in_dim3A_52 : f32 to vector<80x32xf32>
    %scan3A = arith.constant 1073741824 : i32
    %scan3A_54 = arith.constant 0 : i32
    %scan3A_55 = arith.constant 32 : i32
    %scan3A_56 = arith.addi %scan3A_54, %scan3A_55 : i32
    %scan3A_57 = arith.constant 1 : i32
    %scan3A_58:3 = scf.for %scan3A_65 = %scan3A_54 to %scan3A_56 step %scan3A_57 iter_args(%scan3A_66 = %select_n3A, %scan3A_67 = %broadcast_in_dim3A_51, %scan3A_68 = %broadcast_in_dim3A_53) -> (vector<80x4096xf32>, vector<80x32xi32>, vector<80x32xf32>)  : i32 {
      %reduce_min3A = arith.constant dense<0x7F800000> : vector<80xf32>
      %reduce_min3A_69 = vector.multi_reduction <minimumf>, %scan3A_66, %reduce_min3A [1] : vector<80x4096xf32> to vector<80xf32>
      %broadcast_in_dim3A_70 = vector.shape_cast %reduce_min3A_69 : vector<80xf32> to vector<80x1xf32>
      %eq3A_71 = vector.broadcast %broadcast_in_dim3A_70 : vector<80x1xf32> to vector<80x4096xf32>
      %eq3A_72 = arith.cmpf oeq, %scan3A_66, %eq3A_71 : vector<80x4096xf32>
      %broadcast_in_dim3A_73 = vector.broadcast %scan3A : i32 to vector<80x4096xi32>
      %select_n3A_74 = arith.select %eq3A_72, %iota3A, %broadcast_in_dim3A_73 : vector<80x4096xi1>, vector<80x4096xi32>
      %reduce_min3A_75 = arith.constant dense<2147483647> : vector<80xi32>
      %reduce_min3A_76 = vector.multi_reduction <minsi>, %select_n3A_74, %reduce_min3A_75 [1] : vector<80x4096xi32> to vector<80xi32>
      %iota3A_77 = tpu.iota {dimensions = array<i32: 1>} : vector<80x32xi32>
      %eq3A_78 = vector.broadcast %scan3A_65 : i32 to vector<80x32xi32>
      %eq3A_79 = arith.cmpi eq, %iota3A_77, %eq3A_78 : vector<80x32xi32>
      %is_finite3A = tpu.weird %reduce_min3A_69 : vector<80xf32> -> vector<80xi1>
      %is_finite3A_80 = arith.constant dense<true> : vector<80xi1>
      %is_finite3A_81 = arith.xori %is_finite3A, %is_finite3A_80 : vector<80xi1>
      %add3A_82 = vector.broadcast %mul3A_49 : i32 to vector<80xi32>
      %add3A_83 = arith.addi %reduce_min3A_76, %add3A_82 : vector<80xi32>
      %jit3A_84 = arith.constant 0 : i32
      %broadcast_in_dim3A_85 = vector.broadcast %jit3A_84 : i32 to vector<80xi32>
      %select_n3A_86 = arith.select %is_finite3A_81, %add3A_83, %broadcast_in_dim3A_85 : vector<80xi1>, vector<80xi32>
      %broadcast_in_dim3A_87 = vector.shape_cast %select_n3A_86 : vector<80xi32> to vector<80x1xi32>
      %broadcast_in_dim3A_88 = vector.shape_cast %broadcast_in_dim3A_87 : vector<80x1xi32> to vector<80x1xi32>
      %broadcast_in_dim3A_89 = vector.broadcast %broadcast_in_dim3A_88 : vector<80x1xi32> to vector<80x32xi32>
      %select_n3A_90 = arith.select %eq3A_79, %broadcast_in_dim3A_89, %scan3A_67 : vector<80x32xi1>, vector<80x32xi32>
      %broadcast_in_dim3A_91 = vector.shape_cast %is_finite3A_81 : vector<80xi1> to vector<80x1xi1>
      %convert_element_type3A = arith.extui %broadcast_in_dim3A_91 : vector<80x1xi1> to vector<80x1xi32>
      %convert_element_type3A_92 = arith.sitofp %convert_element_type3A : vector<80x1xi32> to vector<80x1xf32>
      %broadcast_in_dim3A_93 = vector.shape_cast %convert_element_type3A_92 : vector<80x1xf32> to vector<80x1xf32>
      %broadcast_in_dim3A_94 = vector.broadcast %broadcast_in_dim3A_93 : vector<80x1xf32> to vector<80x32xf32>
      %select_n3A_95 = arith.select %eq3A_79, %broadcast_in_dim3A_94, %scan3A_68 : vector<80x32xi1>, vector<80x32xf32>
      %broadcast_in_dim3A_96 = vector.shape_cast %reduce_min3A_76 : vector<80xi32> to vector<80x1xi32>
      %eq3A_97 = vector.broadcast %broadcast_in_dim3A_96 : vector<80x1xi32> to vector<80x4096xi32>
      %eq3A_98 = arith.cmpi eq, %iota3A, %eq3A_97 : vector<80x4096xi32>
      %jit3A_99 = arith.constant 0x7F800000 : f32
      %broadcast_in_dim3A_100 = vector.broadcast %jit3A_99 : f32 to vector<80x4096xf32>
      %select_n3A_101 = arith.select %eq3A_98, %broadcast_in_dim3A_100, %scan3A_66 : vector<80x4096xi1>, vector<80x4096xf32>
      scf.yield %select_n3A_101, %select_n3A_90, %select_n3A_95 : vector<80x4096xf32>, vector<80x32xi32>, vector<80x32xf32>
    }
    %scan3A_59 = arith.constant 32 : i32
    %swap3A = arith.constant 0 : index
    %swap3A_60 = arith.constant 0 : index
    %swap3A_61 = vector.load %arg12[%swap3A, %swap3A_60] : memref<80x32xi32, #tpu.memory_space<vmem>>, vector<80x32xi32>
    tpu.vector_store %arg12[%swap3A, %swap3A_60], %scan3A_58#1 {strides = array<i32>} : memref<80x32xi32, #tpu.memory_space<vmem>>, vector<80x32xi32>,
    %swap3A_62 = arith.constant 0 : index
    %swap3A_63 = arith.constant 0 : index
    %swap3A_64 = vector.load %arg13[%swap3A_62, %swap3A_63] : memref<80x32xf32, #tpu.memory_space<vmem>>, vector<80x32xf32>
    tpu.vector_store %arg13[%swap3A_62, %swap3A_63], %scan3A_58#2 {strides = array<i32>} : memref<80x32xf32, #tpu.memory_space<vmem>>, vector<80x32xf32>,
    return
  }
  func.func @transform_0(%arg0: i32, %arg1: memref<125xi32, #tpu.memory_space<smem>>) -> (i32, i32) {
    %c0_i32 = arith.constant 0 : i32
    %c0_i32_0 = arith.constant 0 : i32
    return %arg0, %c0_i32 : i32, i32
  }
  func.func @transform_1(%arg0: i32, %arg1: memref<125xi32, #tpu.memory_space<smem>>) -> (i32, i32) {
    %c0_i32 = arith.constant 0 : i32
    %c0_i32_0 = arith.constant 0 : i32
    return %arg0, %c0_i32 : i32, i32
  }
  func.func @transform_2(%arg0: i32, %arg1: memref<125xi32, #tpu.memory_space<smem>>) -> (i32, i32) {
    %get3A = arith.index_cast %arg0 : i32 to index
    %get3A_0 = memref.load %arg1[%get3A] : memref<125xi32, #tpu.memory_space<smem>>
    %add3A = arith.constant 0 : i32
    %add3A_1 = arith.addi %get3A_0, %add3A : i32
    %c0_i32 = arith.constant 0 : i32
    %c0_i32_2 = arith.constant 0 : i32
    return %c0_i32, %add3A_1 : i32, i32
  }
  func.func @transform_3(%arg0: i32, %arg1: memref<125xi32, #tpu.memory_space<smem>>) -> (i32, i32) {
    %get3A = arith.index_cast %arg0 : i32 to index
    %get3A_0 = memref.load %arg1[%get3A] : memref<125xi32, #tpu.memory_space<smem>>
    %add3A = arith.constant 1 : i32
    %add3A_1 = arith.addi %get3A_0, %add3A : i32
    %c0_i32 = arith.constant 0 : i32
    %c0_i32_2 = arith.constant 0 : i32
    return %c0_i32, %add3A_1 : i32, i32
  }
  func.func @transform_4(%arg0: i32, %arg1: memref<125xi32, #tpu.memory_space<smem>>) -> (i32, i32) {
    %get3A = arith.index_cast %arg0 : i32 to index
    %get3A_0 = memref.load %arg1[%get3A] : memref<125xi32, #tpu.memory_space<smem>>
    %add3A = arith.constant 2 : i32
    %add3A_1 = arith.addi %get3A_0, %add3A : i32
    %c0_i32 = arith.constant 0 : i32
    %c0_i32_2 = arith.constant 0 : i32
    return %c0_i32, %add3A_1 : i32, i32
  }
  func.func @transform_5(%arg0: i32, %arg1: memref<125xi32, #tpu.memory_space<smem>>) -> (i32, i32) {
    %get3A = arith.index_cast %arg0 : i32 to index
    %get3A_0 = memref.load %arg1[%get3A] : memref<125xi32, #tpu.memory_space<smem>>
    %add3A = arith.constant 3 : i32
    %add3A_1 = arith.addi %get3A_0, %add3A : i32
    %c0_i32 = arith.constant 0 : i32
    %c0_i32_2 = arith.constant 0 : i32
    return %c0_i32, %add3A_1 : i32, i32
  }
  func.func @transform_6(%arg0: i32, %arg1: memref<125xi32, #tpu.memory_space<smem>>) -> (i32, i32) {
    %get3A = arith.index_cast %arg0 : i32 to index
    %get3A_0 = memref.load %arg1[%get3A] : memref<125xi32, #tpu.memory_space<smem>>
    %add3A = arith.constant 0 : i32
    %add3A_1 = arith.addi %get3A_0, %add3A : i32
    %c0_i32 = arith.constant 0 : i32
    %c0_i32_2 = arith.constant 0 : i32
    return %c0_i32, %add3A_1 : i32, i32
  }
  func.func @transform_7(%arg0: i32, %arg1: memref<125xi32, #tpu.memory_space<smem>>) -> (i32, i32) {
    %get3A = arith.index_cast %arg0 : i32 to index
    %get3A_0 = memref.load %arg1[%get3A] : memref<125xi32, #tpu.memory_space<smem>>
    %add3A = arith.constant 1 : i32
    %add3A_1 = arith.addi %get3A_0, %add3A : i32
    %c0_i32 = arith.constant 0 : i32
    %c0_i32_2 = arith.constant 0 : i32
    return %c0_i32, %add3A_1 : i32, i32
  }
  func.func @transform_8(%arg0: i32, %arg1: memref<125xi32, #tpu.memory_space<smem>>) -> (i32, i32) {
    %get3A = arith.index_cast %arg0 : i32 to index
    %get3A_0 = memref.load %arg1[%get3A] : memref<125xi32, #tpu.memory_space<smem>>
    %add3A = arith.constant 2 : i32
    %add3A_1 = arith.addi %get3A_0, %add3A : i32
    %c0_i32 = arith.constant 0 : i32
    %c0_i32_2 = arith.constant 0 : i32
    return %c0_i32, %add3A_1 : i32, i32
  }
  func.func @transform_9(%arg0: i32, %arg1: memref<125xi32, #tpu.memory_space<smem>>) -> (i32, i32) {
    %get3A = arith.index_cast %arg0 : i32 to index
    %get3A_0 = memref.load %arg1[%get3A] : memref<125xi32, #tpu.memory_space<smem>>
    %add3A = arith.constant 3 : i32
    %add3A_1 = arith.addi %get3A_0, %add3A : i32
    %c0_i32 = arith.constant 0 : i32
    %c0_i32_2 = arith.constant 0 : i32
    return %c0_i32, %add3A_1 : i32, i32
  }
  func.func @transform_10(%arg0: i32, %arg1: memref<125xi32, #tpu.memory_space<smem>>) -> (i32, i32) {
    %c0_i32 = arith.constant 0 : i32
    %c0_i32_0 = arith.constant 0 : i32
    return %arg0, %c0_i32 : i32, i32
  }
  func.func @transform_11(%arg0: i32, %arg1: memref<125xi32, #tpu.memory_space<smem>>) -> (i32, i32) {
    %c0_i32 = arith.constant 0 : i32
    %c0_i32_0 = arith.constant 0 : i32
    return %arg0, %c0_i32 : i32, i32
  }
}

module attributes {stable_mosaic.version = 14 : i64} {
  func.func @_pre_kernel(%arg0: i32, %arg1: memref<200x256xf32, #tpu.memory_space<vmem>>, %arg2: memref<200x2xf32, #tpu.memory_space<vmem>>, %arg3: memref<200x256xf32, #tpu.memory_space<vmem>>, %arg4: memref<256x128xf32, #tpu.memory_space<vmem>>, %arg5: memref<2x128xf32, #tpu.memory_space<vmem>>, %arg6: memref<1x128xf32, #tpu.memory_space<vmem>>, %arg7: memref<200x128xf32, #tpu.memory_space<vmem>>, %arg8: memref<200x128xf32, #tpu.memory_space<vmem>>, %arg9: memref<200x2xf32, #tpu.memory_space<vmem>>) attributes {dimension_semantics = [#tpu.dimension_semantics<arbitrary>], iteration_bounds = array<i64: 50>, scalar_prefetch = 0 : i64, scratch_operands = 0 : i64, tpu.core_type = #tpu.core_type<tc>, window_params = [{transform_indices = @transform_0, window_bounds = array<i64: 200, 256>}, {transform_indices = @transform_1, window_bounds = array<i64: 200, 2>}, {transform_indices = @transform_2, window_bounds = array<i64: 200, 256>}, {pipeline_mode = #tpu.pipeline_mode<synchronous>, transform_indices = @transform_3, window_bounds = array<i64: 256, 128>}, {pipeline_mode = #tpu.pipeline_mode<synchronous>, transform_indices = @transform_4, window_bounds = array<i64: 2, 128>}, {pipeline_mode = #tpu.pipeline_mode<synchronous>, transform_indices = @transform_5, window_bounds = array<i64: 1, 128>}, {transform_indices = @transform_6, window_bounds = array<i64: 200, 128>}, {transform_indices = @transform_7, window_bounds = array<i64: 200, 128>}, {transform_indices = @transform_8, window_bounds = array<i64: 200, 2>}]} {
    %get3A = arith.constant 0 : index
    %get3A_0 = arith.constant 0 : index
    %get3A_1 = vector.load %arg3[%get3A, %get3A_0] : memref<200x256xf32, #tpu.memory_space<vmem>>, vector<200x256xf32>
    %slice3A = vector.extract_strided_slice %get3A_1 {offsets = [0, 0], sizes = [200, 16], strides = [1, 1]} : vector<200x256xf32> to vector<200x16xf32>
    %slice3A_2 = vector.extract_strided_slice %get3A_1 {offsets = [0, 128], sizes = [200, 16], strides = [1, 1]} : vector<200x256xf32> to vector<200x16xf32>
    %add3A = arith.addf %slice3A, %slice3A_2 : vector<200x16xf32>
    %reduce_sum3A = arith.constant dense<0.000000e+00> : vector<200xf32>
    %reduce_sum3A_3 = vector.multi_reduction <add>, %add3A, %reduce_sum3A [1] : vector<200x16xf32> to vector<200xf32>
    %add3A_4 = arith.constant 1.000000e-30 : f32
    %add3A_5 = vector.broadcast %add3A_4 : f32 to vector<200xf32>
    %add3A_6 = arith.addf %reduce_sum3A_3, %add3A_5 : vector<200xf32>
    %slice3A_7 = vector.extract_strided_slice %get3A_1 {offsets = [0, 16], sizes = [200, 16], strides = [1, 1]} : vector<200x256xf32> to vector<200x16xf32>
    %slice3A_8 = vector.extract_strided_slice %get3A_1 {offsets = [0, 144], sizes = [200, 16], strides = [1, 1]} : vector<200x256xf32> to vector<200x16xf32>
    %add3A_9 = arith.addf %slice3A_7, %slice3A_8 : vector<200x16xf32>
    %reduce_sum3A_10 = arith.constant dense<0.000000e+00> : vector<200xf32>
    %reduce_sum3A_11 = vector.multi_reduction <add>, %add3A_9, %reduce_sum3A_10 [1] : vector<200x16xf32> to vector<200xf32>
    %slice3A_12 = vector.extract_strided_slice %get3A_1 {offsets = [0, 32], sizes = [200, 16], strides = [1, 1]} : vector<200x256xf32> to vector<200x16xf32>
    %slice3A_13 = vector.extract_strided_slice %get3A_1 {offsets = [0, 160], sizes = [200, 16], strides = [1, 1]} : vector<200x256xf32> to vector<200x16xf32>
    %add3A_14 = arith.addf %slice3A_12, %slice3A_13 : vector<200x16xf32>
    %reduce_sum3A_15 = arith.constant dense<0.000000e+00> : vector<200xf32>
    %reduce_sum3A_16 = vector.multi_reduction <add>, %add3A_14, %reduce_sum3A_15 [1] : vector<200x16xf32> to vector<200xf32>
    %div3A = arith.divf %reduce_sum3A_11, %add3A_6 : vector<200xf32>
    %div3A_17 = arith.divf %reduce_sum3A_16, %add3A_6 : vector<200xf32>
    %stack3A = vector.shape_cast %div3A : vector<200xf32> to vector<200x1xf32>
    %stack3A_18 = vector.shape_cast %div3A_17 : vector<200xf32> to vector<200x1xf32>
    %stack3A_19 = tpu.concatenate %stack3A, %stack3A_18 in 1 : vector<200x1xf32>, vector<200x1xf32> -> vector<200x2xf32>
    %swap3A = arith.constant 0 : index
    %swap3A_20 = arith.constant 0 : index
    %swap3A_21 = vector.load %arg9[%swap3A, %swap3A_20] : memref<200x2xf32, #tpu.memory_space<vmem>>, vector<200x2xf32>
    tpu.vector_store %arg9[%swap3A, %swap3A_20], %stack3A_19 {strides = array<i32>} : memref<200x2xf32, #tpu.memory_space<vmem>>, vector<200x2xf32>,
    %get3A_22 = arith.constant 0 : index
    %get3A_23 = arith.constant 0 : index
    %get3A_24 = vector.load %arg2[%get3A_22, %get3A_23] : memref<200x2xf32, #tpu.memory_space<vmem>>, vector<200x2xf32>
    %get3A_25 = arith.constant 0 : index
    %get3A_26 = arith.constant 0 : index
    %get3A_27 = vector.load %arg5[%get3A_25, %get3A_26] : memref<2x128xf32, #tpu.memory_space<vmem>>, vector<2x128xf32>
    %dot_general3A = arith.constant dense<0.000000e+00> : vector<200x128xf32>
    %dot_general3A_28 = tpu.matmul %get3A_24, %get3A_27, %dot_general3A {dimension_numbers = #tpu.dot_dimension_numbers<[1], [0], [0], [1], [0, 0, 1, 1], [], []>, transpose_lhs_hint = false} : vector<200x2xf32>, vector<2x128xf32>, vector<200x128xf32> -> vector<200x128xf32>
    %get3A_29 = arith.constant 0 : index
    %get3A_30 = arith.constant 0 : index
    %get3A_31 = vector.load %arg1[%get3A_29, %get3A_30] : memref<200x256xf32, #tpu.memory_space<vmem>>, vector<200x256xf32>
    %get3A_32 = arith.constant 0 : index
    %get3A_33 = arith.constant 0 : index
    %get3A_34 = vector.load %arg4[%get3A_32, %get3A_33] : memref<256x128xf32, #tpu.memory_space<vmem>>, vector<256x128xf32>
    %dot_general3A_35 = arith.constant dense<0.000000e+00> : vector<200x128xf32>
    %dot_general3A_36 = tpu.matmul %get3A_31, %get3A_34, %dot_general3A_35 {dimension_numbers = #tpu.dot_dimension_numbers<[1], [0], [0], [1], [0, 0, 1, 1], [], []>, transpose_lhs_hint = false} : vector<200x256xf32>, vector<256x128xf32>, vector<200x128xf32> -> vector<200x128xf32>
    %swap3A_37 = arith.constant 0 : index
    %swap3A_38 = arith.constant 0 : index
    %swap3A_39 = vector.load %arg8[%swap3A_37, %swap3A_38] : memref<200x128xf32, #tpu.memory_space<vmem>>, vector<200x128xf32>
    tpu.vector_store %arg8[%swap3A_37, %swap3A_38], %dot_general3A_28 {strides = array<i32>} : memref<200x128xf32, #tpu.memory_space<vmem>>, vector<200x128xf32>,
    %add3A_40 = arith.addf %dot_general3A_36, %dot_general3A_28 : vector<200x128xf32>
    %get3A_41 = arith.constant 0 : index
    %get3A_42 = arith.constant 0 : index
    %get3A_43 = vector.load %arg6[%get3A_41, %get3A_42] : memref<1x128xf32, #tpu.memory_space<vmem>>, vector<1x128xf32>
    %add3A_44 = vector.broadcast %get3A_43 : vector<1x128xf32> to vector<200x128xf32>
    %add3A_45 = arith.addf %add3A_40, %add3A_44 : vector<200x128xf32>
    %swap3A_46 = arith.constant 0 : index
    %swap3A_47 = arith.constant 0 : index
    %swap3A_48 = vector.load %arg7[%swap3A_46, %swap3A_47] : memref<200x128xf32, #tpu.memory_space<vmem>>, vector<200x128xf32>
    tpu.vector_store %arg7[%swap3A_46, %swap3A_47], %add3A_45 {strides = array<i32>} : memref<200x128xf32, #tpu.memory_space<vmem>>, vector<200x128xf32>,
    return
  }
  func.func @transform_0(%arg0: i32) -> (i32, i32) {
    %c0_i32 = arith.constant 0 : i32
    %c0_i32_0 = arith.constant 0 : i32
    return %arg0, %c0_i32 : i32, i32
  }
  func.func @transform_1(%arg0: i32) -> (i32, i32) {
    %c0_i32 = arith.constant 0 : i32
    %c0_i32_0 = arith.constant 0 : i32
    return %arg0, %c0_i32 : i32, i32
  }
  func.func @transform_2(%arg0: i32) -> (i32, i32) {
    %c0_i32 = arith.constant 0 : i32
    %c0_i32_0 = arith.constant 0 : i32
    return %arg0, %c0_i32 : i32, i32
  }
  func.func @transform_3(%arg0: i32) -> (i32, i32) {
    %c0_i32 = arith.constant 0 : i32
    %c0_i32_0 = arith.constant 0 : i32
    %c0_i32_1 = arith.constant 0 : i32
    return %c0_i32, %c0_i32_0 : i32, i32
  }
  func.func @transform_4(%arg0: i32) -> (i32, i32) {
    %c0_i32 = arith.constant 0 : i32
    %c0_i32_0 = arith.constant 0 : i32
    %c0_i32_1 = arith.constant 0 : i32
    return %c0_i32, %c0_i32_0 : i32, i32
  }
  func.func @transform_5(%arg0: i32) -> (i32, i32) {
    %c0_i32 = arith.constant 0 : i32
    %c0_i32_0 = arith.constant 0 : i32
    %c0_i32_1 = arith.constant 0 : i32
    return %c0_i32, %c0_i32_0 : i32, i32
  }
  func.func @transform_6(%arg0: i32) -> (i32, i32) {
    %c0_i32 = arith.constant 0 : i32
    %c0_i32_0 = arith.constant 0 : i32
    return %arg0, %c0_i32 : i32, i32
  }
  func.func @transform_7(%arg0: i32) -> (i32, i32) {
    %c0_i32 = arith.constant 0 : i32
    %c0_i32_0 = arith.constant 0 : i32
    return %arg0, %c0_i32 : i32, i32
  }
  func.func @transform_8(%arg0: i32) -> (i32, i32) {
    %c0_i32 = arith.constant 0 : i32
    %c0_i32_0 = arith.constant 0 : i32
    return %arg0, %c0_i32 : i32, i32
  }
}

module attributes {stable_mosaic.version = 14 : i64} {
  func.func @_mid_layer_kernel(%arg0: i32, %arg1: memref<200x32x128xf32, #tpu.memory_space<vmem>>, %arg2: memref<200x128xf32, #tpu.memory_space<vmem>>, %arg3: memref<200x256xf32, #tpu.memory_space<vmem>>, %arg4: memref<200x2xf32, #tpu.memory_space<vmem>>, %arg5: memref<200x32xf32, #tpu.memory_space<vmem>>, %arg6: memref<128x64xf32, #tpu.memory_space<vmem>>, %arg7: memref<1x64xf32, #tpu.memory_space<vmem>>, %arg8: memref<320x64xf32, #tpu.memory_space<vmem>>, %arg9: memref<1x64xf32, #tpu.memory_space<vmem>>, %arg10: memref<64x64xf32, #tpu.memory_space<vmem>>, %arg11: memref<1x64xf32, #tpu.memory_space<vmem>>, %arg12: memref<64x32xf32, #tpu.memory_space<vmem>>, %arg13: memref<2x32xf32, #tpu.memory_space<vmem>>, %arg14: memref<1x32xf32, #tpu.memory_space<vmem>>, %arg15: memref<200x64xf32, #tpu.memory_space<vmem>>, %arg16: memref<200x32xf32, #tpu.memory_space<vmem>>, %arg17: memref<200x32xf32, #tpu.memory_space<vmem>>) attributes {dimension_semantics = [#tpu.dimension_semantics<arbitrary>], iteration_bounds = array<i64: 50>, scalar_prefetch = 0 : i64, scratch_operands = 0 : i64, tpu.core_type = #tpu.core_type<tc>, window_params = [{transform_indices = @transform_0, window_bounds = array<i64: 200, 32, 128>}, {transform_indices = @transform_1, window_bounds = array<i64: 200, 128>}, {transform_indices = @transform_2, window_bounds = array<i64: 200, 256>}, {transform_indices = @transform_3, window_bounds = array<i64: 200, 2>}, {transform_indices = @transform_4, window_bounds = array<i64: 200, 32>}, {pipeline_mode = #tpu.pipeline_mode<synchronous>, transform_indices = @transform_5, window_bounds = array<i64: 128, 64>}, {pipeline_mode = #tpu.pipeline_mode<synchronous>, transform_indices = @transform_6, window_bounds = array<i64: 1, 64>}, {pipeline_mode = #tpu.pipeline_mode<synchronous>, transform_indices = @transform_7, window_bounds = array<i64: 320, 64>}, {pipeline_mode = #tpu.pipeline_mode<synchronous>, transform_indices = @transform_8, window_bounds = array<i64: 1, 64>}, {pipeline_mode = #tpu.pipeline_mode<synchronous>, transform_indices = @transform_9, window_bounds = array<i64: 64, 64>}, {pipeline_mode = #tpu.pipeline_mode<synchronous>, transform_indices = @transform_10, window_bounds = array<i64: 1, 64>}, {pipeline_mode = #tpu.pipeline_mode<synchronous>, transform_indices = @transform_11, window_bounds = array<i64: 64, 32>}, {pipeline_mode = #tpu.pipeline_mode<synchronous>, transform_indices = @transform_12, window_bounds = array<i64: 2, 32>}, {pipeline_mode = #tpu.pipeline_mode<synchronous>, transform_indices = @transform_13, window_bounds = array<i64: 1, 32>}, {transform_indices = @transform_14, window_bounds = array<i64: 200, 64>}, {transform_indices = @transform_15, window_bounds = array<i64: 200, 32>}, {transform_indices = @transform_16, window_bounds = array<i64: 200, 32>}]} {
    %get3A = arith.constant 0 : index
    %get3A_0 = arith.constant 0 : index
    %get3A_1 = arith.constant 0 : index
    %get3A_2 = vector.load %arg1[%get3A, %get3A_0, %get3A_1] : memref<200x32x128xf32, #tpu.memory_space<vmem>>, vector<200x32x128xf32>
    %get3A_3 = arith.constant 0 : index
    %get3A_4 = arith.constant 0 : index
    %get3A_5 = vector.load %arg2[%get3A_3, %get3A_4] : memref<200x128xf32, #tpu.memory_space<vmem>>, vector<200x128xf32>
    %broadcast_in_dim3A = vector.shape_cast %get3A_5 : vector<200x128xf32> to vector<200x1x128xf32>
    %sub3A = vector.broadcast %broadcast_in_dim3A : vector<200x1x128xf32> to vector<200x32x128xf32>
    %sub3A_6 = arith.subf %get3A_2, %sub3A : vector<200x32x128xf32>
    %max3A = arith.constant 0.000000e+00 : f32
    %max3A_7 = vector.broadcast %max3A : f32 to vector<200x32x128xf32>
    %max3A_8 = arith.maximumf %sub3A_6, %max3A_7 : vector<200x32x128xf32>
    %reshape3A = vector.shape_cast %max3A_8 : vector<200x32x128xf32> to vector<6400x128xf32>
    %get3A_9 = arith.constant 0 : index
    %get3A_10 = arith.constant 0 : index
    %get3A_11 = vector.load %arg6[%get3A_9, %get3A_10] : memref<128x64xf32, #tpu.memory_space<vmem>>, vector<128x64xf32>
    %dot_general3A = arith.constant dense<0.000000e+00> : vector<6400x64xf32>
    %dot_general3A_12 = tpu.matmul %reshape3A, %get3A_11, %dot_general3A {dimension_numbers = #tpu.dot_dimension_numbers<[1], [0], [0], [1], [0, 0, 1, 1], [], []>, transpose_lhs_hint = false} : vector<6400x128xf32>, vector<128x64xf32>, vector<6400x64xf32> -> vector<6400x64xf32>
    %get3A_13 = arith.constant 0 : index
    %get3A_14 = arith.constant 0 : index
    %get3A_15 = vector.load %arg7[%get3A_13, %get3A_14] : memref<1x64xf32, #tpu.memory_space<vmem>>, vector<1x64xf32>
    %add3A = vector.broadcast %get3A_15 : vector<1x64xf32> to vector<6400x64xf32>
    %add3A_16 = arith.addf %dot_general3A_12, %add3A : vector<6400x64xf32>
    %max3A_17 = arith.constant 0.000000e+00 : f32
    %max3A_18 = vector.broadcast %max3A_17 : f32 to vector<6400x64xf32>
    %max3A_19 = arith.maximumf %add3A_16, %max3A_18 : vector<6400x64xf32>
    %reshape3A_20 = vector.shape_cast %max3A_19 : vector<6400x64xf32> to vector<200x32x64xf32>
    %get3A_21 = arith.constant 0 : index
    %get3A_22 = arith.constant 0 : index
    %get3A_23 = vector.load %arg5[%get3A_21, %get3A_22] : memref<200x32xf32, #tpu.memory_space<vmem>>, vector<200x32xf32>
    %broadcast_in_dim3A_24 = vector.shape_cast %get3A_23 : vector<200x32xf32> to vector<200x32x1xf32>
    %mul3A = vector.broadcast %broadcast_in_dim3A_24 : vector<200x32x1xf32> to vector<200x32x64xf32>
    %mul3A_25 = arith.mulf %reshape3A_20, %mul3A : vector<200x32x64xf32>
    %reduce_sum3A = arith.constant dense<0.000000e+00> : vector<200x64xf32>
    %reduce_sum3A_26 = vector.multi_reduction <add>, %mul3A_25, %reduce_sum3A [1] : vector<200x32x64xf32> to vector<200x64xf32>
    %get3A_27 = arith.constant 0 : index
    %get3A_28 = arith.constant 0 : index
    %get3A_29 = vector.load %arg3[%get3A_27, %get3A_28] : memref<200x256xf32, #tpu.memory_space<vmem>>, vector<200x256xf32>
    %get3A_30 = arith.constant 0 : index
    %get3A_31 = arith.constant 0 : index
    %get3A_32 = vector.load %arg8[%get3A_30, %get3A_31] : memref<320x64xf32, #tpu.memory_space<vmem>>, vector<256x64xf32>
    %dot_general3A_33 = arith.constant dense<0.000000e+00> : vector<200x64xf32>
    %dot_general3A_34 = tpu.matmul %get3A_29, %get3A_32, %dot_general3A_33 {dimension_numbers = #tpu.dot_dimension_numbers<[1], [0], [0], [1], [0, 0, 1, 1], [], []>, transpose_lhs_hint = false} : vector<200x256xf32>, vector<256x64xf32>, vector<200x64xf32> -> vector<200x64xf32>
    %get3A_35 = arith.constant 256 : index
    %get3A_36 = arith.constant 0 : index
    %get3A_37 = vector.load %arg8[%get3A_35, %get3A_36] : memref<320x64xf32, #tpu.memory_space<vmem>>, vector<64x64xf32>
    %dot_general3A_38 = arith.constant dense<0.000000e+00> : vector<200x64xf32>
    %dot_general3A_39 = tpu.matmul %reduce_sum3A_26, %get3A_37, %dot_general3A_38 {dimension_numbers = #tpu.dot_dimension_numbers<[1], [0], [0], [1], [0, 0, 1, 1], [], []>, transpose_lhs_hint = false} : vector<200x64xf32>, vector<64x64xf32>, vector<200x64xf32> -> vector<200x64xf32>
    %add3A_40 = arith.addf %dot_general3A_34, %dot_general3A_39 : vector<200x64xf32>
    %get3A_41 = arith.constant 0 : index
    %get3A_42 = arith.constant 0 : index
    %get3A_43 = vector.load %arg9[%get3A_41, %get3A_42] : memref<1x64xf32, #tpu.memory_space<vmem>>, vector<1x64xf32>
    %add3A_44 = vector.broadcast %get3A_43 : vector<1x64xf32> to vector<200x64xf32>
    %add3A_45 = arith.addf %add3A_40, %add3A_44 : vector<200x64xf32>
    %max3A_46 = arith.constant 0.000000e+00 : f32
    %max3A_47 = vector.broadcast %max3A_46 : f32 to vector<200x64xf32>
    %max3A_48 = arith.maximumf %add3A_45, %max3A_47 : vector<200x64xf32>
    %get3A_49 = arith.constant 0 : index
    %get3A_50 = arith.constant 0 : index
    %get3A_51 = vector.load %arg10[%get3A_49, %get3A_50] : memref<64x64xf32, #tpu.memory_space<vmem>>, vector<64x64xf32>
    %dot_general3A_52 = arith.constant dense<0.000000e+00> : vector<200x64xf32>
    %dot_general3A_53 = tpu.matmul %max3A_48, %get3A_51, %dot_general3A_52 {dimension_numbers = #tpu.dot_dimension_numbers<[1], [0], [0], [1], [0, 0, 1, 1], [], []>, transpose_lhs_hint = false} : vector<200x64xf32>, vector<64x64xf32>, vector<200x64xf32> -> vector<200x64xf32>
    %get3A_54 = arith.constant 0 : index
    %get3A_55 = arith.constant 0 : index
    %get3A_56 = vector.load %arg11[%get3A_54, %get3A_55] : memref<1x64xf32, #tpu.memory_space<vmem>>, vector<1x64xf32>
    %add3A_57 = vector.broadcast %get3A_56 : vector<1x64xf32> to vector<200x64xf32>
    %add3A_58 = arith.addf %dot_general3A_53, %add3A_57 : vector<200x64xf32>
    %swap3A = arith.constant 0 : index
    %swap3A_59 = arith.constant 0 : index
    %swap3A_60 = vector.load %arg15[%swap3A, %swap3A_59] : memref<200x64xf32, #tpu.memory_space<vmem>>, vector<200x64xf32>
    tpu.vector_store %arg15[%swap3A, %swap3A_59], %add3A_58 {strides = array<i32>} : memref<200x64xf32, #tpu.memory_space<vmem>>, vector<200x64xf32>,
    %get3A_61 = arith.constant 0 : index
    %get3A_62 = arith.constant 0 : index
    %get3A_63 = vector.load %arg4[%get3A_61, %get3A_62] : memref<200x2xf32, #tpu.memory_space<vmem>>, vector<200x2xf32>
    %get3A_64 = arith.constant 0 : index
    %get3A_65 = arith.constant 0 : index
    %get3A_66 = vector.load %arg13[%get3A_64, %get3A_65] : memref<2x32xf32, #tpu.memory_space<vmem>>, vector<2x32xf32>
    %dot_general3A_67 = arith.constant dense<0.000000e+00> : vector<200x32xf32>
    %dot_general3A_68 = tpu.matmul %get3A_63, %get3A_66, %dot_general3A_67 {dimension_numbers = #tpu.dot_dimension_numbers<[1], [0], [0], [1], [0, 0, 1, 1], [], []>, transpose_lhs_hint = false} : vector<200x2xf32>, vector<2x32xf32>, vector<200x32xf32> -> vector<200x32xf32>
    %swap3A_69 = arith.constant 0 : index
    %swap3A_70 = arith.constant 0 : index
    %swap3A_71 = vector.load %arg17[%swap3A_69, %swap3A_70] : memref<200x32xf32, #tpu.memory_space<vmem>>, vector<200x32xf32>
    tpu.vector_store %arg17[%swap3A_69, %swap3A_70], %dot_general3A_68 {strides = array<i32>} : memref<200x32xf32, #tpu.memory_space<vmem>>, vector<200x32xf32>,
    %get3A_72 = arith.constant 0 : index
    %get3A_73 = arith.constant 0 : index
    %get3A_74 = vector.load %arg12[%get3A_72, %get3A_73] : memref<64x32xf32, #tpu.memory_space<vmem>>, vector<64x32xf32>
    %dot_general3A_75 = arith.constant dense<0.000000e+00> : vector<200x32xf32>
    %dot_general3A_76 = tpu.matmul %add3A_58, %get3A_74, %dot_general3A_75 {dimension_numbers = #tpu.dot_dimension_numbers<[1], [0], [0], [1], [0, 0, 1, 1], [], []>, transpose_lhs_hint = false} : vector<200x64xf32>, vector<64x32xf32>, vector<200x32xf32> -> vector<200x32xf32>
    %add3A_77 = arith.addf %dot_general3A_76, %dot_general3A_68 : vector<200x32xf32>
    %get3A_78 = arith.constant 0 : index
    %get3A_79 = arith.constant 0 : index
    %get3A_80 = vector.load %arg14[%get3A_78, %get3A_79] : memref<1x32xf32, #tpu.memory_space<vmem>>, vector<1x32xf32>
    %add3A_81 = vector.broadcast %get3A_80 : vector<1x32xf32> to vector<200x32xf32>
    %add3A_82 = arith.addf %add3A_77, %add3A_81 : vector<200x32xf32>
    %swap3A_83 = arith.constant 0 : index
    %swap3A_84 = arith.constant 0 : index
    %swap3A_85 = vector.load %arg16[%swap3A_83, %swap3A_84] : memref<200x32xf32, #tpu.memory_space<vmem>>, vector<200x32xf32>
    tpu.vector_store %arg16[%swap3A_83, %swap3A_84], %add3A_82 {strides = array<i32>} : memref<200x32xf32, #tpu.memory_space<vmem>>, vector<200x32xf32>,
    return
  }
  func.func @transform_0(%arg0: i32) -> (i32, i32, i32) {
    %c0_i32 = arith.constant 0 : i32
    %c0_i32_0 = arith.constant 0 : i32
    %c0_i32_1 = arith.constant 0 : i32
    return %arg0, %c0_i32, %c0_i32_0 : i32, i32, i32
  }
  func.func @transform_1(%arg0: i32) -> (i32, i32) {
    %c0_i32 = arith.constant 0 : i32
    %c0_i32_0 = arith.constant 0 : i32
    return %arg0, %c0_i32 : i32, i32
  }
  func.func @transform_2(%arg0: i32) -> (i32, i32) {
    %c0_i32 = arith.constant 0 : i32
    %c0_i32_0 = arith.constant 0 : i32
    return %arg0, %c0_i32 : i32, i32
  }
  func.func @transform_3(%arg0: i32) -> (i32, i32) {
    %c0_i32 = arith.constant 0 : i32
    %c0_i32_0 = arith.constant 0 : i32
    return %arg0, %c0_i32 : i32, i32
  }
  func.func @transform_4(%arg0: i32) -> (i32, i32) {
    %c0_i32 = arith.constant 0 : i32
    %c0_i32_0 = arith.constant 0 : i32
    return %arg0, %c0_i32 : i32, i32
  }
  func.func @transform_5(%arg0: i32) -> (i32, i32) {
    %c0_i32 = arith.constant 0 : i32
    %c0_i32_0 = arith.constant 0 : i32
    %c0_i32_1 = arith.constant 0 : i32
    return %c0_i32, %c0_i32_0 : i32, i32
  }
  func.func @transform_6(%arg0: i32) -> (i32, i32) {
    %c0_i32 = arith.constant 0 : i32
    %c0_i32_0 = arith.constant 0 : i32
    %c0_i32_1 = arith.constant 0 : i32
    return %c0_i32, %c0_i32_0 : i32, i32
  }
  func.func @transform_7(%arg0: i32) -> (i32, i32) {
    %c0_i32 = arith.constant 0 : i32
    %c0_i32_0 = arith.constant 0 : i32
    %c0_i32_1 = arith.constant 0 : i32
    return %c0_i32, %c0_i32_0 : i32, i32
  }
  func.func @transform_8(%arg0: i32) -> (i32, i32) {
    %c0_i32 = arith.constant 0 : i32
    %c0_i32_0 = arith.constant 0 : i32
    %c0_i32_1 = arith.constant 0 : i32
    return %c0_i32, %c0_i32_0 : i32, i32
  }
  func.func @transform_9(%arg0: i32) -> (i32, i32) {
    %c0_i32 = arith.constant 0 : i32
    %c0_i32_0 = arith.constant 0 : i32
    %c0_i32_1 = arith.constant 0 : i32
    return %c0_i32, %c0_i32_0 : i32, i32
  }
  func.func @transform_10(%arg0: i32) -> (i32, i32) {
    %c0_i32 = arith.constant 0 : i32
    %c0_i32_0 = arith.constant 0 : i32
    %c0_i32_1 = arith.constant 0 : i32
    return %c0_i32, %c0_i32_0 : i32, i32
  }
  func.func @transform_11(%arg0: i32) -> (i32, i32) {
    %c0_i32 = arith.constant 0 : i32
    %c0_i32_0 = arith.constant 0 : i32
    %c0_i32_1 = arith.constant 0 : i32
    return %c0_i32, %c0_i32_0 : i32, i32
  }
  func.func @transform_12(%arg0: i32) -> (i32, i32) {
    %c0_i32 = arith.constant 0 : i32
    %c0_i32_0 = arith.constant 0 : i32
    %c0_i32_1 = arith.constant 0 : i32
    return %c0_i32, %c0_i32_0 : i32, i32
  }
  func.func @transform_13(%arg0: i32) -> (i32, i32) {
    %c0_i32 = arith.constant 0 : i32
    %c0_i32_0 = arith.constant 0 : i32
    %c0_i32_1 = arith.constant 0 : i32
    return %c0_i32, %c0_i32_0 : i32, i32
  }
  func.func @transform_14(%arg0: i32) -> (i32, i32) {
    %c0_i32 = arith.constant 0 : i32
    %c0_i32_0 = arith.constant 0 : i32
    return %arg0, %c0_i32 : i32, i32
  }
  func.func @transform_15(%arg0: i32) -> (i32, i32) {
    %c0_i32 = arith.constant 0 : i32
    %c0_i32_0 = arith.constant 0 : i32
    return %arg0, %c0_i32 : i32, i32
  }
  func.func @transform_16(%arg0: i32) -> (i32, i32) {
    %c0_i32 = arith.constant 0 : i32
    %c0_i32_0 = arith.constant 0 : i32
    return %arg0, %c0_i32 : i32, i32
  }
}

module attributes {stable_mosaic.version = 14 : i64} {
  func.func @_mid_layer_kernel(%arg0: i32, %arg1: memref<200x32x32xf32, #tpu.memory_space<vmem>>, %arg2: memref<200x32xf32, #tpu.memory_space<vmem>>, %arg3: memref<200x64xf32, #tpu.memory_space<vmem>>, %arg4: memref<200x2xf32, #tpu.memory_space<vmem>>, %arg5: memref<200x32xf32, #tpu.memory_space<vmem>>, %arg6: memref<32x32xf32, #tpu.memory_space<vmem>>, %arg7: memref<1x32xf32, #tpu.memory_space<vmem>>, %arg8: memref<96x32xf32, #tpu.memory_space<vmem>>, %arg9: memref<1x32xf32, #tpu.memory_space<vmem>>, %arg10: memref<32x32xf32, #tpu.memory_space<vmem>>, %arg11: memref<1x32xf32, #tpu.memory_space<vmem>>, %arg12: memref<32x16xf32, #tpu.memory_space<vmem>>, %arg13: memref<2x16xf32, #tpu.memory_space<vmem>>, %arg14: memref<1x16xf32, #tpu.memory_space<vmem>>, %arg15: memref<200x32xf32, #tpu.memory_space<vmem>>, %arg16: memref<200x16xf32, #tpu.memory_space<vmem>>, %arg17: memref<200x16xf32, #tpu.memory_space<vmem>>) attributes {dimension_semantics = [#tpu.dimension_semantics<arbitrary>], iteration_bounds = array<i64: 50>, scalar_prefetch = 0 : i64, scratch_operands = 0 : i64, tpu.core_type = #tpu.core_type<tc>, window_params = [{transform_indices = @transform_0, window_bounds = array<i64: 200, 32, 32>}, {transform_indices = @transform_1, window_bounds = array<i64: 200, 32>}, {transform_indices = @transform_2, window_bounds = array<i64: 200, 64>}, {transform_indices = @transform_3, window_bounds = array<i64: 200, 2>}, {transform_indices = @transform_4, window_bounds = array<i64: 200, 32>}, {pipeline_mode = #tpu.pipeline_mode<synchronous>, transform_indices = @transform_5, window_bounds = array<i64: 32, 32>}, {pipeline_mode = #tpu.pipeline_mode<synchronous>, transform_indices = @transform_6, window_bounds = array<i64: 1, 32>}, {pipeline_mode = #tpu.pipeline_mode<synchronous>, transform_indices = @transform_7, window_bounds = array<i64: 96, 32>}, {pipeline_mode = #tpu.pipeline_mode<synchronous>, transform_indices = @transform_8, window_bounds = array<i64: 1, 32>}, {pipeline_mode = #tpu.pipeline_mode<synchronous>, transform_indices = @transform_9, window_bounds = array<i64: 32, 32>}, {pipeline_mode = #tpu.pipeline_mode<synchronous>, transform_indices = @transform_10, window_bounds = array<i64: 1, 32>}, {pipeline_mode = #tpu.pipeline_mode<synchronous>, transform_indices = @transform_11, window_bounds = array<i64: 32, 16>}, {pipeline_mode = #tpu.pipeline_mode<synchronous>, transform_indices = @transform_12, window_bounds = array<i64: 2, 16>}, {pipeline_mode = #tpu.pipeline_mode<synchronous>, transform_indices = @transform_13, window_bounds = array<i64: 1, 16>}, {transform_indices = @transform_14, window_bounds = array<i64: 200, 32>}, {transform_indices = @transform_15, window_bounds = array<i64: 200, 16>}, {transform_indices = @transform_16, window_bounds = array<i64: 200, 16>}]} {
    %get3A = arith.constant 0 : index
    %get3A_0 = arith.constant 0 : index
    %get3A_1 = arith.constant 0 : index
    %get3A_2 = vector.load %arg1[%get3A, %get3A_0, %get3A_1] : memref<200x32x32xf32, #tpu.memory_space<vmem>>, vector<200x32x32xf32>
    %get3A_3 = arith.constant 0 : index
    %get3A_4 = arith.constant 0 : index
    %get3A_5 = vector.load %arg2[%get3A_3, %get3A_4] : memref<200x32xf32, #tpu.memory_space<vmem>>, vector<200x32xf32>
    %broadcast_in_dim3A = vector.shape_cast %get3A_5 : vector<200x32xf32> to vector<200x1x32xf32>
    %sub3A = vector.broadcast %broadcast_in_dim3A : vector<200x1x32xf32> to vector<200x32x32xf32>
    %sub3A_6 = arith.subf %get3A_2, %sub3A : vector<200x32x32xf32>
    %max3A = arith.constant 0.000000e+00 : f32
    %max3A_7 = vector.broadcast %max3A : f32 to vector<200x32x32xf32>
    %max3A_8 = arith.maximumf %sub3A_6, %max3A_7 : vector<200x32x32xf32>
    %reshape3A = vector.shape_cast %max3A_8 : vector<200x32x32xf32> to vector<6400x32xf32>
    %get3A_9 = arith.constant 0 : index
    %get3A_10 = arith.constant 0 : index
    %get3A_11 = vector.load %arg6[%get3A_9, %get3A_10] : memref<32x32xf32, #tpu.memory_space<vmem>>, vector<32x32xf32>
    %dot_general3A = arith.constant dense<0.000000e+00> : vector<6400x32xf32>
    %dot_general3A_12 = tpu.matmul %reshape3A, %get3A_11, %dot_general3A {dimension_numbers = #tpu.dot_dimension_numbers<[1], [0], [0], [1], [0, 0, 1, 1], [], []>, transpose_lhs_hint = false} : vector<6400x32xf32>, vector<32x32xf32>, vector<6400x32xf32> -> vector<6400x32xf32>
    %get3A_13 = arith.constant 0 : index
    %get3A_14 = arith.constant 0 : index
    %get3A_15 = vector.load %arg7[%get3A_13, %get3A_14] : memref<1x32xf32, #tpu.memory_space<vmem>>, vector<1x32xf32>
    %add3A = vector.broadcast %get3A_15 : vector<1x32xf32> to vector<6400x32xf32>
    %add3A_16 = arith.addf %dot_general3A_12, %add3A : vector<6400x32xf32>
    %max3A_17 = arith.constant 0.000000e+00 : f32
    %max3A_18 = vector.broadcast %max3A_17 : f32 to vector<6400x32xf32>
    %max3A_19 = arith.maximumf %add3A_16, %max3A_18 : vector<6400x32xf32>
    %reshape3A_20 = vector.shape_cast %max3A_19 : vector<6400x32xf32> to vector<200x32x32xf32>
    %get3A_21 = arith.constant 0 : index
    %get3A_22 = arith.constant 0 : index
    %get3A_23 = vector.load %arg5[%get3A_21, %get3A_22] : memref<200x32xf32, #tpu.memory_space<vmem>>, vector<200x32xf32>
    %broadcast_in_dim3A_24 = vector.shape_cast %get3A_23 : vector<200x32xf32> to vector<200x32x1xf32>
    %mul3A = vector.broadcast %broadcast_in_dim3A_24 : vector<200x32x1xf32> to vector<200x32x32xf32>
    %mul3A_25 = arith.mulf %reshape3A_20, %mul3A : vector<200x32x32xf32>
    %reduce_sum3A = arith.constant dense<0.000000e+00> : vector<200x32xf32>
    %reduce_sum3A_26 = vector.multi_reduction <add>, %mul3A_25, %reduce_sum3A [1] : vector<200x32x32xf32> to vector<200x32xf32>
    %get3A_27 = arith.constant 0 : index
    %get3A_28 = arith.constant 0 : index
    %get3A_29 = vector.load %arg3[%get3A_27, %get3A_28] : memref<200x64xf32, #tpu.memory_space<vmem>>, vector<200x64xf32>
    %get3A_30 = arith.constant 0 : index
    %get3A_31 = arith.constant 0 : index
    %get3A_32 = vector.load %arg8[%get3A_30, %get3A_31] : memref<96x32xf32, #tpu.memory_space<vmem>>, vector<64x32xf32>
    %dot_general3A_33 = arith.constant dense<0.000000e+00> : vector<200x32xf32>
    %dot_general3A_34 = tpu.matmul %get3A_29, %get3A_32, %dot_general3A_33 {dimension_numbers = #tpu.dot_dimension_numbers<[1], [0], [0], [1], [0, 0, 1, 1], [], []>, transpose_lhs_hint = false} : vector<200x64xf32>, vector<64x32xf32>, vector<200x32xf32> -> vector<200x32xf32>
    %get3A_35 = arith.constant 64 : index
    %get3A_36 = arith.constant 0 : index
    %get3A_37 = vector.load %arg8[%get3A_35, %get3A_36] : memref<96x32xf32, #tpu.memory_space<vmem>>, vector<32x32xf32>
    %dot_general3A_38 = arith.constant dense<0.000000e+00> : vector<200x32xf32>
    %dot_general3A_39 = tpu.matmul %reduce_sum3A_26, %get3A_37, %dot_general3A_38 {dimension_numbers = #tpu.dot_dimension_numbers<[1], [0], [0], [1], [0, 0, 1, 1], [], []>, transpose_lhs_hint = false} : vector<200x32xf32>, vector<32x32xf32>, vector<200x32xf32> -> vector<200x32xf32>
    %add3A_40 = arith.addf %dot_general3A_34, %dot_general3A_39 : vector<200x32xf32>
    %get3A_41 = arith.constant 0 : index
    %get3A_42 = arith.constant 0 : index
    %get3A_43 = vector.load %arg9[%get3A_41, %get3A_42] : memref<1x32xf32, #tpu.memory_space<vmem>>, vector<1x32xf32>
    %add3A_44 = vector.broadcast %get3A_43 : vector<1x32xf32> to vector<200x32xf32>
    %add3A_45 = arith.addf %add3A_40, %add3A_44 : vector<200x32xf32>
    %max3A_46 = arith.constant 0.000000e+00 : f32
    %max3A_47 = vector.broadcast %max3A_46 : f32 to vector<200x32xf32>
    %max3A_48 = arith.maximumf %add3A_45, %max3A_47 : vector<200x32xf32>
    %get3A_49 = arith.constant 0 : index
    %get3A_50 = arith.constant 0 : index
    %get3A_51 = vector.load %arg10[%get3A_49, %get3A_50] : memref<32x32xf32, #tpu.memory_space<vmem>>, vector<32x32xf32>
    %dot_general3A_52 = arith.constant dense<0.000000e+00> : vector<200x32xf32>
    %dot_general3A_53 = tpu.matmul %max3A_48, %get3A_51, %dot_general3A_52 {dimension_numbers = #tpu.dot_dimension_numbers<[1], [0], [0], [1], [0, 0, 1, 1], [], []>, transpose_lhs_hint = false} : vector<200x32xf32>, vector<32x32xf32>, vector<200x32xf32> -> vector<200x32xf32>
    %get3A_54 = arith.constant 0 : index
    %get3A_55 = arith.constant 0 : index
    %get3A_56 = vector.load %arg11[%get3A_54, %get3A_55] : memref<1x32xf32, #tpu.memory_space<vmem>>, vector<1x32xf32>
    %add3A_57 = vector.broadcast %get3A_56 : vector<1x32xf32> to vector<200x32xf32>
    %add3A_58 = arith.addf %dot_general3A_53, %add3A_57 : vector<200x32xf32>
    %swap3A = arith.constant 0 : index
    %swap3A_59 = arith.constant 0 : index
    %swap3A_60 = vector.load %arg15[%swap3A, %swap3A_59] : memref<200x32xf32, #tpu.memory_space<vmem>>, vector<200x32xf32>
    tpu.vector_store %arg15[%swap3A, %swap3A_59], %add3A_58 {strides = array<i32>} : memref<200x32xf32, #tpu.memory_space<vmem>>, vector<200x32xf32>,
    %get3A_61 = arith.constant 0 : index
    %get3A_62 = arith.constant 0 : index
    %get3A_63 = vector.load %arg4[%get3A_61, %get3A_62] : memref<200x2xf32, #tpu.memory_space<vmem>>, vector<200x2xf32>
    %get3A_64 = arith.constant 0 : index
    %get3A_65 = arith.constant 0 : index
    %get3A_66 = vector.load %arg13[%get3A_64, %get3A_65] : memref<2x16xf32, #tpu.memory_space<vmem>>, vector<2x16xf32>
    %dot_general3A_67 = arith.constant dense<0.000000e+00> : vector<200x16xf32>
    %dot_general3A_68 = tpu.matmul %get3A_63, %get3A_66, %dot_general3A_67 {dimension_numbers = #tpu.dot_dimension_numbers<[1], [0], [0], [1], [0, 0, 1, 1], [], []>, transpose_lhs_hint = false} : vector<200x2xf32>, vector<2x16xf32>, vector<200x16xf32> -> vector<200x16xf32>
    %swap3A_69 = arith.constant 0 : index
    %swap3A_70 = arith.constant 0 : index
    %swap3A_71 = vector.load %arg17[%swap3A_69, %swap3A_70] : memref<200x16xf32, #tpu.memory_space<vmem>>, vector<200x16xf32>
    tpu.vector_store %arg17[%swap3A_69, %swap3A_70], %dot_general3A_68 {strides = array<i32>} : memref<200x16xf32, #tpu.memory_space<vmem>>, vector<200x16xf32>,
    %get3A_72 = arith.constant 0 : index
    %get3A_73 = arith.constant 0 : index
    %get3A_74 = vector.load %arg12[%get3A_72, %get3A_73] : memref<32x16xf32, #tpu.memory_space<vmem>>, vector<32x16xf32>
    %dot_general3A_75 = arith.constant dense<0.000000e+00> : vector<200x16xf32>
    %dot_general3A_76 = tpu.matmul %add3A_58, %get3A_74, %dot_general3A_75 {dimension_numbers = #tpu.dot_dimension_numbers<[1], [0], [0], [1], [0, 0, 1, 1], [], []>, transpose_lhs_hint = false} : vector<200x32xf32>, vector<32x16xf32>, vector<200x16xf32> -> vector<200x16xf32>
    %add3A_77 = arith.addf %dot_general3A_76, %dot_general3A_68 : vector<200x16xf32>
    %get3A_78 = arith.constant 0 : index
    %get3A_79 = arith.constant 0 : index
    %get3A_80 = vector.load %arg14[%get3A_78, %get3A_79] : memref<1x16xf32, #tpu.memory_space<vmem>>, vector<1x16xf32>
    %add3A_81 = vector.broadcast %get3A_80 : vector<1x16xf32> to vector<200x16xf32>
    %add3A_82 = arith.addf %add3A_77, %add3A_81 : vector<200x16xf32>
    %swap3A_83 = arith.constant 0 : index
    %swap3A_84 = arith.constant 0 : index
    %swap3A_85 = vector.load %arg16[%swap3A_83, %swap3A_84] : memref<200x16xf32, #tpu.memory_space<vmem>>, vector<200x16xf32>
    tpu.vector_store %arg16[%swap3A_83, %swap3A_84], %add3A_82 {strides = array<i32>} : memref<200x16xf32, #tpu.memory_space<vmem>>, vector<200x16xf32>,
    return
  }
  func.func @transform_0(%arg0: i32) -> (i32, i32, i32) {
    %c0_i32 = arith.constant 0 : i32
    %c0_i32_0 = arith.constant 0 : i32
    %c0_i32_1 = arith.constant 0 : i32
    return %arg0, %c0_i32, %c0_i32_0 : i32, i32, i32
  }
  func.func @transform_1(%arg0: i32) -> (i32, i32) {
    %c0_i32 = arith.constant 0 : i32
    %c0_i32_0 = arith.constant 0 : i32
    return %arg0, %c0_i32 : i32, i32
  }
  func.func @transform_2(%arg0: i32) -> (i32, i32) {
    %c0_i32 = arith.constant 0 : i32
    %c0_i32_0 = arith.constant 0 : i32
    return %arg0, %c0_i32 : i32, i32
  }
  func.func @transform_3(%arg0: i32) -> (i32, i32) {
    %c0_i32 = arith.constant 0 : i32
    %c0_i32_0 = arith.constant 0 : i32
    return %arg0, %c0_i32 : i32, i32
  }
  func.func @transform_4(%arg0: i32) -> (i32, i32) {
    %c0_i32 = arith.constant 0 : i32
    %c0_i32_0 = arith.constant 0 : i32
    return %arg0, %c0_i32 : i32, i32
  }
  func.func @transform_5(%arg0: i32) -> (i32, i32) {
    %c0_i32 = arith.constant 0 : i32
    %c0_i32_0 = arith.constant 0 : i32
    %c0_i32_1 = arith.constant 0 : i32
    return %c0_i32, %c0_i32_0 : i32, i32
  }
  func.func @transform_6(%arg0: i32) -> (i32, i32) {
    %c0_i32 = arith.constant 0 : i32
    %c0_i32_0 = arith.constant 0 : i32
    %c0_i32_1 = arith.constant 0 : i32
    return %c0_i32, %c0_i32_0 : i32, i32
  }
  func.func @transform_7(%arg0: i32) -> (i32, i32) {
    %c0_i32 = arith.constant 0 : i32
    %c0_i32_0 = arith.constant 0 : i32
    %c0_i32_1 = arith.constant 0 : i32
    return %c0_i32, %c0_i32_0 : i32, i32
  }
  func.func @transform_8(%arg0: i32) -> (i32, i32) {
    %c0_i32 = arith.constant 0 : i32
    %c0_i32_0 = arith.constant 0 : i32
    %c0_i32_1 = arith.constant 0 : i32
    return %c0_i32, %c0_i32_0 : i32, i32
  }
  func.func @transform_9(%arg0: i32) -> (i32, i32) {
    %c0_i32 = arith.constant 0 : i32
    %c0_i32_0 = arith.constant 0 : i32
    %c0_i32_1 = arith.constant 0 : i32
    return %c0_i32, %c0_i32_0 : i32, i32
  }
  func.func @transform_10(%arg0: i32) -> (i32, i32) {
    %c0_i32 = arith.constant 0 : i32
    %c0_i32_0 = arith.constant 0 : i32
    %c0_i32_1 = arith.constant 0 : i32
    return %c0_i32, %c0_i32_0 : i32, i32
  }
  func.func @transform_11(%arg0: i32) -> (i32, i32) {
    %c0_i32 = arith.constant 0 : i32
    %c0_i32_0 = arith.constant 0 : i32
    %c0_i32_1 = arith.constant 0 : i32
    return %c0_i32, %c0_i32_0 : i32, i32
  }
  func.func @transform_12(%arg0: i32) -> (i32, i32) {
    %c0_i32 = arith.constant 0 : i32
    %c0_i32_0 = arith.constant 0 : i32
    %c0_i32_1 = arith.constant 0 : i32
    return %c0_i32, %c0_i32_0 : i32, i32
  }
  func.func @transform_13(%arg0: i32) -> (i32, i32) {
    %c0_i32 = arith.constant 0 : i32
    %c0_i32_0 = arith.constant 0 : i32
    %c0_i32_1 = arith.constant 0 : i32
    return %c0_i32, %c0_i32_0 : i32, i32
  }
  func.func @transform_14(%arg0: i32) -> (i32, i32) {
    %c0_i32 = arith.constant 0 : i32
    %c0_i32_0 = arith.constant 0 : i32
    return %arg0, %c0_i32 : i32, i32
  }
  func.func @transform_15(%arg0: i32) -> (i32, i32) {
    %c0_i32 = arith.constant 0 : i32
    %c0_i32_0 = arith.constant 0 : i32
    return %arg0, %c0_i32 : i32, i32
  }
  func.func @transform_16(%arg0: i32) -> (i32, i32) {
    %c0_i32 = arith.constant 0 : i32
    %c0_i32_0 = arith.constant 0 : i32
    return %arg0, %c0_i32 : i32, i32
  }
}

module attributes {stable_mosaic.version = 14 : i64} {
  func.func @_last_layer_kernel(%arg0: i32, %arg1: memref<200x32x16xf32, #tpu.memory_space<vmem>>, %arg2: memref<200x16xf32, #tpu.memory_space<vmem>>, %arg3: memref<200x32xf32, #tpu.memory_space<vmem>>, %arg4: memref<200x32xf32, #tpu.memory_space<vmem>>, %arg5: memref<200x1xf32, #tpu.memory_space<vmem>>, %arg6: memref<1x1xf32, #tpu.memory_space<vmem>>, %arg7: memref<16x16xf32, #tpu.memory_space<vmem>>, %arg8: memref<1x16xf32, #tpu.memory_space<vmem>>, %arg9: memref<48x16xf32, #tpu.memory_space<vmem>>, %arg10: memref<1x16xf32, #tpu.memory_space<vmem>>, %arg11: memref<16x1xf32, #tpu.memory_space<vmem>>, %arg12: memref<1x1xf32, #tpu.memory_space<vmem>>, %arg13: memref<200x1xf32, #tpu.memory_space<vmem>>, %arg14: memref<200x1xf32, #tpu.memory_space<vmem>>) attributes {dimension_semantics = [#tpu.dimension_semantics<arbitrary>], iteration_bounds = array<i64: 50>, scalar_prefetch = 0 : i64, scratch_operands = 0 : i64, tpu.core_type = #tpu.core_type<tc>, window_params = [{transform_indices = @transform_0, window_bounds = array<i64: 200, 32, 16>}, {transform_indices = @transform_1, window_bounds = array<i64: 200, 16>}, {transform_indices = @transform_2, window_bounds = array<i64: 200, 32>}, {transform_indices = @transform_3, window_bounds = array<i64: 200, 32>}, {transform_indices = @transform_4, window_bounds = array<i64: 200, 1>}, {pipeline_mode = #tpu.pipeline_mode<synchronous>, transform_indices = @transform_5, window_bounds = array<i64: 1, 1>}, {pipeline_mode = #tpu.pipeline_mode<synchronous>, transform_indices = @transform_6, window_bounds = array<i64: 16, 16>}, {pipeline_mode = #tpu.pipeline_mode<synchronous>, transform_indices = @transform_7, window_bounds = array<i64: 1, 16>}, {pipeline_mode = #tpu.pipeline_mode<synchronous>, transform_indices = @transform_8, window_bounds = array<i64: 48, 16>}, {pipeline_mode = #tpu.pipeline_mode<synchronous>, transform_indices = @transform_9, window_bounds = array<i64: 1, 16>}, {pipeline_mode = #tpu.pipeline_mode<synchronous>, transform_indices = @transform_10, window_bounds = array<i64: 16, 1>}, {pipeline_mode = #tpu.pipeline_mode<synchronous>, transform_indices = @transform_11, window_bounds = array<i64: 1, 1>}, {transform_indices = @transform_12, window_bounds = array<i64: 200, 1>}, {transform_indices = @transform_13, window_bounds = array<i64: 200, 1>}]} {
    %get3A = arith.constant 0 : index
    %get3A_0 = arith.constant 0 : index
    %get3A_1 = arith.constant 0 : index
    %get3A_2 = vector.load %arg1[%get3A, %get3A_0, %get3A_1] : memref<200x32x16xf32, #tpu.memory_space<vmem>>, vector<200x32x16xf32>
    %get3A_3 = arith.constant 0 : index
    %get3A_4 = arith.constant 0 : index
    %get3A_5 = vector.load %arg2[%get3A_3, %get3A_4] : memref<200x16xf32, #tpu.memory_space<vmem>>, vector<200x16xf32>
    %broadcast_in_dim3A = vector.shape_cast %get3A_5 : vector<200x16xf32> to vector<200x1x16xf32>
    %sub3A = vector.broadcast %broadcast_in_dim3A : vector<200x1x16xf32> to vector<200x32x16xf32>
    %sub3A_6 = arith.subf %get3A_2, %sub3A : vector<200x32x16xf32>
    %max3A = arith.constant 0.000000e+00 : f32
    %max3A_7 = vector.broadcast %max3A : f32 to vector<200x32x16xf32>
    %max3A_8 = arith.maximumf %sub3A_6, %max3A_7 : vector<200x32x16xf32>
    %reshape3A = vector.shape_cast %max3A_8 : vector<200x32x16xf32> to vector<6400x16xf32>
    %get3A_9 = arith.constant 0 : index
    %get3A_10 = arith.constant 0 : index
    %get3A_11 = vector.load %arg7[%get3A_9, %get3A_10] : memref<16x16xf32, #tpu.memory_space<vmem>>, vector<16x16xf32>
    %dot_general3A = arith.constant dense<0.000000e+00> : vector<6400x16xf32>
    %dot_general3A_12 = tpu.matmul %reshape3A, %get3A_11, %dot_general3A {dimension_numbers = #tpu.dot_dimension_numbers<[1], [0], [0], [1], [0, 0, 1, 1], [], []>, transpose_lhs_hint = false} : vector<6400x16xf32>, vector<16x16xf32>, vector<6400x16xf32> -> vector<6400x16xf32>
    %get3A_13 = arith.constant 0 : index
    %get3A_14 = arith.constant 0 : index
    %get3A_15 = vector.load %arg8[%get3A_13, %get3A_14] : memref<1x16xf32, #tpu.memory_space<vmem>>, vector<1x16xf32>
    %add3A = vector.broadcast %get3A_15 : vector<1x16xf32> to vector<6400x16xf32>
    %add3A_16 = arith.addf %dot_general3A_12, %add3A : vector<6400x16xf32>
    %max3A_17 = arith.constant 0.000000e+00 : f32
    %max3A_18 = vector.broadcast %max3A_17 : f32 to vector<6400x16xf32>
    %max3A_19 = arith.maximumf %add3A_16, %max3A_18 : vector<6400x16xf32>
    %reshape3A_20 = vector.shape_cast %max3A_19 : vector<6400x16xf32> to vector<200x32x16xf32>
    %get3A_21 = arith.constant 0 : index
    %get3A_22 = arith.constant 0 : index
    %get3A_23 = vector.load %arg4[%get3A_21, %get3A_22] : memref<200x32xf32, #tpu.memory_space<vmem>>, vector<200x32xf32>
    %broadcast_in_dim3A_24 = vector.shape_cast %get3A_23 : vector<200x32xf32> to vector<200x32x1xf32>
    %mul3A = vector.broadcast %broadcast_in_dim3A_24 : vector<200x32x1xf32> to vector<200x32x16xf32>
    %mul3A_25 = arith.mulf %reshape3A_20, %mul3A : vector<200x32x16xf32>
    %reduce_sum3A = arith.constant dense<0.000000e+00> : vector<200x16xf32>
    %reduce_sum3A_26 = vector.multi_reduction <add>, %mul3A_25, %reduce_sum3A [1] : vector<200x32x16xf32> to vector<200x16xf32>
    %get3A_27 = arith.constant 0 : index
    %get3A_28 = arith.constant 0 : index
    %get3A_29 = vector.load %arg3[%get3A_27, %get3A_28] : memref<200x32xf32, #tpu.memory_space<vmem>>, vector<200x32xf32>
    %get3A_30 = arith.constant 0 : index
    %get3A_31 = arith.constant 0 : index
    %get3A_32 = vector.load %arg9[%get3A_30, %get3A_31] : memref<48x16xf32, #tpu.memory_space<vmem>>, vector<32x16xf32>
    %dot_general3A_33 = arith.constant dense<0.000000e+00> : vector<200x16xf32>
    %dot_general3A_34 = tpu.matmul %get3A_29, %get3A_32, %dot_general3A_33 {dimension_numbers = #tpu.dot_dimension_numbers<[1], [0], [0], [1], [0, 0, 1, 1], [], []>, transpose_lhs_hint = false} : vector<200x32xf32>, vector<32x16xf32>, vector<200x16xf32> -> vector<200x16xf32>
    %get3A_35 = arith.constant 32 : index
    %get3A_36 = arith.constant 0 : index
    %get3A_37 = vector.load %arg9[%get3A_35, %get3A_36] : memref<48x16xf32, #tpu.memory_space<vmem>>, vector<16x16xf32>
    %dot_general3A_38 = arith.constant dense<0.000000e+00> : vector<200x16xf32>
    %dot_general3A_39 = tpu.matmul %reduce_sum3A_26, %get3A_37, %dot_general3A_38 {dimension_numbers = #tpu.dot_dimension_numbers<[1], [0], [0], [1], [0, 0, 1, 1], [], []>, transpose_lhs_hint = false} : vector<200x16xf32>, vector<16x16xf32>, vector<200x16xf32> -> vector<200x16xf32>
    %add3A_40 = arith.addf %dot_general3A_34, %dot_general3A_39 : vector<200x16xf32>
    %get3A_41 = arith.constant 0 : index
    %get3A_42 = arith.constant 0 : index
    %get3A_43 = vector.load %arg10[%get3A_41, %get3A_42] : memref<1x16xf32, #tpu.memory_space<vmem>>, vector<1x16xf32>
    %add3A_44 = vector.broadcast %get3A_43 : vector<1x16xf32> to vector<200x16xf32>
    %add3A_45 = arith.addf %add3A_40, %add3A_44 : vector<200x16xf32>
    %max3A_46 = arith.constant 0.000000e+00 : f32
    %max3A_47 = vector.broadcast %max3A_46 : f32 to vector<200x16xf32>
    %max3A_48 = arith.maximumf %add3A_45, %max3A_47 : vector<200x16xf32>
    %get3A_49 = arith.constant 0 : index
    %get3A_50 = arith.constant 0 : index
    %get3A_51 = vector.load %arg11[%get3A_49, %get3A_50] : memref<16x1xf32, #tpu.memory_space<vmem>>, vector<16x1xf32>
    %dot_general3A_52 = arith.constant dense<0.000000e+00> : vector<200x1xf32>
    %dot_general3A_53 = tpu.matmul %max3A_48, %get3A_51, %dot_general3A_52 {dimension_numbers = #tpu.dot_dimension_numbers<[1], [0], [0], [1], [0, 0, 1, 1], [], []>, transpose_lhs_hint = false} : vector<200x16xf32>, vector<16x1xf32>, vector<200x1xf32> -> vector<200x1xf32>
    %get3A_54 = arith.constant 0 : index
    %get3A_55 = arith.constant 0 : index
    %get3A_56 = vector.load %arg12[%get3A_54, %get3A_55] : memref<1x1xf32, #tpu.memory_space<vmem>>, vector<1x1xf32>
    %add3A_57 = vector.broadcast %get3A_56 : vector<1x1xf32> to vector<200x1xf32>
    %add3A_58 = arith.addf %dot_general3A_53, %add3A_57 : vector<200x1xf32>
    %tanh3A = math.tanh %add3A_58 : vector<200x1xf32>
    %mul3A_59 = arith.constant 8.800000e+00 : f32
    %mul3A_60 = vector.broadcast %mul3A_59 : f32 to vector<200x1xf32>
    %mul3A_61 = arith.mulf %mul3A_60, %tanh3A : vector<200x1xf32>
    %swap3A = arith.constant 0 : index
    %swap3A_62 = arith.constant 0 : index
    %swap3A_63 = vector.load %arg14[%swap3A, %swap3A_62] : memref<200x1xf32, #tpu.memory_space<vmem>>, vector<200x1xf32>
    tpu.vector_store %arg14[%swap3A, %swap3A_62], %mul3A_61 {strides = array<i32>} : memref<200x1xf32, #tpu.memory_space<vmem>>, vector<200x1xf32>,
    %get3A_64 = arith.constant 0 : index
    %get3A_65 = arith.constant 0 : index
    %get3A_66 = vector.load %arg5[%get3A_64, %get3A_65] : memref<200x1xf32, #tpu.memory_space<vmem>>, vector<200x1xf32>
    %add3A_67 = arith.addf %mul3A_61, %get3A_66 : vector<200x1xf32>
    %get3A_68 = arith.constant 0 : index
    %get3A_69 = arith.constant 0 : index
    %get3A_70 = vector.load %arg6[%get3A_68, %get3A_69] : memref<1x1xf32, #tpu.memory_space<vmem>>, vector<1x1xf32>
    %mul3A_71 = vector.broadcast %get3A_70 : vector<1x1xf32> to vector<200x1xf32>
    %mul3A_72 = arith.mulf %add3A_67, %mul3A_71 : vector<200x1xf32>
    %neg3A = arith.constant 0.000000e+00 : f32
    %neg3A_73 = vector.broadcast %neg3A : f32 to vector<200x1xf32>
    %neg3A_74 = arith.subf %neg3A_73, %mul3A_72 : vector<200x1xf32>
    %custom_jvp_call3A = arith.constant 0.000000e+00 : f32
    %max3A_75 = vector.broadcast %custom_jvp_call3A : f32 to vector<200x1xf32>
    %max3A_76 = arith.maximumf %neg3A_74, %max3A_75 : vector<200x1xf32>
    %sub3A_77 = vector.broadcast %custom_jvp_call3A : f32 to vector<200x1xf32>
    %sub3A_78 = arith.subf %neg3A_74, %sub3A_77 : vector<200x1xf32>
    %ne3A = arith.cmpf one, %sub3A_78, %sub3A_78 : vector<200x1xf32>
    %add3A_79 = vector.broadcast %custom_jvp_call3A : f32 to vector<200x1xf32>
    %add3A_80 = arith.addf %neg3A_74, %add3A_79 : vector<200x1xf32>
    %abs3A = math.absf %sub3A_78 : vector<200x1xf32>
    %neg3A_81 = arith.constant 0.000000e+00 : f32
    %neg3A_82 = vector.broadcast %neg3A_81 : f32 to vector<200x1xf32>
    %neg3A_83 = arith.subf %neg3A_82, %abs3A : vector<200x1xf32>
    %exp3A = math.exp %neg3A_83 : vector<200x1xf32>
    %log1p3A = math.log1p %exp3A : vector<200x1xf32>
    %add3A_84 = arith.addf %max3A_76, %log1p3A : vector<200x1xf32>
    %select_n3A = arith.select %ne3A, %add3A_80, %add3A_84 : vector<200x1xi1>, vector<200x1xf32>
    %neg3A_85 = arith.constant 0.000000e+00 : f32
    %neg3A_86 = vector.broadcast %neg3A_85 : f32 to vector<200x1xf32>
    %neg3A_87 = arith.subf %neg3A_86, %select_n3A : vector<200x1xf32>
    %swap3A_88 = arith.constant 0 : index
    %swap3A_89 = arith.constant 0 : index
    %swap3A_90 = vector.load %arg13[%swap3A_88, %swap3A_89] : memref<200x1xf32, #tpu.memory_space<vmem>>, vector<200x1xf32>
    tpu.vector_store %arg13[%swap3A_88, %swap3A_89], %neg3A_87 {strides = array<i32>} : memref<200x1xf32, #tpu.memory_space<vmem>>, vector<200x1xf32>,
    return
  }
  func.func @transform_0(%arg0: i32) -> (i32, i32, i32) {
    %c0_i32 = arith.constant 0 : i32
    %c0_i32_0 = arith.constant 0 : i32
    %c0_i32_1 = arith.constant 0 : i32
    return %arg0, %c0_i32, %c0_i32_0 : i32, i32, i32
  }
  func.func @transform_1(%arg0: i32) -> (i32, i32) {
    %c0_i32 = arith.constant 0 : i32
    %c0_i32_0 = arith.constant 0 : i32
    return %arg0, %c0_i32 : i32, i32
  }
  func.func @transform_2(%arg0: i32) -> (i32, i32) {
    %c0_i32 = arith.constant 0 : i32
    %c0_i32_0 = arith.constant 0 : i32
    return %arg0, %c0_i32 : i32, i32
  }
  func.func @transform_3(%arg0: i32) -> (i32, i32) {
    %c0_i32 = arith.constant 0 : i32
    %c0_i32_0 = arith.constant 0 : i32
    return %arg0, %c0_i32 : i32, i32
  }
  func.func @transform_4(%arg0: i32) -> (i32, i32) {
    %c0_i32 = arith.constant 0 : i32
    %c0_i32_0 = arith.constant 0 : i32
    return %arg0, %c0_i32 : i32, i32
  }
  func.func @transform_5(%arg0: i32) -> (i32, i32) {
    %c0_i32 = arith.constant 0 : i32
    %c0_i32_0 = arith.constant 0 : i32
    %c0_i32_1 = arith.constant 0 : i32
    return %c0_i32, %c0_i32_0 : i32, i32
  }
  func.func @transform_6(%arg0: i32) -> (i32, i32) {
    %c0_i32 = arith.constant 0 : i32
    %c0_i32_0 = arith.constant 0 : i32
    %c0_i32_1 = arith.constant 0 : i32
    return %c0_i32, %c0_i32_0 : i32, i32
  }
  func.func @transform_7(%arg0: i32) -> (i32, i32) {
    %c0_i32 = arith.constant 0 : i32
    %c0_i32_0 = arith.constant 0 : i32
    %c0_i32_1 = arith.constant 0 : i32
    return %c0_i32, %c0_i32_0 : i32, i32
  }
  func.func @transform_8(%arg0: i32) -> (i32, i32) {
    %c0_i32 = arith.constant 0 : i32
    %c0_i32_0 = arith.constant 0 : i32
    %c0_i32_1 = arith.constant 0 : i32
    return %c0_i32, %c0_i32_0 : i32, i32
  }
  func.func @transform_9(%arg0: i32) -> (i32, i32) {
    %c0_i32 = arith.constant 0 : i32
    %c0_i32_0 = arith.constant 0 : i32
    %c0_i32_1 = arith.constant 0 : i32
    return %c0_i32, %c0_i32_0 : i32, i32
  }
  func.func @transform_10(%arg0: i32) -> (i32, i32) {
    %c0_i32 = arith.constant 0 : i32
    %c0_i32_0 = arith.constant 0 : i32
    %c0_i32_1 = arith.constant 0 : i32
    return %c0_i32, %c0_i32_0 : i32, i32
  }
  func.func @transform_11(%arg0: i32) -> (i32, i32) {
    %c0_i32 = arith.constant 0 : i32
    %c0_i32_0 = arith.constant 0 : i32
    %c0_i32_1 = arith.constant 0 : i32
    return %c0_i32, %c0_i32_0 : i32, i32
  }
  func.func @transform_12(%arg0: i32) -> (i32, i32) {
    %c0_i32 = arith.constant 0 : i32
    %c0_i32_0 = arith.constant 0 : i32
    return %arg0, %c0_i32 : i32, i32
  }
  func.func @transform_13(%arg0: i32) -> (i32, i32) {
    %c0_i32 = arith.constant 0 : i32
    %c0_i32_0 = arith.constant 0 : i32
    return %arg0, %c0_i32 : i32, i32
  }
}

</mosaic_0001>

<sc_bundles>
// kernel: kernel.11.cloned.1.call-start
scs
__scs_entry_jumppad:
0x0: {  	(pc) =	sbr.rel $0x88, $3  }
0x1: {  	(tag) =	ssettag $0x0;
	lr =	simm.s32 $0x1  }
0x2: {  	[smem:$0x3F80] =	sst lr;
	_ =	strace $0xD0000000  }
0x3: {  	_ = 	snop  }
0x4: {  	_ = 	snop  }
0x5: {  	_ = 	snop  }
0x6: {  	_ = 	snop  }
0x7: {  	_ = 	snop  }
__scs_overlays_trampoline_lowered:
0x8: {  	[smem:$0x3F8F] =	sst s0  }
0x9: {  	[smem:$0x3F90] =	sst s1  }
0xa: {  	[smem:$0x3F91] =	sst s2  }
0xb: {  	[smem:$0x3F92] =	sst s3  }
0xc: {  	[smem:$0x3F93] =	sst s4  }
0xd: {  	[smem:$0x3F94] =	sst s5  }
0xe: {  	[smem:$0x3F95] =	sst s6  }
0xf: {  	[smem:$0x3F96] =	sst s7  }
0x10: {  	[smem:$0x3F97] =	sst s8  }
0x11: {  	[smem:$0x3F98] =	sst s9;
	s0 =	simm.s32 @!p0 $0x0  }
0x12: {  	s1 =	sld [smem:$0x3F7E];
	s0 =	simm.s32 @p0 $0x1  }
0x13: {  	[smem:$0x3F99] =	sst s0;
	s0 =	simm.s32 @!p1 $0x0  }
0x14: {  	s2 =	sld [smem:$0x3F7D];
	s0 =	simm.s32 @p1 $0x1  }
0x15: {  	[smem:$0x3F9A] =	sst s0;
	s0 =	simm.s32 @!p2 $0x0  }
0x16: {  	s3 =	sld [smem:$0x3FDB];
	s0 =	simm.s32 @p2 $0x1  }
0x17: {  	s4 =	simm.s32 $0x1BF5;
	[smem:$0x3F9C] =	sst s0  }
0x18: {  	s0 =	sld [smem:$0x3F7F];
	_ =	swait.ge [sflag:s4], $0x0  }
0x19: {  	s7 =	sld [smem:$0x3F80]  }
0x1a: {  	s8 =	sadd.s32 $0xFFFFE003, lr  }
0x1b: {  	s9 =	sadd.s32 $0xFFFFFEF7, lr;
	s5 =	simm.s32 $0xFFFFFFFF;
	p2 =	slt.u32 s8, $0xFFFFF086  }
0x1c: {  	p1 =	slt.u32 s9, $0xF7A;
	s5 =	simm.s32 @!p2 $0x0  }
0x1d: {  	s5 =	simm.s32 @p1 $0x1;
	p0 =	seq.s32 s7, s2  }
0x1e: {  	s7 =	smul.u32 @!p0 $0xF7A, s2;
	p2 =	seq.s32 @!p0 s5, $0x0  }
0x1f: {  	s9 =	smul.u32 $0xF7A, s1;
	s8 =	simm.s32 @!p0 $0x1BF5;
	p2 =	por !p2, p0  }
0x20: {  	[sflag:s8] =	ssyncset.s32 @!p0 $0xFFFFF086;
	s6 =	sadd.s32 @!p0 s3, s7;
	s7 =	simm.s32 @!p0 $0x108  }
0x21: {  	s3 =	sadd.s32 s3, s9;
	s6 =	sadd.s32 @!p0 $0x88, s6;
	s7 =	simm.s32 @p2 $0x1082  }
0x22: {  	[simem:s7], [sflag:s8] =	dma.local @!p0 [hbm:s6], $0xF7A  }
0x23: {  	s9 =	sor.u32 $0xD0000000, s2;
	s6 =	simm.s32 $0x108;
	_ =	swait.ge @!p0 [sflag:s8], $0x0  }
0x24: {  	s3 =	sadd.s32 $0x88, s3;
	s6 =	simm.s32 @!p1 $0x1082;
	[sflag:s4] =	ssyncset.s32 $0xFFFFF086  }
0x25: {  	[simem:s6], [sflag:s4] =	dma.local [hbm:s3], $0xF7A  }
0x26: {  	[smem:$0x3F80] =	sst s1;
	(tag) =	ssettag s2;
	_ =	strace s9  }
0x27: {  	s1 =	sld [smem:$0x3F90]  }
0x28: {  	s2 =	sld [smem:$0x3F91]  }
0x29: {  	s4 =	sld [smem:$0x3F93]  }
0x2a: {  	p0 =	seq.s32 s5, $0x0;
	s5 =	sld [smem:$0x3F94]  }
0x2b: {  	s6 =	sld [smem:$0x3F95]  }
0x2c: {  	s7 =	sld [smem:$0x3F96]  }
0x2d: {  	s3 =	simm.s32 $0x108;
	s8 =	sld [smem:$0x3F97]  }
0x2e: {  	s3 =	simm.s32 @!p0 $0x1082;
	s9 =	sld [smem:$0x3F98]  }
0x2f: {  	lr =	sadd.s32 s0, s3;
	s0 =	sld [smem:$0x3F8F]  }
0x30: {  	s3 =	sld [smem:$0x3F92]  }
0x31: {  	[smem:$0x3F9B] =	sst s10  }
0x32: {  	s10 =	sld [smem:$0x3F99];
	_ =	sdelay $0x3  }
0x33: {  	p0 =	seq.s32 s10, $0x1;
	s10 =	sld [smem:$0x3F9B];
	_ =	sdelay $0x3  }
0x34: {  	[smem:$0x3F9B] =	sst s10  }
0x35: {  	s10 =	sld [smem:$0x3F9A];
	_ =	sdelay $0x3  }
0x36: {  	p1 =	seq.s32 s10, $0x1;
	s10 =	sld [smem:$0x3F9B];
	_ =	sdelay $0x3  }
0x37: {  	[smem:$0x3F9B] =	sst s10  }
0x38: {  	s10 =	sld [smem:$0x3F9C]  }
0x39: {  	_ = 	snop;
	(pc) =	sbr.ind lr, $3  }
0x3a: {  	_ = 	snop  }
0x3b: {  	_ = 	snop  }
0x3c: {  	p2 =	seq.s32 s10, $0x1;
	s10 =	sld [smem:$0x3F9B]  }
0x3d: {  	_ =	shalt  }
0x3e: {  	_ =	shalt  }
0x3f: {  	_ =	shalt  }
0x40: {  	_ =	shalt  }
0x41: {  	_ =	shalt  }
0x42: {  	_ =	shalt  }
0x43: {  	_ =	shalt  }
0x44: {  	_ =	shalt  }
0x45: {  	_ =	shalt  }
0x46: {  	_ =	shalt  }
0x47: {  	_ =	shalt  }
0x48: {  	_ =	shalt  }
0x49: {  	_ =	shalt  }
0x4a: {  	_ =	shalt  }
0x4b: {  	_ =	shalt  }
0x4c: {  	_ =	shalt  }
0x4d: {  	_ =	shalt  }
0x4e: {  	_ =	shalt  }
0x4f: {  	_ =	shalt  }
0x50: {  	_ =	shalt  }
0x51: {  	_ =	shalt  }
0x52: {  	_ =	shalt  }
0x53: {  	_ =	shalt  }
0x54: {  	_ =	shalt  }
0x55: {  	_ =	shalt  }
0x56: {  	_ =	shalt  }
0x57: {  	_ =	shalt  }
0x58: {  	_ =	shalt  }
0x59: {  	_ =	shalt  }
0x5a: {  	_ =	shalt  }
0x5b: {  	_ =	shalt  }
0x5c: {  	_ =	shalt  }
0x5d: {  	_ =	shalt  }
0x5e: {  	_ =	shalt  }
0x5f: {  	_ =	shalt  }
0x60: {  	_ =	shalt  }
0x61: {  	_ =	shalt  }
0x62: {  	_ =	shalt  }
0x63: {  	_ =	shalt  }
0x64: {  	_ =	shalt  }
0x65: {  	_ =	shalt  }
0x66: {  	_ =	shalt  }
0x67: {  	_ =	shalt  }
0x68: {  	_ =	shalt  }
0x69: {  	_ =	shalt  }
0x6a: {  	_ =	shalt  }
0x6b: {  	_ =	shalt  }
0x6c: {  	_ =	shalt  }
0x6d: {  	_ =	shalt  }
0x6e: {  	_ =	shalt  }
0x6f: {  	_ =	shalt  }
0x70: {  	_ =	shalt  }
0x71: {  	_ =	shalt  }
0x72: {  	_ =	shalt  }
0x73: {  	_ =	shalt  }
0x74: {  	_ =	shalt  }
0x75: {  	_ =	shalt  }
0x76: {  	_ =	shalt  }
0x77: {  	_ =	shalt  }
0x78: {  	_ =	shalt  }
0x79: {  	_ =	shalt  }
0x7a: {  	_ =	shalt  }
0x7b: {  	_ =	shalt  }
0x7c: {  	_ =	shalt  }
0x7d: {  	_ =	shalt  }
0x7e: {  	_ =	shalt  }
0x7f: {  	_ =	shalt  }
0x80: {  	_ =	shalt  }
0x81: {  	_ =	shalt  }
0x82: {  	_ =	shalt  }
0x83: {  	_ =	shalt  }
0x84: {  	_ =	shalt  }
0x85: {  	_ =	shalt  }
0x86: {  	_ =	shalt  }
0x87: {  	_ =	shalt  }
.Lfunc_end0:
.L_simem_size_0:
called_computation_lowered:
.L_overlay_start_0:
0x88: {  	s2 =	sld [smem:$0x3FD9]  }
0x89: {  	s3 =	sld [smem:$0x3FFE];
	_ =	sdelay $0x1  }
0x8a: {  	s1 =	srdreg.scid  }
0x8b: {  	s0 =	sand.u32 $0x1, s1  }
0x8c: {  	s17 =	sshll.u32 s0, $0xA;
	s2 =	sadd.s32 s3, s2  }
0x8d: {  	s2 =	sadd.s32 s2, s17  }
0x8e: {  	[smem:$0x3FA7] =	sst s2  }
0x8f: {  	_ = 	snop  }
0x90: {  	s2 =	sld [smem:$0x3FC4];
	(tm) =	ssettm $0x1  }
0x91: {  	s18 =	sld [smem:$0x3FFB];
	_ =	sdelay $0x3  }
0x92: {  	_ =	strace s18  }
0x93: {  	s3 =	sld [smem:$0x3FFC];
	_ =	sdelay $0x3  }
0x94: {  	_ =	strace s3  }
0x95: {  	s3 =	sld [smem:$0x3FFD];
	_ =	sdelay $0x3  }
0x96: {  	_ =	strace s3  }
0x97: {  	_ =	strace $0x8FFFFFFF  }
0x98: {  	s19 =	sld [smem:$0x3FDB];
	_ =	sdelay $0x1  }
0x99: {  	s4 =	simm.s32 $_scs_section_size  }
0x9a: {  	s5 =	simm.s32 $_size__tile_overlayer_lowered;
	s6 =	simm.s32 $_tile_overlayer_lowered  }
0x9b: {  	s22 =	simm.s32 $0x1BFF;
	s21 =	sshll.u32 s6, $0x1;
	s3 =	sadd.s32 s4, s19  }
0x9c: {  	s7 =	simm.s32 $0x0;
	s20 =	sshll.u32 s5, $0x1;
	s5 =	sadd.s32 s21, s3  }
0x9d: {  	[timem:s7], [sflag:s22] =	dma.local [hbm:s5], s20  }
0x9e: {  	_ =	swait.ge [sflag:s22], s20  }
0x9f: {  	s4 =	ssub.s32 $0x0, s20;
	[sflag:s22] =	ssyncset.done $0x0  }
0xa0: {  	[sflag:s22] =	ssyncadd.s32 s4;
	_ =	sdelay $0x1  }
0xa1: {  	s23 =	simm.s32 $0x1B8B  }
0xa2: {  	_ =	swait.ge [sflag:s23], $0x1  }
0xa3: {  	[sflag:s23] =	ssyncset.done $0x0  }
0xa4: {  	s25 =	simm.s32 $0x1B8E;
	s24 =	sld [smem:$0x3FFE];
	[sflag:s23] =	ssyncadd.s32 $0xFFFFFFFF  }
0xa5: {  	s26 =	simm.s32 $execute0_lowered;
	[smem:$0x3FD2] =	sst s25  }
0xa6: {  	s5 =	sshll.u32 s26, $0x1;
	_ =	strace $0x80000046;
	[dreg:$0x1] =	wrdreg $0xFFFFFFFF  }
0xa7: {  	s28 =	simm.s32 $_size_execute0_lowered;
	s3 =	sadd.s32 s3, s5;
	[dreg:$0x0] =	wrdreg $0x0  }
0xa8: {  	s5 =	sshll.u32 s28, $0x1;
	[dreg:$0x2] =	wrdreg s3  }
0xa9: {  	[dreg:$0x3] =	wrdreg s5  }
0xaa: {  	[dreg:$0x4] =	wrdreg $0xC0  }
0xab: {  	_ =	task [dreg:s7], $0x5FFFF  }
0xac: {  	[dreg:$0x1] =	wrdreg $0xFFFFFFFF  }
0xad: {  	[dreg:$0x0] =	wrdreg $0x60  }
0xae: {  	[dreg:$0x2] =	wrdreg s2  }
0xaf: {  	[dreg:$0x3] =	wrdreg s24  }
0xb0: {  	[dreg:$0x4] =	wrdreg $0x12800  }
0xb1: {  	[dreg:$0x5] =	wrdreg $0x9  }
0xb2: {  	_ =	task.clear_ibuf [dreg:s7], $0x6FFFF;
	_ =	strace $0x90000046  }
0xb3: {  	s29 =	simm.s32 $0x9;
	_ =	strace $0x80000048  }
0xb4: {  	_ =	swait.ge [sflag:s29], $0x1  }
0xb5: {  	[sflag:s29] =	ssyncadd.s32 $0xFFFFFFFF  }
0xb6: {  	_ =	strace $0x90000048  }
0xb7: {  	_ =	sfence  }
0xb8: {  	s30 =	sld [smem:$0x0];
	_ =	sdelay $0x2  }
0xb9: {  	s31 =	sshll.u32 s1, $0xD;
	s1 =	sshrl.u32 s1, $0x2  }
0xba: {  	s3 =	sand.u32 $0x4000, s31;
	s1 =	sadd.s32 s1, s30  }
0xbb: {  	s0 =	sor.u32 s3, s0;
	s1 =	sshll.u32 s1, $0x11  }
0xbc: {  	s0 =	sor.u32 s1, s0  }
0xbd: {  	s0 =	sadd.s32 $0x8F2B, s0  }
0xbe: {  	[sflag:s0] =	ssyncadd.remote.s32 $0x1  }
0xbf: {  	_ =	sfence.sel $0xFFFF  }
0xc0: {  	[dreg:$0x0] =	wrdreg $0xFFFFFFFF;
	(pc) =	sbr.abs _section_cstart, $3  }
0xc1: {  	[dreg:$0x1] =	wrdreg $0xFFFFFFFF  }
0xc2: {  	_ =	task.clear_ibuf [dreg:s7], $0x2FFFF;
	_ =	strace $0x9FFFFFFF  }
0xc3: {  	(tm) =	ssettm $0x7FFFFFFF  }
tec
execute0_lowered:
.L_overlay_start_1:
0x0: {  	(tag) =	ssettag $0x1  }
0x1: {  	s1 =	rddreg [dreg:$0x0]  }
0x2: {  	s10 =	rddreg [dreg:$0x1]  }
0x3: {  	s3 =	rddreg [dreg:$0x2]  }
0x4: {  	s0 =	rddreg [dreg:$0x3]  }
0x5: {  	s4 =	simm.s32 $0x0;
	s5 =	srdreg.scid;
	s2 =	stileid.u32  }
0x6: {  	s18 =	simm.s32 $0x280;
	s19 =	simm.s32 $0x500;
	s20 =	simm.s32 $0x780  }
0x7: {  	s21 =	simm.s32 $0x10;
	s22 =	simm.s32 $0xA00;
	s23 =	simm.s32 $0x0  }
0x8: {  	[smem:$0x7FF] =	sst s4;
	s5 =	sand.u32 $0x1, s5;
	s11 =	smul.u32 $0x2800, s2  }
0x9: {  	s6 =	sadd.s32 $0xEC00, s10;
	s7 =	sadd.s32 $0x9C00, s10;
	s14 =	smul.u32 $0x50000, s2  }
0xa: {  	s8 =	sadd.s32 $0x4C00, s10;
	s9 =	smul.u32 $0x28000, s5;
	s13 =	ssub.s32 $0x2, s5  }
0xb: {  	vm0 =	vmmov $0x1;
	s31 =	sshll.u32 s2, $0x6;
	_ =	strace $0x80000047;
	s29 =	sshrl.u32 s13, $0x1  }
.Ltmp0:
0xc: {  	vm1 =	vcmask $0x308;
	vm2 =	vcmask $0x70C;
	vm3 =	vcmask $0xB10;
	s30 =	sshrl.u32 s14, $0x2;
	s12 =	sadd.s32 s11, s9;
	(pc) =	sbr.rel .LBB2_1-.Ltmp0, $4  }
0xd: {  	vm4 =	vcmask $0xF14;
	vm5 =	vcmask $0x1318;
	vm6 =	vcmask $0x171C;
	s9 =	sadd.s32 $0x13C00, s10;
	s16 =	ssub.s32 s13, s29;
	s17 =	sadd.s32 s30, s3  }
0xe: {  	vm7 =	vcmask $0x1B20;
	vm8 =	vcmask $0x1F24;
	vm9 =	vcmask $0x2328;
	s15 =	sadd.s32 s12, s10;
	s10 =	sshll.u32 s2, $0x1;
	s11 =	sadd.s32 s9, s11  }
0xf: {  	vm10 =	vcmask $0x272C;
	vm11 =	vcmask $0x2B30;
	vm12 =	vcmask $0x2F34;
	s12 =	sor.u32 $0x1C01, s31;
	s14 =	smax.u32 s16, $0x1;
	s16 =	simm.s32 $0x1  }
0x10: {  	vm13 =	vcmask $0x3338;
	vm14 =	vcmask $0x373C;
	vm15 =	vmmov $0x7fff;
	s13 =	sadd.s32 $0x3BC00, s15;
	s15 =	sshrl.u32 s17, $0x3;
	s17 =	simm.s32 $0xA80  }
.LBB2_6:
0x11: {  	s23 =	sadd.s32 $0x1, s23  }
0x12: {  	p0 =	sne.s32 s23, s14  }
.Ltmp1:
0x13: {  	[bflag:$0x0] =	sbarrier.arrive $0xFFFF;
	(pc) =	sbr.rel @!p0 .LBB2_7-.Ltmp1, $4  }
0x14: {  	[hbm:s13], [sflag:s12] =	dma.local [spmem:s15], $0x2800  }
0x15: {  	_ =	swait.ge [sflag:s16], $0x2800  }
0x16: {  	[sflag:s16] =	ssyncset.done $0x0  }
0x17: {  	[sflag:s16] =	ssyncadd.s32 $0xFFFFD800  }
.LBB2_1:
0x18: {  	[spmem:s15], [sflag:s12] =	dma.local [hbm:s11], $0x2800  }
0x19: {  	_ =	swait.ge [sflag:s16], $0x2800  }
0x1a: {  	[sflag:s16] =	ssyncset.done $0x0  }
0x1b: {  	[sflag:s16] =	ssyncadd.s32 $0xFFFFD800  }
.Ltmp2:
0x1c: {  	[bflag:$0x0] =	sbarrier.arrive $0xFFFF;
	(pc) =	sbr.rel .LBB2_2-.Ltmp2, $4  }
0x1d: {  	[tilespmem:s17], [sflag:$0x1] =	stream.linear.gather [hbm4b:s9+s4], $0x800, $0x38;
	[tilespmem:$0x15280] =	vst v63  }
0x1e: {  	_ =	swait.ge [sflag:s16], $0x800  }
0x1f: {  	[sflag:s16] =	ssyncset.done $0x0  }
0x20: {  	s24 =	simm.s32 $0x0;
	[sflag:s16] =	ssyncadd.s32 $0xFFFFF800  }
.LBB2_5:
0x21: {  	s24 =	sadd.s32 $0x1, s24  }
0x22: {  	p0 =	sne.s32 s24, $0x8  }
.Ltmp3:
0x23: {  	_ = 	snop;
	(pc) =	sbr.rel @!p0 .LBB2_6-.Ltmp3, $1  }
0x24: {  	_ =	sdelay $0x3  }
.LBB2_2:
0x25: {  	s25 =	sshll.u32 s24, $0x5  }
0x26: {  	s25 =	sor.u32 s10, s25  }
0x27: {  	p0 =	sgt.u32 s25, $0xF9  }
.Ltmp4:
0x28: {  	_ = 	snop;
	(pc) =	sbr.rel @p0 .LBB2_5-.Ltmp4, $1  }
0x29: {  	_ =	sdelay $0x3  }
0x2a: {  	s25 =	sor.u32 s5, s25  }
0x2b: {  	s26 =	smul.u32 $0x50, s25;
	_ =	sdelay $0x1  }
0x2c: {  	s25 =	simm.s32 $0x0;
	s28 =	sadd.s32 s1, s26  }
0x2d: {  	[tilespmem:s25], [sflag:$0x1] =	stream.linear.gather [hbm4b:s28+s25], $0x280, $0x38;
	[tilespmem:$0x15280] =	vst v63  }
0x2e: {  	_ =	swait.ge [sflag:s16], $0x280  }
0x2f: {  	[sflag:s16] =	ssyncset.done $0x0  }
0x30: {  	s30 =	sadd.s32 s6, s26;
	[sflag:s16] =	ssyncadd.s32 $0xFFFFFD80  }
0x31: {  	[tilespmem:s18], [sflag:$0x1] =	stream.linear.gather [hbm4b:s30+s25], $0x280, $0x38;
	[tilespmem:$0x15280] =	vst v63  }
0x32: {  	_ =	swait.ge [sflag:s16], $0x280  }
0x33: {  	[sflag:s16] =	ssyncset.done $0x0  }
0x34: {  	s31 =	sadd.s32 s7, s26;
	[sflag:s16] =	ssyncadd.s32 $0xFFFFFD80  }
0x35: {  	[tilespmem:s19], [sflag:$0x1] =	stream.linear.gather [hbm4b:s31+s25], $0x280, $0x38;
	[tilespmem:$0x15280] =	vst v63  }
0x36: {  	_ =	swait.ge [sflag:s16], $0x280  }
0x37: {  	[sflag:s16] =	ssyncset.done $0x0  }
0x38: {  	s26 =	sadd.s32 s8, s26;
	[sflag:s16] =	ssyncadd.s32 $0xFFFFFD80  }
0x39: {  	[tilespmem:s20], [sflag:$0x1] =	stream.linear.gather [hbm4b:s26+s25], $0x280, $0x38;
	[tilespmem:$0x15280] =	vst v63  }
0x3a: {  	_ =	swait.ge [sflag:s16], $0x280  }
0x3b: {  	[sflag:s16] =	ssyncset.done $0x0  }
0x3c: {  	[sflag:s16] =	ssyncadd.s32 $0xFFFFFD80  }
.LBB2_4:
0x3d: {  	s26 =	sshra.s32 s25, $0x2  }
0x3e: {  	v0 =	vld [tilespmem:s26+$0x280];
	_ =	sdelay $0x4  }
0x3f: {  	v0 =	vmul.f32 $1.442695020e+00, v0;
	_ =	sdelay $0x1  }
0x40: {  	(erf) = vpow2.f32 v0;
	_ =	sdelay $0x4  }
0x41: {  	v15 =	vld [tilespmem:s26+$0x0];
	_ =	sdelay $0x3  }
0x42: {  	v1 =	vld [tilespmem:s26+$0x500];
	v3 =	vpop (erf)  }
0x43: {  	v2 =	vld [tilespmem:s26+$0x780];
	[tilespmem:$0xA00] =	vst v15;
	v16 =	vnsel vm0, $0x0, v3  }
0x44: {  	v19 =	vsel vm1, $0x0, v3;
	[tilespmem:$0xA80] =	vst v16  }
0x45: {  	v22 =	vsel vm2, $0x0, v3;
	[tilespmem:$0xB00] =	vst v19  }
0x46: {  	v25 =	vsel vm3, $0x0, v3;
	[tilespmem:$0xB80] =	vst v22  }
0x47: {  	v28 =	vsel vm4, $0x0, v3;
	[tilespmem:$0xC00] =	vst v25  }
0x48: {  	v31 =	vsel vm5, $0x0, v3;
	[tilespmem:$0xC80] =	vst v28  }
0x49: {  	v34 =	vsel vm6, $0x0, v3;
	[tilespmem:$0xD00] =	vst v31  }
0x4a: {  	v37 =	vsel vm7, $0x0, v3;
	[tilespmem:$0xD80] =	vst v34  }
0x4b: {  	v40 =	vsel vm8, $0x0, v3;
	[tilespmem:$0xE00] =	vst v37  }
0x4c: {  	v43 =	vsel vm9, $0x0, v3;
	[tilespmem:$0xE80] =	vst v40  }
0x4d: {  	v46 =	vsel vm10, $0x0, v3;
	[tilespmem:$0xF00] =	vst v43  }
0x4e: {  	v49 =	vsel vm11, $0x0, v3;
	[tilespmem:$0xF80] =	vst v46  }
0x4f: {  	v52 =	vsel vm12, $0x0, v3;
	[tilespmem:$0x1000] =	vst v49  }
0x50: {  	v55 =	vsel vm13, $0x0, v3;
	[tilespmem:$0x1080] =	vst v52  }
0x51: {  	v1 =	vmul.f32 v3, v1;
	v58 =	vsel vm14, $0x0, v3;
	[tilespmem:$0x1100] =	vst v55  }
0x52: {  	v2 =	vmul.f32 v2, v3;
	v61 =	vsel vm15, $0x0, v3;
	[tilespmem:$0x1180] =	vst v58  }
0x53: {  	[tilespmem:$0x1200] =	vst v61;
	v17 =	vnsel vm0, $0x0, v1  }
0x54: {  	v18 =	vnsel vm0, $0x0, v2;
	[tilespmem:$0xA90] =	vst v17  }
0x55: {  	v20 =	vsel vm1, $0x0, v1;
	[tilespmem:$0xAA0] =	vst v18  }
0x56: {  	v21 =	vsel vm1, $0x0, v2;
	[tilespmem:$0xB10] =	vst v20  }
0x57: {  	v23 =	vsel vm2, $0x0, v1;
	[tilespmem:$0xB20] =	vst v21  }
0x58: {  	v24 =	vsel vm2, $0x0, v2;
	[tilespmem:$0xB90] =	vst v23  }
0x59: {  	v26 =	vsel vm3, $0x0, v1;
	[tilespmem:$0xBA0] =	vst v24  }
0x5a: {  	v27 =	vsel vm3, $0x0, v2;
	[tilespmem:$0xC10] =	vst v26  }
0x5b: {  	v29 =	vsel vm4, $0x0, v1;
	[tilespmem:$0xC20] =	vst v27  }
0x5c: {  	v30 =	vsel vm4, $0x0, v2;
	[tilespmem:$0xC90] =	vst v29  }
0x5d: {  	v32 =	vsel vm5, $0x0, v1;
	[tilespmem:$0xCA0] =	vst v30  }
0x5e: {  	v33 =	vsel vm5, $0x0, v2;
	[tilespmem:$0xD10] =	vst v32  }
0x5f: {  	v35 =	vsel vm6, $0x0, v1;
	[tilespmem:$0xD20] =	vst v33  }
0x60: {  	v36 =	vsel vm6, $0x0, v2;
	[tilespmem:$0xD90] =	vst v35  }
0x61: {  	v38 =	vsel vm7, $0x0, v1;
	[tilespmem:$0xDA0] =	vst v36  }
0x62: {  	v39 =	vsel vm7, $0x0, v2;
	[tilespmem:$0xE10] =	vst v38  }
0x63: {  	v41 =	vsel vm8, $0x0, v1;
	[tilespmem:$0xE20] =	vst v39  }
0x64: {  	v42 =	vsel vm8, $0x0, v2;
	[tilespmem:$0xE90] =	vst v41  }
0x65: {  	v44 =	vsel vm9, $0x0, v1;
	[tilespmem:$0xEA0] =	vst v42  }
0x66: {  	v45 =	vsel vm9, $0x0, v2;
	[tilespmem:$0xF10] =	vst v44  }
0x67: {  	v47 =	vsel vm10, $0x0, v1;
	[tilespmem:$0xF20] =	vst v45  }
0x68: {  	v48 =	vsel vm10, $0x0, v2;
	[tilespmem:$0xF90] =	vst v47  }
0x69: {  	v50 =	vsel vm11, $0x0, v1;
	[tilespmem:$0xFA0] =	vst v48  }
0x6a: {  	v51 =	vsel vm11, $0x0, v2;
	[tilespmem:$0x1010] =	vst v50  }
0x6b: {  	v53 =	vsel vm12, $0x0, v1;
	[tilespmem:$0x1020] =	vst v51  }
0x6c: {  	v54 =	vsel vm12, $0x0, v2;
	[tilespmem:$0x1090] =	vst v53  }
0x6d: {  	v56 =	vsel vm13, $0x0, v1;
	[tilespmem:$0x10A0] =	vst v54  }
0x6e: {  	v57 =	vsel vm13, $0x0, v2;
	[tilespmem:$0x1110] =	vst v56  }
0x6f: {  	v59 =	vsel vm14, $0x0, v1;
	[tilespmem:$0x1120] =	vst v57  }
0x70: {  	v60 =	vsel vm14, $0x0, v2;
	[tilespmem:$0x1190] =	vst v59  }
0x71: {  	v62 =	vsel vm15, $0x0, v1;
	[tilespmem:$0x11A0] =	vst v60  }
0x72: {  	p0 =	sne.s32 s25, $0x9C0;
	v63 =	vsel vm15, $0x0, v2;
	[tilespmem:$0x1210] =	vst v62  }
.Ltmp5:
0x73: {  	[tilespmem:$0x1220] =	vst v63;
	(pc) =	sbr.rel @p0 .LBB2_4-.Ltmp5, $4  }
0x74: {  	[spmem:s3] =	stream.indirect.scatter.add.f32 [tilespmem:s17], [sflag:$0x1], $0x80, s22, s21, $0xb8;
	[tilespmem:$0x15280] =	vst v63  }
0x75: {  	_ =	swait.ge [sflag:s16], $0x800  }
0x76: {  	[sflag:s16] =	ssyncset.done $0x0  }
0x77: {  	s25 =	sadd.s32 $0x40, s25;
	[sflag:s16] =	ssyncadd.s32 $0xFFFFF800  }
.Ltmp6:
0x78: {  	_ = 	snop;
	(pc) =	sbr.rel .LBB2_5-.Ltmp6, $1  }
0x79: {  	_ =	sdelay $0x3  }
.LBB2_7:
0x7a: {  	_ =	sfence.sel $0x180000  }
0x7b: {  	[bflag:$0x0] =	sbarrier.arrive $0xFFFF  }
0x7c: {  	p0 =	sne.s32 s2, $0x0;
	_ =	strace $0x90000047  }
0x7d: {  	s0 =	sadd.s32 @!p0 $0x100000, s0;
	[bflag:$0x2] =	sbarrier.arrive $0xFFFF  }
0x7e: {  	[sflag:s0] =	ssyncadd.tile.s32 @!p0 $0x1;
	_ =	shalt  }
.Lfunc_end2:
_tile_overlayer_lowered:
.L_overlay_start_2:
0x7f: {  	(tag) =	ssettag $0x2  }
0x80: {  	s0 =	rddreg [dreg:$0x0];
	s2 =	stileid.u32  }
0x81: {  	s1 =	rddreg [dreg:$0x1];
	p0 =	sne.s32 s2, $0x0  }
0x82: {  	s3 =	rddreg [dreg:$0x2];
	[bflag:$0x3] =	sbarrier.arrive $0xFFFF;
	s2 =	simm.s32 @!p0 $0x1C01  }
0x83: {  	[timem:s3], [sflag:s2] =	dma.local @!p0 [hbm:s0], s1  }
0x84: {  	s0 =	simm.s32 @!p0 $0x1  }
0x85: {  	_ =	swait.ge @!p0 [sflag:s0], s1  }
0x86: {  	s1 =	ssub.s32 @!p0 $0x0, s1;
	[sflag:s0] =	ssyncset.done @!p0 $0x0  }
0x87: {  	[sflag:s0] =	ssyncadd.s32 @!p0 s1  }
0x88: {  	[bflag:$0x3] =	sbarrier.arrive $0xFFFF  }
0x89: {  	_ =	shalt  }

// kernel: kernel.14.cloned.1.call-start
scs
__scs_entry_jumppad:
0x0: {  	(pc) =	sbr.rel $0x88, $3  }
0x1: {  	(tag) =	ssettag $0x0;
	lr =	simm.s32 $0x1  }
0x2: {  	[smem:$0x3F80] =	sst lr;
	_ =	strace $0xD0000000  }
0x3: {  	_ = 	snop  }
0x4: {  	_ = 	snop  }
0x5: {  	_ = 	snop  }
0x6: {  	_ = 	snop  }
0x7: {  	_ = 	snop  }
__scs_overlays_trampoline_lowered:
0x8: {  	[smem:$0x3F8F] =	sst s0  }
0x9: {  	[smem:$0x3F90] =	sst s1  }
0xa: {  	[smem:$0x3F91] =	sst s2  }
0xb: {  	[smem:$0x3F92] =	sst s3  }
0xc: {  	[smem:$0x3F93] =	sst s4  }
0xd: {  	[smem:$0x3F94] =	sst s5  }
0xe: {  	[smem:$0x3F95] =	sst s6  }
0xf: {  	[smem:$0x3F96] =	sst s7  }
0x10: {  	[smem:$0x3F97] =	sst s8  }
0x11: {  	[smem:$0x3F98] =	sst s9;
	s0 =	simm.s32 @!p0 $0x0  }
0x12: {  	s1 =	sld [smem:$0x3F7E];
	s0 =	simm.s32 @p0 $0x1  }
0x13: {  	[smem:$0x3F99] =	sst s0;
	s0 =	simm.s32 @!p1 $0x0  }
0x14: {  	s2 =	sld [smem:$0x3F7D];
	s0 =	simm.s32 @p1 $0x1  }
0x15: {  	[smem:$0x3F9A] =	sst s0;
	s0 =	simm.s32 @!p2 $0x0  }
0x16: {  	s3 =	sld [smem:$0x3FDB];
	s0 =	simm.s32 @p2 $0x1  }
0x17: {  	s4 =	simm.s32 $0x1BF5;
	[smem:$0x3F9C] =	sst s0  }
0x18: {  	s0 =	sld [smem:$0x3F7F];
	_ =	swait.ge [sflag:s4], $0x0  }
0x19: {  	s7 =	sld [smem:$0x3F80]  }
0x1a: {  	s8 =	sadd.s32 $0xFFFFE003, lr  }
0x1b: {  	s9 =	sadd.s32 $0xFFFFFEF7, lr;
	s5 =	simm.s32 $0xFFFFFFFF;
	p2 =	slt.u32 s8, $0xFFFFF086  }
0x1c: {  	p1 =	slt.u32 s9, $0xF7A;
	s5 =	simm.s32 @!p2 $0x0  }
0x1d: {  	s5 =	simm.s32 @p1 $0x1;
	p0 =	seq.s32 s7, s2  }
0x1e: {  	s7 =	smul.u32 @!p0 $0xF7A, s2;
	p2 =	seq.s32 @!p0 s5, $0x0  }
0x1f: {  	s9 =	smul.u32 $0xF7A, s1;
	s8 =	simm.s32 @!p0 $0x1BF5;
	p2 =	por !p2, p0  }
0x20: {  	[sflag:s8] =	ssyncset.s32 @!p0 $0xFFFFF086;
	s6 =	sadd.s32 @!p0 s3, s7;
	s7 =	simm.s32 @!p0 $0x108  }
0x21: {  	s3 =	sadd.s32 s3, s9;
	s6 =	sadd.s32 @!p0 $0x88, s6;
	s7 =	simm.s32 @p2 $0x1082  }
0x22: {  	[simem:s7], [sflag:s8] =	dma.local @!p0 [hbm:s6], $0xF7A  }
0x23: {  	s9 =	sor.u32 $0xD0000000, s2;
	s6 =	simm.s32 $0x108;
	_ =	swait.ge @!p0 [sflag:s8], $0x0  }
0x24: {  	s3 =	sadd.s32 $0x88, s3;
	s6 =	simm.s32 @!p1 $0x1082;
	[sflag:s4] =	ssyncset.s32 $0xFFFFF086  }
0x25: {  	[simem:s6], [sflag:s4] =	dma.local [hbm:s3], $0xF7A  }
0x26: {  	[smem:$0x3F80] =	sst s1;
	(tag) =	ssettag s2;
	_ =	strace s9  }
0x27: {  	s1 =	sld [smem:$0x3F90]  }
0x28: {  	s2 =	sld [smem:$0x3F91]  }
0x29: {  	s4 =	sld [smem:$0x3F93]  }
0x2a: {  	p0 =	seq.s32 s5, $0x0;
	s5 =	sld [smem:$0x3F94]  }
0x2b: {  	s6 =	sld [smem:$0x3F95]  }
0x2c: {  	s7 =	sld [smem:$0x3F96]  }
0x2d: {  	s3 =	simm.s32 $0x108;
	s8 =	sld [smem:$0x3F97]  }
0x2e: {  	s3 =	simm.s32 @!p0 $0x1082;
	s9 =	sld [smem:$0x3F98]  }
0x2f: {  	lr =	sadd.s32 s0, s3;
	s0 =	sld [smem:$0x3F8F]  }
0x30: {  	s3 =	sld [smem:$0x3F92]  }
0x31: {  	[smem:$0x3F9B] =	sst s10  }
0x32: {  	s10 =	sld [smem:$0x3F99];
	_ =	sdelay $0x3  }
0x33: {  	p0 =	seq.s32 s10, $0x1;
	s10 =	sld [smem:$0x3F9B];
	_ =	sdelay $0x3  }
0x34: {  	[smem:$0x3F9B] =	sst s10  }
0x35: {  	s10 =	sld [smem:$0x3F9A];
	_ =	sdelay $0x3  }
0x36: {  	p1 =	seq.s32 s10, $0x1;
	s10 =	sld [smem:$0x3F9B];
	_ =	sdelay $0x3  }
0x37: {  	[smem:$0x3F9B] =	sst s10  }
0x38: {  	s10 =	sld [smem:$0x3F9C]  }
0x39: {  	_ = 	snop;
	(pc) =	sbr.ind lr, $3  }
0x3a: {  	_ = 	snop  }
0x3b: {  	_ = 	snop  }
0x3c: {  	p2 =	seq.s32 s10, $0x1;
	s10 =	sld [smem:$0x3F9B]  }
0x3d: {  	_ =	shalt  }
0x3e: {  	_ =	shalt  }
0x3f: {  	_ =	shalt  }
0x40: {  	_ =	shalt  }
0x41: {  	_ =	shalt  }
0x42: {  	_ =	shalt  }
0x43: {  	_ =	shalt  }
0x44: {  	_ =	shalt  }
0x45: {  	_ =	shalt  }
0x46: {  	_ =	shalt  }
0x47: {  	_ =	shalt  }
0x48: {  	_ =	shalt  }
0x49: {  	_ =	shalt  }
0x4a: {  	_ =	shalt  }
0x4b: {  	_ =	shalt  }
0x4c: {  	_ =	shalt  }
0x4d: {  	_ =	shalt  }
0x4e: {  	_ =	shalt  }
0x4f: {  	_ =	shalt  }
0x50: {  	_ =	shalt  }
0x51: {  	_ =	shalt  }
0x52: {  	_ =	shalt  }
0x53: {  	_ =	shalt  }
0x54: {  	_ =	shalt  }
0x55: {  	_ =	shalt  }
0x56: {  	_ =	shalt  }
0x57: {  	_ =	shalt  }
0x58: {  	_ =	shalt  }
0x59: {  	_ =	shalt  }
0x5a: {  	_ =	shalt  }
0x5b: {  	_ =	shalt  }
0x5c: {  	_ =	shalt  }
0x5d: {  	_ =	shalt  }
0x5e: {  	_ =	shalt  }
0x5f: {  	_ =	shalt  }
0x60: {  	_ =	shalt  }
0x61: {  	_ =	shalt  }
0x62: {  	_ =	shalt  }
0x63: {  	_ =	shalt  }
0x64: {  	_ =	shalt  }
0x65: {  	_ =	shalt  }
0x66: {  	_ =	shalt  }
0x67: {  	_ =	shalt  }
0x68: {  	_ =	shalt  }
0x69: {  	_ =	shalt  }
0x6a: {  	_ =	shalt  }
0x6b: {  	_ =	shalt  }
0x6c: {  	_ =	shalt  }
0x6d: {  	_ =	shalt  }
0x6e: {  	_ =	shalt  }
0x6f: {  	_ =	shalt  }
0x70: {  	_ =	shalt  }
0x71: {  	_ =	shalt  }
0x72: {  	_ =	shalt  }
0x73: {  	_ =	shalt  }
0x74: {  	_ =	shalt  }
0x75: {  	_ =	shalt  }
0x76: {  	_ =	shalt  }
0x77: {  	_ =	shalt  }
0x78: {  	_ =	shalt  }
0x79: {  	_ =	shalt  }
0x7a: {  	_ =	shalt  }
0x7b: {  	_ =	shalt  }
0x7c: {  	_ =	shalt  }
0x7d: {  	_ =	shalt  }
0x7e: {  	_ =	shalt  }
0x7f: {  	_ =	shalt  }
0x80: {  	_ =	shalt  }
0x81: {  	_ =	shalt  }
0x82: {  	_ =	shalt  }
0x83: {  	_ =	shalt  }
0x84: {  	_ =	shalt  }
0x85: {  	_ =	shalt  }
0x86: {  	_ =	shalt  }
0x87: {  	_ =	shalt  }
.Lfunc_end0:
.L_simem_size_0:
called_computation.1_lowered:
.L_overlay_start_0:
0x88: {  	s2 =	sld [smem:$0x3FD9]  }
0x89: {  	s3 =	sld [smem:$0x3FFE];
	_ =	sdelay $0x1  }
0x8a: {  	s1 =	srdreg.scid  }
0x8b: {  	s0 =	sand.u32 $0x1, s1  }
0x8c: {  	s16 =	sshll.u32 s0, $0xA;
	s2 =	sadd.s32 s3, s2  }
0x8d: {  	s2 =	sadd.s32 s2, s16  }
0x8e: {  	[smem:$0x3FA7] =	sst s2  }
0x8f: {  	_ = 	snop  }
0x90: {  	(tm) =	ssettm $0x1  }
0x91: {  	s17 =	sld [smem:$0x3FFB];
	_ =	sdelay $0x3  }
0x92: {  	_ =	strace s17  }
0x93: {  	s2 =	sld [smem:$0x3FFC];
	_ =	sdelay $0x3  }
0x94: {  	_ =	strace s2  }
0x95: {  	s2 =	sld [smem:$0x3FFD];
	_ =	sdelay $0x3  }
0x96: {  	_ =	strace s2  }
0x97: {  	_ =	strace $0x8FFFFFFF  }
0x98: {  	s18 =	sld [smem:$0x3FDB];
	_ =	sdelay $0x1  }
0x99: {  	s19 =	simm.s32 $_scs_section_size  }
0x9a: {  	s4 =	simm.s32 $_size__tile_overlayer_lowered;
	s5 =	simm.s32 $_tile_overlayer_lowered  }
0x9b: {  	s22 =	simm.s32 $0x1BFF;
	s21 =	sshll.u32 s5, $0x1;
	s2 =	sadd.s32 s19, s18  }
0x9c: {  	s6 =	simm.s32 $0x0;
	s20 =	sshll.u32 s4, $0x1;
	s4 =	sadd.s32 s21, s2  }
0x9d: {  	[timem:s6], [sflag:s22] =	dma.local [hbm:s4], s20  }
0x9e: {  	_ =	swait.ge [sflag:s22], s20  }
0x9f: {  	s3 =	ssub.s32 $0x0, s20;
	[sflag:s22] =	ssyncset.done $0x0  }
0xa0: {  	[sflag:s22] =	ssyncadd.s32 s3;
	_ =	sdelay $0x1  }
0xa1: {  	s23 =	simm.s32 $0x1B8B  }
0xa2: {  	_ =	swait.ge [sflag:s23], $0x1  }
0xa3: {  	[sflag:s23] =	ssyncset.done $0x0  }
0xa4: {  	s25 =	simm.s32 $0x1B8E;
	s24 =	sld [smem:$0x3FFE];
	[sflag:s23] =	ssyncadd.s32 $0xFFFFFFFF  }
0xa5: {  	s26 =	simm.s32 $execute0_lowered;
	[smem:$0x3FD2] =	sst s25  }
0xa6: {  	s4 =	sshll.u32 s26, $0x1;
	_ =	strace $0x80000049;
	[dreg:$0x1] =	wrdreg $0xFFFFFFFF  }
0xa7: {  	s28 =	simm.s32 $_size_execute0_lowered;
	s2 =	sadd.s32 s2, s4;
	[dreg:$0x0] =	wrdreg $0x0  }
0xa8: {  	s4 =	sshll.u32 s28, $0x1;
	[dreg:$0x2] =	wrdreg s2  }
0xa9: {  	[dreg:$0x3] =	wrdreg s4  }
0xaa: {  	[dreg:$0x4] =	wrdreg $0xC0  }
0xab: {  	_ =	task [dreg:s6], $0x5FFFF  }
0xac: {  	[dreg:$0x1] =	wrdreg $0xFFFFFFFF  }
0xad: {  	[dreg:$0x0] =	wrdreg $0x60  }
0xae: {  	[dreg:$0x2] =	wrdreg s24  }
0xaf: {  	[dreg:$0x3] =	wrdreg $0x9  }
0xb0: {  	_ =	task.clear_ibuf [dreg:s6], $0x4FFFF;
	_ =	strace $0x90000049  }
0xb1: {  	s29 =	simm.s32 $0x9;
	_ =	strace $0x8000004B  }
0xb2: {  	_ =	swait.ge [sflag:s29], $0x1  }
0xb3: {  	[sflag:s29] =	ssyncadd.s32 $0xFFFFFFFF  }
0xb4: {  	_ =	strace $0x9000004B  }
0xb5: {  	_ =	sfence  }
0xb6: {  	s30 =	sld [smem:$0x0];
	_ =	sdelay $0x2  }
0xb7: {  	s31 =	sshll.u32 s1, $0xD;
	s1 =	sshrl.u32 s1, $0x2  }
0xb8: {  	s3 =	sand.u32 $0x4000, s31;
	s1 =	sadd.s32 s1, s30  }
0xb9: {  	s0 =	sor.u32 s3, s0;
	s1 =	sshll.u32 s1, $0x11  }
0xba: {  	s0 =	sor.u32 s1, s0  }
0xbb: {  	s0 =	sadd.s32 $0x8F2B, s0  }
0xbc: {  	[sflag:s0] =	ssyncadd.remote.s32 $0x1  }
0xbd: {  	_ =	sfence.sel $0xFFFF  }
0xbe: {  	[dreg:$0x0] =	wrdreg $0xFFFFFFFF;
	(pc) =	sbr.abs _section_cstart, $3  }
0xbf: {  	[dreg:$0x1] =	wrdreg $0xFFFFFFFF  }
0xc0: {  	_ =	task.clear_ibuf [dreg:s6], $0x2FFFF;
	_ =	strace $0x9FFFFFFF  }
0xc1: {  	(tm) =	ssettm $0x7FFFFFFF  }
tec
execute0_lowered:
.L_overlay_start_1:
0x0: {  	(tag) =	ssettag $0x1  }
0x1: {  	s4 =	rddreg [dreg:$0x0]  }
0x2: {  	s0 =	rddreg [dreg:$0x1]  }
0x3: {  	s3 =	srdreg.scid;
	s1 =	stileid.u32;
	s2 =	simm.s32 $0x0  }
0x4: {  	s10 =	simm.s32 $0x1;
	s11 =	simm.s32 $0x0;
	s6 =	smul.u32 $0x4E20, s1  }
0x5: {  	s5 =	sand.u32 $0x1, s3;
	[smem:$0x7FF] =	sst s2;
	s8 =	smul.u32 $0x4E200, s1  }
0x6: {  	s3 =	sadd.s32 $0x4C00, s4;
	s7 =	smul.u32 $0x2710, s5;
	s9 =	ssub.s32 $0x2, s5  }
0x7: {  	_ =	strace $0x8000004A;
	s5 =	smul.u32 $0x27100, s5;
	s31 =	sshrl.u32 s9, $0x1  }
0x8: {  	s30 =	sadd.s32 s8, s4;
	s6 =	sadd.s32 s7, s6;
	s8 =	ssub.s32 s9, s31  }
0x9: {  	s5 =	sadd.s32 s5, s30;
	s7 =	simm.s32 $0x2;
	s6 =	sshrl.u32 s6, $0x3  }
0xa: {  	s9 =	simm.s32 $0x80;
	s5 =	sadd.s32 $0xE3E00, s5;
	s6 =	sadd.s32 s6, s4  }
0xb: {  	s4 =	smax.u32 s8, $0x1;
	s8 =	simm.s32 $0x50;
	s6 =	sadd.s32 $0xDA000, s6  }
.LBB2_1:
0xc: {  	s12 =	sadd.s32 $0x0, s6  }
0xd: {  	[tilespmem:s2], [sflag:$0x2] =	stream.linear.gather [hbm4b:s12+s2], $0x50, $0x38;
	[tilespmem:$0x2880] =	vst v63  }
0xe: {  	_ =	swait.ge [sflag:s7], $0x50  }
0xf: {  	[sflag:s7] =	ssyncset.done $0x0  }
0x10: {  	[sflag:s7] =	ssyncadd.s32 $0xFFFFFFB0  }
0x11: {  	[tilespmem:s9], [sflag:$0x1] =	stream.indirect.gather [hbm4b:s3+s8], $0x80, s2, s8, $0xb8;
	[tilespmem:$0x2880] =	vst v63  }
0x12: {  	_ =	swait.ge [sflag:s10], $0x2800  }
0x13: {  	[sflag:s10] =	ssyncset.done $0x0  }
0x14: {  	[sflag:s10] =	ssyncadd.s32 $0xFFFFD800  }
0x15: {  	[hbm4b:s5+s2] =	stream.linear.scatter [tilespmem:s9], [sflag:$0x2], $0x2800, $0x38;
	[tilespmem:$0x2880] =	vst v63  }
0x16: {  	s13 =	simm.s32 $0xA;
	_ =	swait.ge [sflag:s7], $0x2800  }
0x17: {  	s14 =	simm.s32 $0x14;
	s12 =	sadd.s32 $0x500, s5;
	[sflag:s7] =	ssyncset.done $0x0  }
.LBB2_2:
0x18: {  	s15 =	sadd.s32 s13, s6  }
0x19: {  	[sflag:s7] =	ssyncadd.s32 $0xFFFFD800;
	s13 =	smov.u32 s14;
	s16 =	sadd.s32 $0xA, s14  }
0x1a: {  	[tilespmem:s2], [sflag:$0x2] =	stream.linear.gather [hbm4b:s15+s2], $0x50, $0x38;
	[tilespmem:$0x2880] =	vst v63  }
0x1b: {  	p0 =	sne.s32 s14, $0x4D8;
	_ =	swait.ge [sflag:s7], $0x50  }
0x1c: {  	[sflag:s7] =	ssyncset.done $0x0  }
0x1d: {  	[sflag:s7] =	ssyncadd.s32 $0xFFFFFFB0  }
0x1e: {  	[tilespmem:s9], [sflag:$0x1] =	stream.indirect.gather [hbm4b:s3+s8], $0x80, s2, s8, $0xb8;
	[tilespmem:$0x2880] =	vst v63  }
0x1f: {  	_ =	swait.ge [sflag:s10], $0x2800  }
.Ltmp0:
0x20: {  	[sflag:s10] =	ssyncset.done $0x0;
	(pc) =	sbr.rel @p0 .LBB2_2-.Ltmp0, $4  }
0x21: {  	[sflag:s10] =	ssyncadd.s32 $0xFFFFD800  }
0x22: {  	[hbm4b:s12+s2] =	stream.linear.scatter [tilespmem:s9], [sflag:$0x2], $0x2800, $0x38;
	[tilespmem:$0x2880] =	vst v63  }
0x23: {  	_ =	swait.ge [sflag:s7], $0x2800  }
0x24: {  	s14 =	smov.u32 s16;
	s12 =	sadd.s32 $0x500, s12;
	[sflag:s7] =	ssyncset.done $0x0  }
0x25: {  	s13 =	sadd.s32 s13, s6;
	[sflag:s7] =	ssyncadd.s32 $0xFFFFD800  }
0x26: {  	[tilespmem:s2], [sflag:$0x2] =	stream.linear.gather [hbm4b:s13+s2], $0x50, $0x38;
	[tilespmem:$0x2880] =	vst v63  }
0x27: {  	_ =	swait.ge [sflag:s7], $0x50  }
0x28: {  	[sflag:s7] =	ssyncset.done $0x0  }
0x29: {  	[sflag:s7] =	ssyncadd.s32 $0xFFFFFFB0  }
0x2a: {  	[tilespmem:s9], [sflag:$0x1] =	stream.indirect.gather [hbm4b:s3+s8], $0x80, s2, s8, $0xb8;
	[tilespmem:$0x2880] =	vst v63  }
0x2b: {  	s11 =	sadd.s32 $0x1, s11;
	_ =	swait.ge [sflag:s10], $0x2800  }
0x2c: {  	p0 =	sne.s32 s11, s4;
	[sflag:s10] =	ssyncset.done $0x0  }
.Ltmp1:
0x2d: {  	[sflag:s10] =	ssyncadd.s32 $0xFFFFD800;
	(pc) =	sbr.rel @p0 .LBB2_1-.Ltmp1, $4  }
0x2e: {  	[hbm4b:s12+s2] =	stream.linear.scatter [tilespmem:s9], [sflag:$0x2], $0x2800, $0x38;
	[tilespmem:$0x2880] =	vst v63  }
0x2f: {  	_ =	swait.ge [sflag:s7], $0x2800  }
0x30: {  	[sflag:s7] =	ssyncset.done $0x0  }
0x31: {  	[sflag:s7] =	ssyncadd.s32 $0xFFFFD800  }
0x32: {  	_ =	sfence.sel $0x180000  }
0x33: {  	[bflag:$0x0] =	sbarrier.arrive $0xFFFF  }
0x34: {  	p0 =	sne.s32 s1, $0x0;
	_ =	strace $0x9000004A  }
0x35: {  	s0 =	sadd.s32 @!p0 $0x100000, s0;
	[bflag:$0x2] =	sbarrier.arrive $0xFFFF  }
0x36: {  	[sflag:s0] =	ssyncadd.tile.s32 @!p0 $0x1;
	_ =	shalt  }
.Lfunc_end2:
_tile_overlayer_lowered:
.L_overlay_start_2:
0x37: {  	(tag) =	ssettag $0x2  }
0x38: {  	s0 =	rddreg [dreg:$0x0];
	s2 =	stileid.u32  }
0x39: {  	s1 =	rddreg [dreg:$0x1];
	p0 =	sne.s32 s2, $0x0  }
0x3a: {  	s3 =	rddreg [dreg:$0x2];
	[bflag:$0x3] =	sbarrier.arrive $0xFFFF;
	s2 =	simm.s32 @!p0 $0x1C02  }
0x3b: {  	[timem:s3], [sflag:s2] =	dma.local @!p0 [hbm:s0], s1  }
0x3c: {  	s0 =	simm.s32 @!p0 $0x2  }
0x3d: {  	_ =	swait.ge @!p0 [sflag:s0], s1  }
0x3e: {  	s1 =	ssub.s32 @!p0 $0x0, s1;
	[sflag:s0] =	ssyncset.done @!p0 $0x0  }
0x3f: {  	[sflag:s0] =	ssyncadd.s32 @!p0 s1  }
0x40: {  	[bflag:$0x3] =	sbarrier.arrive $0xFFFF  }
0x41: {  	_ =	shalt  }

// kernel: kernel.17.cloned.1.call-start
scs
__scs_entry_jumppad:
0x0: {  	(pc) =	sbr.rel $0x88, $3  }
0x1: {  	(tag) =	ssettag $0x0;
	lr =	simm.s32 $0x1  }
0x2: {  	[smem:$0x3F80] =	sst lr;
	_ =	strace $0xD0000000  }
0x3: {  	_ = 	snop  }
0x4: {  	_ = 	snop  }
0x5: {  	_ = 	snop  }
0x6: {  	_ = 	snop  }
0x7: {  	_ = 	snop  }
__scs_overlays_trampoline_lowered:
0x8: {  	[smem:$0x3F8F] =	sst s0  }
0x9: {  	[smem:$0x3F90] =	sst s1  }
0xa: {  	[smem:$0x3F91] =	sst s2  }
0xb: {  	[smem:$0x3F92] =	sst s3  }
0xc: {  	[smem:$0x3F93] =	sst s4  }
0xd: {  	[smem:$0x3F94] =	sst s5  }
0xe: {  	[smem:$0x3F95] =	sst s6  }
0xf: {  	[smem:$0x3F96] =	sst s7  }
0x10: {  	[smem:$0x3F97] =	sst s8  }
0x11: {  	[smem:$0x3F98] =	sst s9;
	s0 =	simm.s32 @!p0 $0x0  }
0x12: {  	s1 =	sld [smem:$0x3F7E];
	s0 =	simm.s32 @p0 $0x1  }
0x13: {  	[smem:$0x3F99] =	sst s0;
	s0 =	simm.s32 @!p1 $0x0  }
0x14: {  	s2 =	sld [smem:$0x3F7D];
	s0 =	simm.s32 @p1 $0x1  }
0x15: {  	[smem:$0x3F9A] =	sst s0;
	s0 =	simm.s32 @!p2 $0x0  }
0x16: {  	s3 =	sld [smem:$0x3FDB];
	s0 =	simm.s32 @p2 $0x1  }
0x17: {  	s4 =	simm.s32 $0x1BF5;
	[smem:$0x3F9C] =	sst s0  }
0x18: {  	s0 =	sld [smem:$0x3F7F];
	_ =	swait.ge [sflag:s4], $0x0  }
0x19: {  	s7 =	sld [smem:$0x3F80]  }
0x1a: {  	s8 =	sadd.s32 $0xFFFFE003, lr  }
0x1b: {  	s9 =	sadd.s32 $0xFFFFFEF7, lr;
	s5 =	simm.s32 $0xFFFFFFFF;
	p2 =	slt.u32 s8, $0xFFFFF086  }
0x1c: {  	p1 =	slt.u32 s9, $0xF7A;
	s5 =	simm.s32 @!p2 $0x0  }
0x1d: {  	s5 =	simm.s32 @p1 $0x1;
	p0 =	seq.s32 s7, s2  }
0x1e: {  	s7 =	smul.u32 @!p0 $0xF7A, s2;
	p2 =	seq.s32 @!p0 s5, $0x0  }
0x1f: {  	s9 =	smul.u32 $0xF7A, s1;
	s8 =	simm.s32 @!p0 $0x1BF5;
	p2 =	por !p2, p0  }
0x20: {  	[sflag:s8] =	ssyncset.s32 @!p0 $0xFFFFF086;
	s6 =	sadd.s32 @!p0 s3, s7;
	s7 =	simm.s32 @!p0 $0x108  }
0x21: {  	s3 =	sadd.s32 s3, s9;
	s6 =	sadd.s32 @!p0 $0x88, s6;
	s7 =	simm.s32 @p2 $0x1082  }
0x22: {  	[simem:s7], [sflag:s8] =	dma.local @!p0 [hbm:s6], $0xF7A  }
0x23: {  	s9 =	sor.u32 $0xD0000000, s2;
	s6 =	simm.s32 $0x108;
	_ =	swait.ge @!p0 [sflag:s8], $0x0  }
0x24: {  	s3 =	sadd.s32 $0x88, s3;
	s6 =	simm.s32 @!p1 $0x1082;
	[sflag:s4] =	ssyncset.s32 $0xFFFFF086  }
0x25: {  	[simem:s6], [sflag:s4] =	dma.local [hbm:s3], $0xF7A  }
0x26: {  	[smem:$0x3F80] =	sst s1;
	(tag) =	ssettag s2;
	_ =	strace s9  }
0x27: {  	s1 =	sld [smem:$0x3F90]  }
0x28: {  	s2 =	sld [smem:$0x3F91]  }
0x29: {  	s4 =	sld [smem:$0x3F93]  }
0x2a: {  	p0 =	seq.s32 s5, $0x0;
	s5 =	sld [smem:$0x3F94]  }
0x2b: {  	s6 =	sld [smem:$0x3F95]  }
0x2c: {  	s7 =	sld [smem:$0x3F96]  }
0x2d: {  	s3 =	simm.s32 $0x108;
	s8 =	sld [smem:$0x3F97]  }
0x2e: {  	s3 =	simm.s32 @!p0 $0x1082;
	s9 =	sld [smem:$0x3F98]  }
0x2f: {  	lr =	sadd.s32 s0, s3;
	s0 =	sld [smem:$0x3F8F]  }
0x30: {  	s3 =	sld [smem:$0x3F92]  }
0x31: {  	[smem:$0x3F9B] =	sst s10  }
0x32: {  	s10 =	sld [smem:$0x3F99];
	_ =	sdelay $0x3  }
0x33: {  	p0 =	seq.s32 s10, $0x1;
	s10 =	sld [smem:$0x3F9B];
	_ =	sdelay $0x3  }
0x34: {  	[smem:$0x3F9B] =	sst s10  }
0x35: {  	s10 =	sld [smem:$0x3F9A];
	_ =	sdelay $0x3  }
0x36: {  	p1 =	seq.s32 s10, $0x1;
	s10 =	sld [smem:$0x3F9B];
	_ =	sdelay $0x3  }
0x37: {  	[smem:$0x3F9B] =	sst s10  }
0x38: {  	s10 =	sld [smem:$0x3F9C]  }
0x39: {  	_ = 	snop;
	(pc) =	sbr.ind lr, $3  }
0x3a: {  	_ = 	snop  }
0x3b: {  	_ = 	snop  }
0x3c: {  	p2 =	seq.s32 s10, $0x1;
	s10 =	sld [smem:$0x3F9B]  }
0x3d: {  	_ =	shalt  }
0x3e: {  	_ =	shalt  }
0x3f: {  	_ =	shalt  }
0x40: {  	_ =	shalt  }
0x41: {  	_ =	shalt  }
0x42: {  	_ =	shalt  }
0x43: {  	_ =	shalt  }
0x44: {  	_ =	shalt  }
0x45: {  	_ =	shalt  }
0x46: {  	_ =	shalt  }
0x47: {  	_ =	shalt  }
0x48: {  	_ =	shalt  }
0x49: {  	_ =	shalt  }
0x4a: {  	_ =	shalt  }
0x4b: {  	_ =	shalt  }
0x4c: {  	_ =	shalt  }
0x4d: {  	_ =	shalt  }
0x4e: {  	_ =	shalt  }
0x4f: {  	_ =	shalt  }
0x50: {  	_ =	shalt  }
0x51: {  	_ =	shalt  }
0x52: {  	_ =	shalt  }
0x53: {  	_ =	shalt  }
0x54: {  	_ =	shalt  }
0x55: {  	_ =	shalt  }
0x56: {  	_ =	shalt  }
0x57: {  	_ =	shalt  }
0x58: {  	_ =	shalt  }
0x59: {  	_ =	shalt  }
0x5a: {  	_ =	shalt  }
0x5b: {  	_ =	shalt  }
0x5c: {  	_ =	shalt  }
0x5d: {  	_ =	shalt  }
0x5e: {  	_ =	shalt  }
0x5f: {  	_ =	shalt  }
0x60: {  	_ =	shalt  }
0x61: {  	_ =	shalt  }
0x62: {  	_ =	shalt  }
0x63: {  	_ =	shalt  }
0x64: {  	_ =	shalt  }
0x65: {  	_ =	shalt  }
0x66: {  	_ =	shalt  }
0x67: {  	_ =	shalt  }
0x68: {  	_ =	shalt  }
0x69: {  	_ =	shalt  }
0x6a: {  	_ =	shalt  }
0x6b: {  	_ =	shalt  }
0x6c: {  	_ =	shalt  }
0x6d: {  	_ =	shalt  }
0x6e: {  	_ =	shalt  }
0x6f: {  	_ =	shalt  }
0x70: {  	_ =	shalt  }
0x71: {  	_ =	shalt  }
0x72: {  	_ =	shalt  }
0x73: {  	_ =	shalt  }
0x74: {  	_ =	shalt  }
0x75: {  	_ =	shalt  }
0x76: {  	_ =	shalt  }
0x77: {  	_ =	shalt  }
0x78: {  	_ =	shalt  }
0x79: {  	_ =	shalt  }
0x7a: {  	_ =	shalt  }
0x7b: {  	_ =	shalt  }
0x7c: {  	_ =	shalt  }
0x7d: {  	_ =	shalt  }
0x7e: {  	_ =	shalt  }
0x7f: {  	_ =	shalt  }
0x80: {  	_ =	shalt  }
0x81: {  	_ =	shalt  }
0x82: {  	_ =	shalt  }
0x83: {  	_ =	shalt  }
0x84: {  	_ =	shalt  }
0x85: {  	_ =	shalt  }
0x86: {  	_ =	shalt  }
0x87: {  	_ =	shalt  }
.Lfunc_end0:
.L_simem_size_0:
called_computation.2_lowered:
.L_overlay_start_0:
0x88: {  	s2 =	sld [smem:$0x3FD9]  }
0x89: {  	s3 =	sld [smem:$0x3FFE];
	_ =	sdelay $0x1  }
0x8a: {  	s1 =	srdreg.scid  }
0x8b: {  	s0 =	sand.u32 $0x1, s1  }
0x8c: {  	s16 =	sshll.u32 s0, $0xA;
	s2 =	sadd.s32 s3, s2  }
0x8d: {  	s2 =	sadd.s32 s2, s16  }
0x8e: {  	[smem:$0x3FA7] =	sst s2  }
0x8f: {  	_ = 	snop  }
0x90: {  	(tm) =	ssettm $0x1  }
0x91: {  	s17 =	sld [smem:$0x3FFB];
	_ =	sdelay $0x3  }
0x92: {  	_ =	strace s17  }
0x93: {  	s2 =	sld [smem:$0x3FFC];
	_ =	sdelay $0x3  }
0x94: {  	_ =	strace s2  }
0x95: {  	s2 =	sld [smem:$0x3FFD];
	_ =	sdelay $0x3  }
0x96: {  	_ =	strace s2  }
0x97: {  	_ =	strace $0x8FFFFFFF  }
0x98: {  	s18 =	sld [smem:$0x3FDB];
	_ =	sdelay $0x1  }
0x99: {  	s19 =	simm.s32 $_scs_section_size  }
0x9a: {  	s4 =	simm.s32 $_size__tile_overlayer_lowered;
	s5 =	simm.s32 $_tile_overlayer_lowered  }
0x9b: {  	s22 =	simm.s32 $0x1BFF;
	s21 =	sshll.u32 s5, $0x1;
	s2 =	sadd.s32 s19, s18  }
0x9c: {  	s6 =	simm.s32 $0x0;
	s20 =	sshll.u32 s4, $0x1;
	s4 =	sadd.s32 s21, s2  }
0x9d: {  	[timem:s6], [sflag:s22] =	dma.local [hbm:s4], s20  }
0x9e: {  	_ =	swait.ge [sflag:s22], s20  }
0x9f: {  	s3 =	ssub.s32 $0x0, s20;
	[sflag:s22] =	ssyncset.done $0x0  }
0xa0: {  	[sflag:s22] =	ssyncadd.s32 s3;
	_ =	sdelay $0x1  }
0xa1: {  	s23 =	simm.s32 $0x1B8B  }
0xa2: {  	_ =	swait.ge [sflag:s23], $0x1  }
0xa3: {  	[sflag:s23] =	ssyncset.done $0x0  }
0xa4: {  	s25 =	simm.s32 $0x1B8E;
	s24 =	sld [smem:$0x3FFE];
	[sflag:s23] =	ssyncadd.s32 $0xFFFFFFFF  }
0xa5: {  	s26 =	simm.s32 $execute0_lowered;
	[smem:$0x3FD2] =	sst s25  }
0xa6: {  	s4 =	sshll.u32 s26, $0x1;
	_ =	strace $0x8000004C;
	[dreg:$0x1] =	wrdreg $0xFFFFFFFF  }
0xa7: {  	s28 =	simm.s32 $_size_execute0_lowered;
	s2 =	sadd.s32 s2, s4;
	[dreg:$0x0] =	wrdreg $0x0  }
0xa8: {  	s4 =	sshll.u32 s28, $0x1;
	[dreg:$0x2] =	wrdreg s2  }
0xa9: {  	[dreg:$0x3] =	wrdreg s4  }
0xaa: {  	[dreg:$0x4] =	wrdreg $0xC0  }
0xab: {  	_ =	task [dreg:s6], $0x5FFFF  }
0xac: {  	[dreg:$0x1] =	wrdreg $0xFFFFFFFF  }
0xad: {  	[dreg:$0x0] =	wrdreg $0x60  }
0xae: {  	[dreg:$0x2] =	wrdreg s24  }
0xaf: {  	[dreg:$0x3] =	wrdreg $0x9  }
0xb0: {  	_ =	task.clear_ibuf [dreg:s6], $0x4FFFF;
	_ =	strace $0x9000004C  }
0xb1: {  	s29 =	simm.s32 $0x9;
	_ =	strace $0x8000004E  }
0xb2: {  	_ =	swait.ge [sflag:s29], $0x1  }
0xb3: {  	[sflag:s29] =	ssyncadd.s32 $0xFFFFFFFF  }
0xb4: {  	_ =	strace $0x9000004E  }
0xb5: {  	_ =	sfence  }
0xb6: {  	s30 =	sld [smem:$0x0];
	_ =	sdelay $0x2  }
0xb7: {  	s31 =	sshll.u32 s1, $0xD;
	s1 =	sshrl.u32 s1, $0x2  }
0xb8: {  	s3 =	sand.u32 $0x4000, s31;
	s1 =	sadd.s32 s1, s30  }
0xb9: {  	s0 =	sor.u32 s3, s0;
	s1 =	sshll.u32 s1, $0x11  }
0xba: {  	s0 =	sor.u32 s1, s0  }
0xbb: {  	s0 =	sadd.s32 $0x8F2B, s0  }
0xbc: {  	[sflag:s0] =	ssyncadd.remote.s32 $0x1  }
0xbd: {  	_ =	sfence.sel $0xFFFF  }
0xbe: {  	[dreg:$0x0] =	wrdreg $0xFFFFFFFF;
	(pc) =	sbr.abs _section_cstart, $3  }
0xbf: {  	[dreg:$0x1] =	wrdreg $0xFFFFFFFF  }
0xc0: {  	_ =	task.clear_ibuf [dreg:s6], $0x2FFFF;
	_ =	strace $0x9FFFFFFF  }
0xc1: {  	(tm) =	ssettm $0x7FFFFFFF  }
tec
execute0_lowered:
.L_overlay_start_1:
0x0: {  	(tag) =	ssettag $0x1  }
0x1: {  	s4 =	rddreg [dreg:$0x0]  }
0x2: {  	s0 =	rddreg [dreg:$0x1]  }
0x3: {  	s3 =	srdreg.scid;
	s1 =	stileid.u32;
	s2 =	simm.s32 $0x0  }
0x4: {  	s10 =	simm.s32 $0x1;
	s11 =	simm.s32 $0x0;
	s6 =	smul.u32 $0x4E20, s1  }
0x5: {  	s5 =	sand.u32 $0x1, s3;
	[smem:$0x7FF] =	sst s2;
	s8 =	smul.u32 $0x4E200, s1  }
0x6: {  	s3 =	sadd.s32 $0xE3E00, s4;
	s7 =	smul.u32 $0x2710, s5;
	s9 =	ssub.s32 $0x2, s5  }
0x7: {  	_ =	strace $0x8000004D;
	s5 =	smul.u32 $0x27100, s5;
	s31 =	sshrl.u32 s9, $0x1  }
0x8: {  	s30 =	sadd.s32 s8, s4;
	s6 =	sadd.s32 s7, s6;
	s8 =	ssub.s32 s9, s31  }
0x9: {  	s5 =	sadd.s32 s5, s30;
	s7 =	simm.s32 $0x2;
	s6 =	sshrl.u32 s6, $0x3  }
0xa: {  	s9 =	simm.s32 $0x80;
	s5 =	sadd.s32 $0x10B000, s5;
	s6 =	sadd.s32 s6, s4  }
0xb: {  	s4 =	smax.u32 s8, $0x1;
	s8 =	simm.s32 $0x50;
	s6 =	sadd.s32 $0xDA000, s6  }
.LBB2_1:
0xc: {  	s12 =	sadd.s32 $0x0, s6  }
0xd: {  	[tilespmem:s2], [sflag:$0x2] =	stream.linear.gather [hbm4b:s12+s2], $0x50, $0x38;
	[tilespmem:$0x2880] =	vst v63  }
0xe: {  	_ =	swait.ge [sflag:s7], $0x50  }
0xf: {  	[sflag:s7] =	ssyncset.done $0x0  }
0x10: {  	[sflag:s7] =	ssyncadd.s32 $0xFFFFFFB0  }
0x11: {  	[tilespmem:s9], [sflag:$0x1] =	stream.indirect.gather [hbm4b:s3+s8], $0x80, s2, s8, $0xb8;
	[tilespmem:$0x2880] =	vst v63  }
0x12: {  	_ =	swait.ge [sflag:s10], $0x2800  }
0x13: {  	[sflag:s10] =	ssyncset.done $0x0  }
0x14: {  	[sflag:s10] =	ssyncadd.s32 $0xFFFFD800  }
0x15: {  	[hbm4b:s5+s2] =	stream.linear.scatter [tilespmem:s9], [sflag:$0x2], $0x2800, $0x38;
	[tilespmem:$0x2880] =	vst v63  }
0x16: {  	s13 =	simm.s32 $0xA;
	_ =	swait.ge [sflag:s7], $0x2800  }
0x17: {  	s14 =	simm.s32 $0x14;
	s12 =	sadd.s32 $0x500, s5;
	[sflag:s7] =	ssyncset.done $0x0  }
.LBB2_2:
0x18: {  	s15 =	sadd.s32 s13, s6  }
0x19: {  	[sflag:s7] =	ssyncadd.s32 $0xFFFFD800;
	s13 =	smov.u32 s14;
	s16 =	sadd.s32 $0xA, s14  }
0x1a: {  	[tilespmem:s2], [sflag:$0x2] =	stream.linear.gather [hbm4b:s15+s2], $0x50, $0x38;
	[tilespmem:$0x2880] =	vst v63  }
0x1b: {  	p0 =	sne.s32 s14, $0x4D8;
	_ =	swait.ge [sflag:s7], $0x50  }
0x1c: {  	[sflag:s7] =	ssyncset.done $0x0  }
0x1d: {  	[sflag:s7] =	ssyncadd.s32 $0xFFFFFFB0  }
0x1e: {  	[tilespmem:s9], [sflag:$0x1] =	stream.indirect.gather [hbm4b:s3+s8], $0x80, s2, s8, $0xb8;
	[tilespmem:$0x2880] =	vst v63  }
0x1f: {  	_ =	swait.ge [sflag:s10], $0x2800  }
.Ltmp0:
0x20: {  	[sflag:s10] =	ssyncset.done $0x0;
	(pc) =	sbr.rel @p0 .LBB2_2-.Ltmp0, $4  }
0x21: {  	[sflag:s10] =	ssyncadd.s32 $0xFFFFD800  }
0x22: {  	[hbm4b:s12+s2] =	stream.linear.scatter [tilespmem:s9], [sflag:$0x2], $0x2800, $0x38;
	[tilespmem:$0x2880] =	vst v63  }
0x23: {  	_ =	swait.ge [sflag:s7], $0x2800  }
0x24: {  	s14 =	smov.u32 s16;
	s12 =	sadd.s32 $0x500, s12;
	[sflag:s7] =	ssyncset.done $0x0  }
0x25: {  	s13 =	sadd.s32 s13, s6;
	[sflag:s7] =	ssyncadd.s32 $0xFFFFD800  }
0x26: {  	[tilespmem:s2], [sflag:$0x2] =	stream.linear.gather [hbm4b:s13+s2], $0x50, $0x38;
	[tilespmem:$0x2880] =	vst v63  }
0x27: {  	_ =	swait.ge [sflag:s7], $0x50  }
0x28: {  	[sflag:s7] =	ssyncset.done $0x0  }
0x29: {  	[sflag:s7] =	ssyncadd.s32 $0xFFFFFFB0  }
0x2a: {  	[tilespmem:s9], [sflag:$0x1] =	stream.indirect.gather [hbm4b:s3+s8], $0x80, s2, s8, $0xb8;
	[tilespmem:$0x2880] =	vst v63  }
0x2b: {  	s11 =	sadd.s32 $0x1, s11;
	_ =	swait.ge [sflag:s10], $0x2800  }
0x2c: {  	p0 =	sne.s32 s11, s4;
	[sflag:s10] =	ssyncset.done $0x0  }
.Ltmp1:
0x2d: {  	[sflag:s10] =	ssyncadd.s32 $0xFFFFD800;
	(pc) =	sbr.rel @p0 .LBB2_1-.Ltmp1, $4  }
0x2e: {  	[hbm4b:s12+s2] =	stream.linear.scatter [tilespmem:s9], [sflag:$0x2], $0x2800, $0x38;
	[tilespmem:$0x2880] =	vst v63  }
0x2f: {  	_ =	swait.ge [sflag:s7], $0x2800  }
0x30: {  	[sflag:s7] =	ssyncset.done $0x0  }
0x31: {  	[sflag:s7] =	ssyncadd.s32 $0xFFFFD800  }
0x32: {  	_ =	sfence.sel $0x180000  }
0x33: {  	[bflag:$0x0] =	sbarrier.arrive $0xFFFF  }
0x34: {  	p0 =	sne.s32 s1, $0x0;
	_ =	strace $0x9000004D  }
0x35: {  	s0 =	sadd.s32 @!p0 $0x100000, s0;
	[bflag:$0x2] =	sbarrier.arrive $0xFFFF  }
0x36: {  	[sflag:s0] =	ssyncadd.tile.s32 @!p0 $0x1;
	_ =	shalt  }
.Lfunc_end2:
_tile_overlayer_lowered:
.L_overlay_start_2:
0x37: {  	(tag) =	ssettag $0x2  }
0x38: {  	s0 =	rddreg [dreg:$0x0];
	s2 =	stileid.u32  }
0x39: {  	s1 =	rddreg [dreg:$0x1];
	p0 =	sne.s32 s2, $0x0  }
0x3a: {  	s3 =	rddreg [dreg:$0x2];
	[bflag:$0x3] =	sbarrier.arrive $0xFFFF;
	s2 =	simm.s32 @!p0 $0x1C02  }
0x3b: {  	[timem:s3], [sflag:s2] =	dma.local @!p0 [hbm:s0], s1  }
0x3c: {  	s0 =	simm.s32 @!p0 $0x2  }
0x3d: {  	_ =	swait.ge @!p0 [sflag:s0], s1  }
0x3e: {  	s1 =	ssub.s32 @!p0 $0x0, s1;
	[sflag:s0] =	ssyncset.done @!p0 $0x0  }
0x3f: {  	[sflag:s0] =	ssyncadd.s32 @!p0 s1  }
0x40: {  	[bflag:$0x3] =	sbarrier.arrive $0xFFFF  }
0x41: {  	_ =	shalt  }

// kernel: kernel.20.cloned.1.call-start
scs
__scs_entry_jumppad:
0x0: {  	(pc) =	sbr.rel $0x88, $3  }
0x1: {  	(tag) =	ssettag $0x0;
	lr =	simm.s32 $0x1  }
0x2: {  	[smem:$0x3F80] =	sst lr;
	_ =	strace $0xD0000000  }
0x3: {  	_ = 	snop  }
0x4: {  	_ = 	snop  }
0x5: {  	_ = 	snop  }
0x6: {  	_ = 	snop  }
0x7: {  	_ = 	snop  }
__scs_overlays_trampoline_lowered:
0x8: {  	[smem:$0x3F8F] =	sst s0  }
0x9: {  	[smem:$0x3F90] =	sst s1  }
0xa: {  	[smem:$0x3F91] =	sst s2  }
0xb: {  	[smem:$0x3F92] =	sst s3  }
0xc: {  	[smem:$0x3F93] =	sst s4  }
0xd: {  	[smem:$0x3F94] =	sst s5  }
0xe: {  	[smem:$0x3F95] =	sst s6  }
0xf: {  	[smem:$0x3F96] =	sst s7  }
0x10: {  	[smem:$0x3F97] =	sst s8  }
0x11: {  	[smem:$0x3F98] =	sst s9;
	s0 =	simm.s32 @!p0 $0x0  }
0x12: {  	s1 =	sld [smem:$0x3F7E];
	s0 =	simm.s32 @p0 $0x1  }
0x13: {  	[smem:$0x3F99] =	sst s0;
	s0 =	simm.s32 @!p1 $0x0  }
0x14: {  	s2 =	sld [smem:$0x3F7D];
	s0 =	simm.s32 @p1 $0x1  }
0x15: {  	[smem:$0x3F9A] =	sst s0;
	s0 =	simm.s32 @!p2 $0x0  }
0x16: {  	s3 =	sld [smem:$0x3FDB];
	s0 =	simm.s32 @p2 $0x1  }
0x17: {  	s4 =	simm.s32 $0x1BF5;
	[smem:$0x3F9C] =	sst s0  }
0x18: {  	s0 =	sld [smem:$0x3F7F];
	_ =	swait.ge [sflag:s4], $0x0  }
0x19: {  	s7 =	sld [smem:$0x3F80]  }
0x1a: {  	s8 =	sadd.s32 $0xFFFFE003, lr  }
0x1b: {  	s9 =	sadd.s32 $0xFFFFFEF7, lr;
	s5 =	simm.s32 $0xFFFFFFFF;
	p2 =	slt.u32 s8, $0xFFFFF086  }
0x1c: {  	p1 =	slt.u32 s9, $0xF7A;
	s5 =	simm.s32 @!p2 $0x0  }
0x1d: {  	s5 =	simm.s32 @p1 $0x1;
	p0 =	seq.s32 s7, s2  }
0x1e: {  	s7 =	smul.u32 @!p0 $0xF7A, s2;
	p2 =	seq.s32 @!p0 s5, $0x0  }
0x1f: {  	s9 =	smul.u32 $0xF7A, s1;
	s8 =	simm.s32 @!p0 $0x1BF5;
	p2 =	por !p2, p0  }
0x20: {  	[sflag:s8] =	ssyncset.s32 @!p0 $0xFFFFF086;
	s6 =	sadd.s32 @!p0 s3, s7;
	s7 =	simm.s32 @!p0 $0x108  }
0x21: {  	s3 =	sadd.s32 s3, s9;
	s6 =	sadd.s32 @!p0 $0x88, s6;
	s7 =	simm.s32 @p2 $0x1082  }
0x22: {  	[simem:s7], [sflag:s8] =	dma.local @!p0 [hbm:s6], $0xF7A  }
0x23: {  	s9 =	sor.u32 $0xD0000000, s2;
	s6 =	simm.s32 $0x108;
	_ =	swait.ge @!p0 [sflag:s8], $0x0  }
0x24: {  	s3 =	sadd.s32 $0x88, s3;
	s6 =	simm.s32 @!p1 $0x1082;
	[sflag:s4] =	ssyncset.s32 $0xFFFFF086  }
0x25: {  	[simem:s6], [sflag:s4] =	dma.local [hbm:s3], $0xF7A  }
0x26: {  	[smem:$0x3F80] =	sst s1;
	(tag) =	ssettag s2;
	_ =	strace s9  }
0x27: {  	s1 =	sld [smem:$0x3F90]  }
0x28: {  	s2 =	sld [smem:$0x3F91]  }
0x29: {  	s4 =	sld [smem:$0x3F93]  }
0x2a: {  	p0 =	seq.s32 s5, $0x0;
	s5 =	sld [smem:$0x3F94]  }
0x2b: {  	s6 =	sld [smem:$0x3F95]  }
0x2c: {  	s7 =	sld [smem:$0x3F96]  }
0x2d: {  	s3 =	simm.s32 $0x108;
	s8 =	sld [smem:$0x3F97]  }
0x2e: {  	s3 =	simm.s32 @!p0 $0x1082;
	s9 =	sld [smem:$0x3F98]  }
0x2f: {  	lr =	sadd.s32 s0, s3;
	s0 =	sld [smem:$0x3F8F]  }
0x30: {  	s3 =	sld [smem:$0x3F92]  }
0x31: {  	[smem:$0x3F9B] =	sst s10  }
0x32: {  	s10 =	sld [smem:$0x3F99];
	_ =	sdelay $0x3  }
0x33: {  	p0 =	seq.s32 s10, $0x1;
	s10 =	sld [smem:$0x3F9B];
	_ =	sdelay $0x3  }
0x34: {  	[smem:$0x3F9B] =	sst s10  }
0x35: {  	s10 =	sld [smem:$0x3F9A];
	_ =	sdelay $0x3  }
0x36: {  	p1 =	seq.s32 s10, $0x1;
	s10 =	sld [smem:$0x3F9B];
	_ =	sdelay $0x3  }
0x37: {  	[smem:$0x3F9B] =	sst s10  }
0x38: {  	s10 =	sld [smem:$0x3F9C]  }
0x39: {  	_ = 	snop;
	(pc) =	sbr.ind lr, $3  }
0x3a: {  	_ = 	snop  }
0x3b: {  	_ = 	snop  }
0x3c: {  	p2 =	seq.s32 s10, $0x1;
	s10 =	sld [smem:$0x3F9B]  }
0x3d: {  	_ =	shalt  }
0x3e: {  	_ =	shalt  }
0x3f: {  	_ =	shalt  }
0x40: {  	_ =	shalt  }
0x41: {  	_ =	shalt  }
0x42: {  	_ =	shalt  }
0x43: {  	_ =	shalt  }
0x44: {  	_ =	shalt  }
0x45: {  	_ =	shalt  }
0x46: {  	_ =	shalt  }
0x47: {  	_ =	shalt  }
0x48: {  	_ =	shalt  }
0x49: {  	_ =	shalt  }
0x4a: {  	_ =	shalt  }
0x4b: {  	_ =	shalt  }
0x4c: {  	_ =	shalt  }
0x4d: {  	_ =	shalt  }
0x4e: {  	_ =	shalt  }
0x4f: {  	_ =	shalt  }
0x50: {  	_ =	shalt  }
0x51: {  	_ =	shalt  }
0x52: {  	_ =	shalt  }
0x53: {  	_ =	shalt  }
0x54: {  	_ =	shalt  }
0x55: {  	_ =	shalt  }
0x56: {  	_ =	shalt  }
0x57: {  	_ =	shalt  }
0x58: {  	_ =	shalt  }
0x59: {  	_ =	shalt  }
0x5a: {  	_ =	shalt  }
0x5b: {  	_ =	shalt  }
0x5c: {  	_ =	shalt  }
0x5d: {  	_ =	shalt  }
0x5e: {  	_ =	shalt  }
0x5f: {  	_ =	shalt  }
0x60: {  	_ =	shalt  }
0x61: {  	_ =	shalt  }
0x62: {  	_ =	shalt  }
0x63: {  	_ =	shalt  }
0x64: {  	_ =	shalt  }
0x65: {  	_ =	shalt  }
0x66: {  	_ =	shalt  }
0x67: {  	_ =	shalt  }
0x68: {  	_ =	shalt  }
0x69: {  	_ =	shalt  }
0x6a: {  	_ =	shalt  }
0x6b: {  	_ =	shalt  }
0x6c: {  	_ =	shalt  }
0x6d: {  	_ =	shalt  }
0x6e: {  	_ =	shalt  }
0x6f: {  	_ =	shalt  }
0x70: {  	_ =	shalt  }
0x71: {  	_ =	shalt  }
0x72: {  	_ =	shalt  }
0x73: {  	_ =	shalt  }
0x74: {  	_ =	shalt  }
0x75: {  	_ =	shalt  }
0x76: {  	_ =	shalt  }
0x77: {  	_ =	shalt  }
0x78: {  	_ =	shalt  }
0x79: {  	_ =	shalt  }
0x7a: {  	_ =	shalt  }
0x7b: {  	_ =	shalt  }
0x7c: {  	_ =	shalt  }
0x7d: {  	_ =	shalt  }
0x7e: {  	_ =	shalt  }
0x7f: {  	_ =	shalt  }
0x80: {  	_ =	shalt  }
0x81: {  	_ =	shalt  }
0x82: {  	_ =	shalt  }
0x83: {  	_ =	shalt  }
0x84: {  	_ =	shalt  }
0x85: {  	_ =	shalt  }
0x86: {  	_ =	shalt  }
0x87: {  	_ =	shalt  }
.Lfunc_end0:
.L_simem_size_0:
called_computation.3_lowered:
.L_overlay_start_0:
0x88: {  	s2 =	sld [smem:$0x3FD9]  }
0x89: {  	s3 =	sld [smem:$0x3FFE];
	_ =	sdelay $0x1  }
0x8a: {  	s1 =	srdreg.scid  }
0x8b: {  	s0 =	sand.u32 $0x1, s1  }
0x8c: {  	s16 =	sshll.u32 s0, $0xA;
	s2 =	sadd.s32 s3, s2  }
0x8d: {  	s2 =	sadd.s32 s2, s16  }
0x8e: {  	[smem:$0x3FA7] =	sst s2  }
0x8f: {  	_ = 	snop  }
0x90: {  	(tm) =	ssettm $0x1  }
0x91: {  	s17 =	sld [smem:$0x3FFB];
	_ =	sdelay $0x3  }
0x92: {  	_ =	strace s17  }
0x93: {  	s2 =	sld [smem:$0x3FFC];
	_ =	sdelay $0x3  }
0x94: {  	_ =	strace s2  }
0x95: {  	s2 =	sld [smem:$0x3FFD];
	_ =	sdelay $0x3  }
0x96: {  	_ =	strace s2  }
0x97: {  	_ =	strace $0x8FFFFFFF  }
0x98: {  	s18 =	sld [smem:$0x3FDB];
	_ =	sdelay $0x1  }
0x99: {  	s19 =	simm.s32 $_scs_section_size  }
0x9a: {  	s4 =	simm.s32 $_size__tile_overlayer_lowered;
	s5 =	simm.s32 $_tile_overlayer_lowered  }
0x9b: {  	s22 =	simm.s32 $0x1BFF;
	s21 =	sshll.u32 s5, $0x1;
	s2 =	sadd.s32 s19, s18  }
0x9c: {  	s6 =	simm.s32 $0x0;
	s20 =	sshll.u32 s4, $0x1;
	s4 =	sadd.s32 s21, s2  }
0x9d: {  	[timem:s6], [sflag:s22] =	dma.local [hbm:s4], s20  }
0x9e: {  	_ =	swait.ge [sflag:s22], s20  }
0x9f: {  	s3 =	ssub.s32 $0x0, s20;
	[sflag:s22] =	ssyncset.done $0x0  }
0xa0: {  	[sflag:s22] =	ssyncadd.s32 s3;
	_ =	sdelay $0x1  }
0xa1: {  	s23 =	simm.s32 $0x1B8B  }
0xa2: {  	_ =	swait.ge [sflag:s23], $0x1  }
0xa3: {  	[sflag:s23] =	ssyncset.done $0x0  }
0xa4: {  	s25 =	simm.s32 $0x1B8E;
	s24 =	sld [smem:$0x3FFE];
	[sflag:s23] =	ssyncadd.s32 $0xFFFFFFFF  }
0xa5: {  	s26 =	simm.s32 $execute0_lowered;
	[smem:$0x3FD2] =	sst s25  }
0xa6: {  	s4 =	sshll.u32 s26, $0x1;
	_ =	strace $0x8000004F;
	[dreg:$0x1] =	wrdreg $0xFFFFFFFF  }
0xa7: {  	s28 =	simm.s32 $_size_execute0_lowered;
	s2 =	sadd.s32 s2, s4;
	[dreg:$0x0] =	wrdreg $0x0  }
0xa8: {  	s4 =	sshll.u32 s28, $0x1;
	[dreg:$0x2] =	wrdreg s2  }
0xa9: {  	[dreg:$0x3] =	wrdreg s4  }
0xaa: {  	[dreg:$0x4] =	wrdreg $0xC0  }
0xab: {  	_ =	task [dreg:s6], $0x5FFFF  }
0xac: {  	[dreg:$0x1] =	wrdreg $0xFFFFFFFF  }
0xad: {  	[dreg:$0x0] =	wrdreg $0x60  }
0xae: {  	[dreg:$0x2] =	wrdreg s24  }
0xaf: {  	[dreg:$0x3] =	wrdreg $0x9  }
0xb0: {  	_ =	task.clear_ibuf [dreg:s6], $0x4FFFF;
	_ =	strace $0x9000004F  }
0xb1: {  	s29 =	simm.s32 $0x9;
	_ =	strace $0x80000051  }
0xb2: {  	_ =	swait.ge [sflag:s29], $0x1  }
0xb3: {  	[sflag:s29] =	ssyncadd.s32 $0xFFFFFFFF  }
0xb4: {  	_ =	strace $0x90000051  }
0xb5: {  	_ =	sfence  }
0xb6: {  	s30 =	sld [smem:$0x0];
	_ =	sdelay $0x2  }
0xb7: {  	s31 =	sshll.u32 s1, $0xD;
	s1 =	sshrl.u32 s1, $0x2  }
0xb8: {  	s3 =	sand.u32 $0x4000, s31;
	s1 =	sadd.s32 s1, s30  }
0xb9: {  	s0 =	sor.u32 s3, s0;
	s1 =	sshll.u32 s1, $0x11  }
0xba: {  	s0 =	sor.u32 s1, s0  }
0xbb: {  	s0 =	sadd.s32 $0x8F2B, s0  }
0xbc: {  	[sflag:s0] =	ssyncadd.remote.s32 $0x1  }
0xbd: {  	_ =	sfence.sel $0xFFFF  }
0xbe: {  	[dreg:$0x0] =	wrdreg $0xFFFFFFFF;
	(pc) =	sbr.abs _section_cstart, $3  }
0xbf: {  	[dreg:$0x1] =	wrdreg $0xFFFFFFFF  }
0xc0: {  	_ =	task.clear_ibuf [dreg:s6], $0x2FFFF;
	_ =	strace $0x9FFFFFFF  }
0xc1: {  	(tm) =	ssettm $0x7FFFFFFF  }
tec
execute0_lowered:
.L_overlay_start_1:
0x0: {  	(tag) =	ssettag $0x1  }
0x1: {  	s4 =	rddreg [dreg:$0x0]  }
0x2: {  	s0 =	rddreg [dreg:$0x1]  }
0x3: {  	s3 =	srdreg.scid;
	s1 =	stileid.u32;
	s2 =	simm.s32 $0x0  }
0x4: {  	s10 =	simm.s32 $0x1;
	s11 =	simm.s32 $0x0;
	s6 =	smul.u32 $0x4E20, s1  }
0x5: {  	s5 =	sand.u32 $0x1, s3;
	[smem:$0x7FF] =	sst s2;
	s8 =	smul.u32 $0x4E200, s1  }
0x6: {  	s3 =	sadd.s32 $0x7A200, s4;
	s7 =	smul.u32 $0x2710, s5;
	s9 =	ssub.s32 $0x2, s5  }
0x7: {  	_ =	strace $0x80000050;
	s5 =	smul.u32 $0x27100, s5;
	s31 =	sshrl.u32 s9, $0x1  }
0x8: {  	s30 =	sadd.s32 s8, s4;
	s6 =	sadd.s32 s7, s6;
	s8 =	ssub.s32 s9, s31  }
0x9: {  	s5 =	sadd.s32 s5, s30;
	s7 =	simm.s32 $0x2;
	s6 =	sshrl.u32 s6, $0x3  }
0xa: {  	s9 =	simm.s32 $0x80;
	s5 =	sadd.s32 $0xE3E00, s5;
	s6 =	sadd.s32 s6, s4  }
0xb: {  	s4 =	smax.u32 s8, $0x1;
	s8 =	simm.s32 $0x50;
	s6 =	sadd.s32 $0xDA000, s6  }
.LBB2_1:
0xc: {  	s12 =	sadd.s32 $0x0, s6  }
0xd: {  	[tilespmem:s2], [sflag:$0x2] =	stream.linear.gather [hbm4b:s12+s2], $0x50, $0x38;
	[tilespmem:$0x2880] =	vst v63  }
0xe: {  	_ =	swait.ge [sflag:s7], $0x50  }
0xf: {  	[sflag:s7] =	ssyncset.done $0x0  }
0x10: {  	[sflag:s7] =	ssyncadd.s32 $0xFFFFFFB0  }
0x11: {  	[tilespmem:s9], [sflag:$0x1] =	stream.indirect.gather [hbm4b:s3+s8], $0x80, s2, s8, $0xb8;
	[tilespmem:$0x2880] =	vst v63  }
0x12: {  	_ =	swait.ge [sflag:s10], $0x2800  }
0x13: {  	[sflag:s10] =	ssyncset.done $0x0  }
0x14: {  	[sflag:s10] =	ssyncadd.s32 $0xFFFFD800  }
0x15: {  	[hbm4b:s5+s2] =	stream.linear.scatter [tilespmem:s9], [sflag:$0x2], $0x2800, $0x38;
	[tilespmem:$0x2880] =	vst v63  }
0x16: {  	s13 =	simm.s32 $0xA;
	_ =	swait.ge [sflag:s7], $0x2800  }
0x17: {  	s14 =	simm.s32 $0x14;
	s12 =	sadd.s32 $0x500, s5;
	[sflag:s7] =	ssyncset.done $0x0  }
.LBB2_2:
0x18: {  	s15 =	sadd.s32 s13, s6  }
0x19: {  	[sflag:s7] =	ssyncadd.s32 $0xFFFFD800;
	s13 =	smov.u32 s14;
	s16 =	sadd.s32 $0xA, s14  }
0x1a: {  	[tilespmem:s2], [sflag:$0x2] =	stream.linear.gather [hbm4b:s15+s2], $0x50, $0x38;
	[tilespmem:$0x2880] =	vst v63  }
0x1b: {  	p0 =	sne.s32 s14, $0x4D8;
	_ =	swait.ge [sflag:s7], $0x50  }
0x1c: {  	[sflag:s7] =	ssyncset.done $0x0  }
0x1d: {  	[sflag:s7] =	ssyncadd.s32 $0xFFFFFFB0  }
0x1e: {  	[tilespmem:s9], [sflag:$0x1] =	stream.indirect.gather [hbm4b:s3+s8], $0x80, s2, s8, $0xb8;
	[tilespmem:$0x2880] =	vst v63  }
0x1f: {  	_ =	swait.ge [sflag:s10], $0x2800  }
.Ltmp0:
0x20: {  	[sflag:s10] =	ssyncset.done $0x0;
	(pc) =	sbr.rel @p0 .LBB2_2-.Ltmp0, $4  }
0x21: {  	[sflag:s10] =	ssyncadd.s32 $0xFFFFD800  }
0x22: {  	[hbm4b:s12+s2] =	stream.linear.scatter [tilespmem:s9], [sflag:$0x2], $0x2800, $0x38;
	[tilespmem:$0x2880] =	vst v63  }
0x23: {  	_ =	swait.ge [sflag:s7], $0x2800  }
0x24: {  	s14 =	smov.u32 s16;
	s12 =	sadd.s32 $0x500, s12;
	[sflag:s7] =	ssyncset.done $0x0  }
0x25: {  	s13 =	sadd.s32 s13, s6;
	[sflag:s7] =	ssyncadd.s32 $0xFFFFD800  }
0x26: {  	[tilespmem:s2], [sflag:$0x2] =	stream.linear.gather [hbm4b:s13+s2], $0x50, $0x38;
	[tilespmem:$0x2880] =	vst v63  }
0x27: {  	_ =	swait.ge [sflag:s7], $0x50  }
0x28: {  	[sflag:s7] =	ssyncset.done $0x0  }
0x29: {  	[sflag:s7] =	ssyncadd.s32 $0xFFFFFFB0  }
0x2a: {  	[tilespmem:s9], [sflag:$0x1] =	stream.indirect.gather [hbm4b:s3+s8], $0x80, s2, s8, $0xb8;
	[tilespmem:$0x2880] =	vst v63  }
0x2b: {  	s11 =	sadd.s32 $0x1, s11;
	_ =	swait.ge [sflag:s10], $0x2800  }
0x2c: {  	p0 =	sne.s32 s11, s4;
	[sflag:s10] =	ssyncset.done $0x0  }
.Ltmp1:
0x2d: {  	[sflag:s10] =	ssyncadd.s32 $0xFFFFD800;
	(pc) =	sbr.rel @p0 .LBB2_1-.Ltmp1, $4  }
0x2e: {  	[hbm4b:s12+s2] =	stream.linear.scatter [tilespmem:s9], [sflag:$0x2], $0x2800, $0x38;
	[tilespmem:$0x2880] =	vst v63  }
0x2f: {  	_ =	swait.ge [sflag:s7], $0x2800  }
0x30: {  	[sflag:s7] =	ssyncset.done $0x0  }
0x31: {  	[sflag:s7] =	ssyncadd.s32 $0xFFFFD800  }
0x32: {  	_ =	sfence.sel $0x180000  }
0x33: {  	[bflag:$0x0] =	sbarrier.arrive $0xFFFF  }
0x34: {  	p0 =	sne.s32 s1, $0x0;
	_ =	strace $0x90000050  }
0x35: {  	s0 =	sadd.s32 @!p0 $0x100000, s0;
	[bflag:$0x2] =	sbarrier.arrive $0xFFFF  }
0x36: {  	[sflag:s0] =	ssyncadd.tile.s32 @!p0 $0x1;
	_ =	shalt  }
.Lfunc_end2:
_tile_overlayer_lowered:
.L_overlay_start_2:
0x37: {  	(tag) =	ssettag $0x2  }
0x38: {  	s0 =	rddreg [dreg:$0x0];
	s2 =	stileid.u32  }
0x39: {  	s1 =	rddreg [dreg:$0x1];
	p0 =	sne.s32 s2, $0x0  }
0x3a: {  	s3 =	rddreg [dreg:$0x2];
	[bflag:$0x3] =	sbarrier.arrive $0xFFFF;
	s2 =	simm.s32 @!p0 $0x1C02  }
0x3b: {  	[timem:s3], [sflag:s2] =	dma.local @!p0 [hbm:s0], s1  }
0x3c: {  	s0 =	simm.s32 @!p0 $0x2  }
0x3d: {  	_ =	swait.ge @!p0 [sflag:s0], s1  }
0x3e: {  	s1 =	ssub.s32 @!p0 $0x0, s1;
	[sflag:s0] =	ssyncset.done @!p0 $0x0  }
0x3f: {  	[sflag:s0] =	ssyncadd.s32 @!p0 s1  }
0x40: {  	[bflag:$0x3] =	sbarrier.arrive $0xFFFF  }
0x41: {  	_ =	shalt  }

</sc_bundles>
